<compile_context>
chip_gen: v7x
topology: tpu7x:2x2x1
jax: 0.10.2.dev20260603
libtpu: 0.0.44.dev20260713+nightly
codegen_flags: <defaults>
</compile_context>

<pallas_src>
import functools

import jax
import jax.numpy as jnp
from jax import lax
from jax.experimental import pallas as pl
from jax.experimental.pallas import tpu as pltpu
from jax.experimental.pallas import tpu_sc as plsc

N = 10000
E = 320000
D = 128
H = 32
G = 64

NCORES = 2
NSUB = 16
NW = NCORES * NSUB
CH = 128
NCHG = E // CH
NCHW = NCHG // NW
NEXTRA = NCHG - NCHW * NW
NPAD = 10240
RPT = NPAD // NSUB
DEGW = 16


def _deg_body(edge_hbm, out_hbm, dst_v, ones_v, zero_v, deg_sh, sem):
    cid = lax.axis_index("c")
    sid = lax.axis_index("s")
    wid = sid * NCORES + cid
    pltpu.sync_copy(edge_hbm.at[1, pl.ds(wid * NCHW, NCHW)],
                    dst_v.at[pl.ds(0, NCHW)])

    @pl.when(wid < NEXTRA)
    def _load_extra():
        pltpu.sync_copy(edge_hbm.at[1, NCHW * NW + wid], dst_v.at[NCHW])

    def _fill(r, carry):
        ones_v[r, :] = jnp.ones((DEGW,), jnp.float32)
        zero_v[r, :] = jnp.zeros((DEGW,), jnp.float32)
        return carry

    lax.fori_loop(0, CH, _fill, 0)
    for q in range(RPT // CH):
        pltpu.sync_copy(zero_v, deg_sh.at[pl.ds(sid * RPT + q * CH, CH)])
    plsc.subcore_barrier()

    def _scat(k, carry):
        for b in range(6):
            pltpu.async_copy(ones_v, deg_sh.at[dst_v.at[6 * k + b]], sem,
                             add=True)
        for b in range(6):
            pltpu.make_async_copy(ones_v, deg_sh.at[dst_v.at[6 * k + b]],
                                  sem).wait()
        return carry

    lax.fori_loop(0, NCHW // 6, _scat, 0)

    @pl.when(wid < NEXTRA)
    def _scat_extra():
        pltpu.sync_copy(ones_v, deg_sh.at[dst_v.at[NCHW]], add=True)

    plsc.subcore_barrier()
    pltpu.sync_copy(deg_sh.at[pl.ds(sid * RPT, RPT)],
                    out_hbm.at[pl.ds(cid * NPAD + sid * RPT, RPT)])


def _msg_body(h_hbm, edge_hbm, out_hbm,
              src_v, dst_v, buf0, buf1, h_sh, acc_sh, sem0, sem1):
    cid = lax.axis_index("c")
    sid = lax.axis_index("s")
    wid = sid * NCORES + cid
    pltpu.sync_copy(edge_hbm.at[0, pl.ds(wid * NCHW, NCHW)],
                    src_v.at[pl.ds(0, NCHW)])
    pltpu.sync_copy(edge_hbm.at[1, pl.ds(wid * NCHW, NCHW)],
                    dst_v.at[pl.ds(0, NCHW)])

    @pl.when(wid < NEXTRA)
    def _load_extra():
        pltpu.sync_copy(edge_hbm.at[0, NCHW * NW + wid], src_v.at[NCHW])
        pltpu.sync_copy(edge_hbm.at[1, NCHW * NW + wid], dst_v.at[NCHW])

    def _zfill(r, carry):
        buf0[r, pl.ds(0, 16)] = jnp.zeros((16,), jnp.float32)
        buf0[r, pl.ds(16, 16)] = jnp.zeros((16,), jnp.float32)
        return carry

    lax.fori_loop(0, CH, _zfill, 0)
    sl = pl.ds(sid * RPT, RPT)
    for q in range(RPT // CH):
        pltpu.sync_copy(buf0, acc_sh.at[pl.ds(sid * RPT + q * CH, CH)])
    pltpu.sync_copy(h_hbm.at[sl], h_sh.at[sl])
    plsc.subcore_barrier()
    pltpu.async_copy(h_sh.at[src_v.at[0]], buf0, sem0)

    def _pair(k, carry):
        j = 2 * k
        pltpu.make_async_copy(h_sh.at[src_v.at[j]], buf0, sem0).wait()
        pltpu.async_copy(h_sh.at[src_v.at[j + 1]], buf1, sem1)
        pltpu.sync_copy(buf0, acc_sh.at[dst_v.at[j]], add=True)
        pltpu.make_async_copy(h_sh.at[src_v.at[j + 1]], buf1, sem1).wait()

        @pl.when(k < NCHW // 2 - 1)
        def _prefetch():
            pltpu.async_copy(h_sh.at[src_v.at[j + 2]], buf0, sem0)

        pltpu.sync_copy(buf1, acc_sh.at[dst_v.at[j + 1]], add=True)
        return carry

    lax.fori_loop(0, NCHW // 2, _pair, 0)

    @pl.when(wid < NEXTRA)
    def _extra():
        pltpu.async_copy(h_sh.at[src_v.at[NCHW]], buf0, sem0).wait()
        pltpu.sync_copy(buf0, acc_sh.at[dst_v.at[NCHW]], add=True)

    plsc.subcore_barrier()
    pltpu.sync_copy(acc_sh.at[sl],
                    out_hbm.at[pl.ds(cid * NPAD + sid * RPT, RPT)])


@functools.cache
def _build_sc_kernels():
    mesh = plsc.VectorSubcoreMesh(core_axis_name="c", subcore_axis_name="s",
                                  num_cores=NCORES, num_subcores=NSUB)
    params = pltpu.CompilerParams(use_tc_tiling_on_sc=False)
    deg_kernel = pl.kernel(
        _deg_body,
        out_type=jax.ShapeDtypeStruct((NCORES * NPAD, DEGW), jnp.float32),
        mesh=mesh,
        compiler_params=params,
        scratch_types=[
            pltpu.VMEM((NCHW + 1, CH), jnp.int32),
            pltpu.VMEM((CH, DEGW), jnp.float32),
            pltpu.VMEM((CH, DEGW), jnp.float32),
            pltpu.VMEM_SHARED((NPAD, DEGW), jnp.float32),
            pltpu.SemaphoreType.DMA,
        ],
    )
    msg_kernel = pl.kernel(
        _msg_body,
        out_type=jax.ShapeDtypeStruct((NCORES * NPAD, H), jnp.float32),
        mesh=mesh,
        compiler_params=params,
        scratch_types=[
            pltpu.VMEM((NCHW + 1, CH), jnp.int32),
            pltpu.VMEM((NCHW + 1, CH), jnp.int32),
            pltpu.VMEM((CH, H), jnp.float32),
            pltpu.VMEM((CH, H), jnp.float32),
            pltpu.VMEM_SHARED((NPAD, H), jnp.float32),
            pltpu.VMEM_SHARED((NPAD, H), jnp.float32),
            pltpu.SemaphoreType.DMA,
            pltpu.SemaphoreType.DMA,
        ],
    )
    return deg_kernel, msg_kernel


def _prep_body(x_ref, w1_ref, degp_ref, h1p_ref, dinv_ref):
    deg = jnp.sum(degp_ref[0] + degp_ref[1], axis=1, keepdims=True) * (1.0 / DEGW)
    dinv = lax.rsqrt(deg + 1.0)
    t1 = jnp.dot(x_ref[...], w1_ref[...], preferred_element_type=jnp.float32)
    h1p_ref[pl.ds(0, N), :] = t1 * dinv[:N]
    h1p_ref[pl.ds(N, NPAD - N), :] = jnp.zeros((NPAD - N, H), jnp.float32)
    dinv_ref[...] = dinv


_prep_call = pl.pallas_call(
    _prep_body,
    out_shape=(jax.ShapeDtypeStruct((NPAD, H), jnp.float32),
               jax.ShapeDtypeStruct((NPAD, 1), jnp.float32)),
)


def _mid_body(accp_ref, hp_ref, dinv_ref, w2_ref, b1_ref, out_ref):
    a = (accp_ref[0] + accp_ref[1] + hp_ref[...]) * dinv_ref[...] + b1_ref[...]
    h = jnp.maximum(a, 0.0)
    out_ref[...] = jnp.dot(h, w2_ref[...],
                           preferred_element_type=jnp.float32) * dinv_ref[...]


_mid_call = pl.pallas_call(
    _mid_body,
    out_shape=jax.ShapeDtypeStruct((NPAD, H), jnp.float32),
)


def _fin_body(accp_ref, hp_ref, dinv_ref, b2_ref, wfc_ref, bfc_ref, batch_ref,
              out_ref):
    sn = pl.ds(0, N)
    a = ((accp_ref[0, sn] + accp_ref[1, sn] + hp_ref[sn, :])
         * dinv_ref[sn, :] + b2_ref[...])
    h = jnp.maximum(a, 0.0)
    p = jnp.dot(h, wfc_ref[...], preferred_element_type=jnp.float32)
    oh = (batch_ref[...] == lax.broadcasted_iota(jnp.int32, (N, G), 1))
    ohf = oh.astype(jnp.float32)
    hp2 = jnp.concatenate([p, jnp.ones((N, 1), jnp.float32)], axis=1)
    sc2 = lax.dot_general(ohf, hp2, (((0,), (0,)), ((), ())),
                          preferred_element_type=jnp.float32)
    out_ref[...] = sc2[:, 0] / jnp.maximum(sc2[:, 1], 1.0) + bfc_ref[...]


_fin_call = pl.pallas_call(
    _fin_body,
    out_shape=jax.ShapeDtypeStruct((G,), jnp.float32),
)


def kernel(x, edge_index, batch, W1, b1, W2, b2, Wfc, bfc):
    edge3 = edge_index.reshape(2, NCHG, CH)
    batch2 = batch.reshape(N, 1)

    deg_kernel, msg_kernel = _build_sc_kernels()
    degp = deg_kernel(edge3).reshape(NCORES, NPAD, DEGW)
    h1p, dinv = _prep_call(x, W1, degp)
    acc1 = msg_kernel(h1p, edge3).reshape(NCORES, NPAD, H)
    h2p = _mid_call(acc1, h1p, dinv, W2, b1)
    acc2 = msg_kernel(h2p, edge3).reshape(NCORES, NPAD, H)
    return _fin_call(acc2, h2p, dinv, b2, Wfc, bfc, batch2)

# --- scband reference (transcript-rebuilt; emitter-appended) ---
"""Pipeline reference for scband-drug-gcn-19636590477488 (READ-ONLY COPY).

The authoritative reference and input builder live on the scoring server;
editing this copy changes nothing except your own understanding.
"""

import jax, jax.numpy as jnp
import numpy as np

N = 10000
E = 320000
D = 128
H = 32
G = 64


def gcn_conv(x, src, dst, W, b, num_nodes):
    # PyG GCNConv: linear transform, add self-loops, sym-normalized scatter-add
    h = x @ W
    loop = jnp.arange(num_nodes, dtype=src.dtype)
    s = jnp.concatenate([src, loop])
    d = jnp.concatenate([dst, loop])
    deg = jnp.zeros((num_nodes,), dtype=h.dtype).at[d].add(1.0)
    dinv = jnp.where(deg > 0, deg ** -0.5, 0.0)
    norm = dinv[s] * dinv[d]
    msg = h[s] * norm[:, None]
    out = jnp.zeros((num_nodes, W.shape[1]), dtype=h.dtype).at[d].add(msg)
    return out + b


def setup_inputs(seed: int = 0):
    key = jax.random.key(seed)
    ks = jax.random.split(key, 10)
    x = jax.random.normal(ks[0], (N, D), dtype=jnp.float32)
    edge_index = jax.random.randint(ks[1], (2, E), 0, N, dtype=jnp.int32)
    batch = jnp.sort(jax.random.randint(ks[2], (N,), 0, G, dtype=jnp.int32))
    W1 = jax.random.normal(ks[3], (D, H), dtype=jnp.float32) * (1.0 / np.sqrt(D))
    b1 = jnp.zeros((H,), dtype=jnp.float32)
    W2 = jax.random.normal(ks[4], (H, H), dtype=jnp.float32) * (1.0 / np.sqrt(H))
    b2 = jnp.zeros((H,), dtype=jnp.float32)
    Wfc = jax.random.normal(ks[5], (H, 1), dtype=jnp.float32) * (1.0 / np.sqrt(H))
    bfc = jnp.zeros((1,), dtype=jnp.float32)
    return {"x": x, "edge_index": edge_index, "batch": batch,
            "W1": W1, "b1": b1, "W2": W2, "b2": b2, "Wfc": Wfc, "bfc": bfc}


def reference(x, edge_index, batch, W1, b1, W2, b2, Wfc, bfc):
    src, dst = edge_index[0], edge_index[1]
    h = jax.nn.relu(gcn_conv(x, src, dst, W1, b1, N))
    h = jax.nn.relu(gcn_conv(h, src, dst, W2, b2, N))
    # global_mean_pool over graph ids
    sums = jax.ops.segment_sum(h, batch, num_segments=G)
    counts = jax.ops.segment_sum(jnp.ones((N,), dtype=h.dtype), batch, num_segments=G)
    pooled = sums / jnp.maximum(counts, 1.0)[:, None]
    out = pooled @ Wfc + bfc
    return out.squeeze(-1)

if __name__ == "__main__":
    import jax
    _d = setup_inputs()
    print(jax.jit(kernel)(*tuple(_d.values())))

</pallas_src>

<mosaic_0001>
#map = affine_map<(d0, d1) -> (0, 0, 0)>
#map1 = affine_map<(d0, d1) -> (0, 0)>
module attributes {stable_mosaic.version = 14 : i64} {
  func.func @_deg_body(%arg0: i32, %arg1: i32, %arg2: memref<2x2500x128xi32, #tpu.memory_space<hbm>>, %arg3: memref<20480x16xf32, #tpu.memory_space<hbm>>, %arg4: memref<79x128xi32, #tpu.memory_space<vmem>>, %arg5: memref<128x16xf32, #tpu.memory_space<vmem>>, %arg6: memref<128x16xf32, #tpu.memory_space<vmem>>, %arg7: memref<10240x16xf32, #tpu.memory_space<vmem_shared>>, %arg8: memref<!tpu.dma_semaphore, #tpu.memory_space<semaphore_mem>>) attributes {dimension_semantics = [#tpu.dimension_semantics<core_parallel>, #tpu.dimension_semantics<subcore_parallel>], iteration_bounds = array<i64: 2, 16>, scalar_prefetch = 0 : i64, scratch_operands = 5 : i64, tpu.core_type = #tpu.core_type<sc_vector_subcore>, window_params = [{transform_indices = #map}, {transform_indices = #map1}]} {
    %mul3A = arith.constant 2 : i32
    %mul3A_0 = arith.muli %arg1, %mul3A : i32
    %add3A = arith.addi %mul3A_0, %arg0 : i32
    %mul3A_1 = arith.constant 78 : i32
    %mul3A_2 = arith.muli %add3A, %mul3A_1 : i32
    %run_scoped3A = arith.constant 1 : i32
    "tpu.region"() ({
      %run_scoped3A_49 = tpu.sem_alloc : memref<!tpu.dma_semaphore, #tpu.memory_space<semaphore_mem>>
      %dma_start3A = arith.constant 0 : i32
      %dma_start3A_50 = arith.constant 0 : i32
      %dma_start3A_51 = tpu.memref_slice %arg4[%dma_start3A, %dma_start3A_50] : memref<79x128xi32, #tpu.memory_space<vmem>> -> memref<78x128xi32, #tpu.memory_space<vmem>>
      %dma_start3A_52 = arith.constant 0 : i32
      %dma_start3A_53 = tpu.memref_slice %arg2[%run_scoped3A, %mul3A_2, %dma_start3A_52] : memref<2x2500x128xi32, #tpu.memory_space<hbm>> -> memref<1x78x128xi32, #tpu.memory_space<hbm>>
      %dma_start3A_54 = tpu.memref_squeeze %dma_start3A_53 : memref<1x78x128xi32, #tpu.memory_space<hbm>> -> memref<78x128xi32, #tpu.memory_space<hbm>>
      %dma_start3A_55 = arith.constant 0 : i32
      %dma_start3A_56 = arith.constant 0 : i32
      %dma_start3A_57 = tpu.memref_slice %arg4[%dma_start3A_55, %dma_start3A_56] : memref<79x128xi32, #tpu.memory_space<vmem>> -> memref<78x128xi32, #tpu.memory_space<vmem>>
      %dma_start3A_58 = arith.constant 0 : i32
      %dma_start3A_59 = tpu.memref_slice %arg2[%run_scoped3A, %mul3A_2, %dma_start3A_58] : memref<2x2500x128xi32, #tpu.memory_space<hbm>> -> memref<1x78x128xi32, #tpu.memory_space<hbm>>
      %dma_start3A_60 = tpu.memref_squeeze %dma_start3A_59 : memref<1x78x128xi32, #tpu.memory_space<hbm>> -> memref<78x128xi32, #tpu.memory_space<hbm>>
      tpu.enqueue_dma source(%dma_start3A_60 : memref<78x128xi32, #tpu.memory_space<hbm>>) target(%dma_start3A_57 : memref<78x128xi32, #tpu.memory_space<vmem>>) target_semaphore(%run_scoped3A_49 : memref<!tpu.dma_semaphore, #tpu.memory_space<semaphore_mem>>)
      %dma_wait3A = arith.constant 0 : i32
      %dma_wait3A_61 = arith.constant 0 : i32
      %dma_wait3A_62 = tpu.memref_slice %arg4[%dma_wait3A, %dma_wait3A_61] : memref<79x128xi32, #tpu.memory_space<vmem>> -> memref<78x128xi32, #tpu.memory_space<vmem>>
      %dma_wait3A_63 = arith.constant 0 : i32
      %dma_wait3A_64 = tpu.memref_slice %arg2[%run_scoped3A, %mul3A_2, %dma_wait3A_63] : memref<2x2500x128xi32, #tpu.memory_space<hbm>> -> memref<1x78x128xi32, #tpu.memory_space<hbm>>
      %dma_wait3A_65 = tpu.memref_squeeze %dma_wait3A_64 : memref<1x78x128xi32, #tpu.memory_space<hbm>> -> memref<78x128xi32, #tpu.memory_space<hbm>>
      %dma_wait3A_66 = arith.constant 0 : i32
      %dma_wait3A_67 = arith.constant 0 : i32
      %dma_wait3A_68 = tpu.memref_slice %arg4[%dma_wait3A_66, %dma_wait3A_67] : memref<79x128xi32, #tpu.memory_space<vmem>> -> memref<78x128xi32, #tpu.memory_space<vmem>>
      %dma_wait3A_69 = arith.constant 0 : i32
      %dma_wait3A_70 = tpu.memref_slice %arg2[%run_scoped3A, %mul3A_2, %dma_wait3A_69] : memref<2x2500x128xi32, #tpu.memory_space<hbm>> -> memref<1x78x128xi32, #tpu.memory_space<hbm>>
      %dma_wait3A_71 = tpu.memref_squeeze %dma_wait3A_70 : memref<1x78x128xi32, #tpu.memory_space<hbm>> -> memref<78x128xi32, #tpu.memory_space<hbm>>
      tpu.wait_dma2 semaphore(%run_scoped3A_49 : memref<!tpu.dma_semaphore, #tpu.memory_space<semaphore_mem>>) src(%dma_wait3A_71 : memref<78x128xi32, #tpu.memory_space<hbm>>) dst(%dma_wait3A_68 : memref<78x128xi32, #tpu.memory_space<vmem>>)
      tpu.yield
    }) : () -> ()
    %lt3A = arith.constant 4 : i32
    %lt3A_3 = arith.cmpi slt, %add3A, %lt3A : i32
    %convert_element_type3A = arith.extui %lt3A_3 : i1 to i32
    %cond3A = arith.constant 0 : i32
    %cond3A_4 = arith.cmpi ne, %convert_element_type3A, %cond3A : i32
    scf.if %cond3A_4 {
      %add3A_49 = arith.constant 2496 : i32
      %add3A_50 = arith.addi %add3A_49, %add3A : i32
      %run_scoped3A_51 = arith.constant 1 : i32
      %run_scoped3A_52 = arith.constant 78 : i32
      "tpu.region"() ({
        %run_scoped3A_53 = tpu.sem_alloc : memref<!tpu.dma_semaphore, #tpu.memory_space<semaphore_mem>>
        %dma_start3A = arith.constant 0 : i32
        %dma_start3A_54 = tpu.memref_slice %arg4[%run_scoped3A_52, %dma_start3A] : memref<79x128xi32, #tpu.memory_space<vmem>> -> memref<1x128xi32, #tpu.memory_space<vmem>>
        %dma_start3A_55 = tpu.memref_squeeze %dma_start3A_54 : memref<1x128xi32, #tpu.memory_space<vmem>> -> memref<128xi32, #tpu.memory_space<vmem>>
        %dma_start3A_56 = arith.constant 0 : i32
        %dma_start3A_57 = tpu.memref_slice %arg2[%run_scoped3A_51, %add3A_50, %dma_start3A_56] : memref<2x2500x128xi32, #tpu.memory_space<hbm>> -> memref<1x1x128xi32, #tpu.memory_space<hbm>>
        %dma_start3A_58 = tpu.memref_squeeze %dma_start3A_57 : memref<1x1x128xi32, #tpu.memory_space<hbm>> -> memref<128xi32, #tpu.memory_space<hbm>>
        %dma_start3A_59 = arith.constant 0 : i32
        %dma_start3A_60 = tpu.memref_slice %arg4[%run_scoped3A_52, %dma_start3A_59] : memref<79x128xi32, #tpu.memory_space<vmem>> -> memref<1x128xi32, #tpu.memory_space<vmem>>
        %dma_start3A_61 = tpu.memref_squeeze %dma_start3A_60 : memref<1x128xi32, #tpu.memory_space<vmem>> -> memref<128xi32, #tpu.memory_space<vmem>>
        %dma_start3A_62 = arith.constant 0 : i32
        %dma_start3A_63 = tpu.memref_slice %arg2[%run_scoped3A_51, %add3A_50, %dma_start3A_62] : memref<2x2500x128xi32, #tpu.memory_space<hbm>> -> memref<1x1x128xi32, #tpu.memory_space<hbm>>
        %dma_start3A_64 = tpu.memref_squeeze %dma_start3A_63 : memref<1x1x128xi32, #tpu.memory_space<hbm>> -> memref<128xi32, #tpu.memory_space<hbm>>
        tpu.enqueue_dma source(%dma_start3A_64 : memref<128xi32, #tpu.memory_space<hbm>>) target(%dma_start3A_61 : memref<128xi32, #tpu.memory_space<vmem>>) target_semaphore(%run_scoped3A_53 : memref<!tpu.dma_semaphore, #tpu.memory_space<semaphore_mem>>)
        %dma_wait3A = arith.constant 0 : i32
        %dma_wait3A_65 = tpu.memref_slice %arg4[%run_scoped3A_52, %dma_wait3A] : memref<79x128xi32, #tpu.memory_space<vmem>> -> memref<1x128xi32, #tpu.memory_space<vmem>>
        %dma_wait3A_66 = tpu.memref_squeeze %dma_wait3A_65 : memref<1x128xi32, #tpu.memory_space<vmem>> -> memref<128xi32, #tpu.memory_space<vmem>>
        %dma_wait3A_67 = arith.constant 0 : i32
        %dma_wait3A_68 = tpu.memref_slice %arg2[%run_scoped3A_51, %add3A_50, %dma_wait3A_67] : memref<2x2500x128xi32, #tpu.memory_space<hbm>> -> memref<1x1x128xi32, #tpu.memory_space<hbm>>
        %dma_wait3A_69 = tpu.memref_squeeze %dma_wait3A_68 : memref<1x1x128xi32, #tpu.memory_space<hbm>> -> memref<128xi32, #tpu.memory_space<hbm>>
        %dma_wait3A_70 = arith.constant 0 : i32
        %dma_wait3A_71 = tpu.memref_slice %arg4[%run_scoped3A_52, %dma_wait3A_70] : memref<79x128xi32, #tpu.memory_space<vmem>> -> memref<1x128xi32, #tpu.memory_space<vmem>>
        %dma_wait3A_72 = tpu.memref_squeeze %dma_wait3A_71 : memref<1x128xi32, #tpu.memory_space<vmem>> -> memref<128xi32, #tpu.memory_space<vmem>>
        %dma_wait3A_73 = arith.constant 0 : i32
        %dma_wait3A_74 = tpu.memref_slice %arg2[%run_scoped3A_51, %add3A_50, %dma_wait3A_73] : memref<2x2500x128xi32, #tpu.memory_space<hbm>> -> memref<1x1x128xi32, #tpu.memory_space<hbm>>
        %dma_wait3A_75 = tpu.memref_squeeze %dma_wait3A_74 : memref<1x1x128xi32, #tpu.memory_space<hbm>> -> memref<128xi32, #tpu.memory_space<hbm>>
        tpu.wait_dma2 semaphore(%run_scoped3A_53 : memref<!tpu.dma_semaphore, #tpu.memory_space<semaphore_mem>>) src(%dma_wait3A_75 : memref<128xi32, #tpu.memory_space<hbm>>) dst(%dma_wait3A_72 : memref<128xi32, #tpu.memory_space<vmem>>)
        tpu.yield
      }) : () -> ()
    } else {
    }
    %scan3A = arith.constant 0 : i32
    %scan3A_5 = arith.constant 0 : i32
    %scan3A_6 = arith.constant 128 : i32
    %scan3A_7 = arith.addi %scan3A_5, %scan3A_6 : i32
    %scan3A_8 = arith.constant 1 : i32
    scf.for %scan3A_49 = %scan3A_5 to %scan3A_7 step %scan3A_8  : i32 {
      %broadcast_in_dim3A = arith.constant 1.000000e+00 : f32
      %broadcast_in_dim3A_50 = vector.broadcast %broadcast_in_dim3A : f32 to vector<16xf32>
      %swap3A = arith.index_cast %scan3A_49 : i32 to index
      %swap3A_51 = arith.constant 0 : index
      %swap3A_52 = tpu.vector_load %arg5[%swap3A, %swap3A_51] {strides = array<i32>} : memref<128x16xf32, #tpu.memory_space<vmem>>, vector<1x16xf32>,
      %swap3A_53 = vector.shape_cast %swap3A_52 : vector<1x16xf32> to vector<16xf32>
      %swap3A_54 = vector.shape_cast %broadcast_in_dim3A_50 : vector<16xf32> to vector<1x16xf32>
      tpu.vector_store %arg5[%swap3A, %swap3A_51], %swap3A_54 {strides = array<i32>} : memref<128x16xf32, #tpu.memory_space<vmem>>, vector<1x16xf32>,
      %broadcast_in_dim3A_55 = arith.constant 0.000000e+00 : f32
      %broadcast_in_dim3A_56 = vector.broadcast %broadcast_in_dim3A_55 : f32 to vector<16xf32>
      %swap3A_57 = arith.index_cast %scan3A_49 : i32 to index
      %swap3A_58 = arith.constant 0 : index
      %swap3A_59 = tpu.vector_load %arg6[%swap3A_57, %swap3A_58] {strides = array<i32>} : memref<128x16xf32, #tpu.memory_space<vmem>>, vector<1x16xf32>,
      %swap3A_60 = vector.shape_cast %swap3A_59 : vector<1x16xf32> to vector<16xf32>
      %swap3A_61 = vector.shape_cast %broadcast_in_dim3A_56 : vector<16xf32> to vector<1x16xf32>
      tpu.vector_store %arg6[%swap3A_57, %swap3A_58], %swap3A_61 {strides = array<i32>} : memref<128x16xf32, #tpu.memory_space<vmem>>, vector<1x16xf32>,
    }
    %scan3A_9 = arith.constant 128 : i32
    %mul3A_10 = arith.constant 640 : i32
    %mul3A_11 = arith.muli %arg1, %mul3A_10 : i32
    %add3A_12 = arith.constant 0 : i32
    %add3A_13 = arith.addi %mul3A_11, %add3A_12 : i32
    "tpu.region"() ({
      %run_scoped3A_49 = tpu.sem_alloc : memref<!tpu.dma_semaphore, #tpu.memory_space<semaphore_mem>>
      %dma_start3A = arith.constant 0 : i32
      %dma_start3A_50 = tpu.memref_slice %arg7[%add3A_13, %dma_start3A] : memref<10240x16xf32, #tpu.memory_space<vmem_shared>> -> memref<128x16xf32, #tpu.memory_space<vmem_shared>>
      %dma_start3A_51 = arith.constant 0 : i32
      %dma_start3A_52 = tpu.memref_slice %arg7[%add3A_13, %dma_start3A_51] : memref<10240x16xf32, #tpu.memory_space<vmem_shared>> -> memref<128x16xf32, #tpu.memory_space<vmem_shared>>
      tpu.enqueue_dma source(%arg6 : memref<128x16xf32, #tpu.memory_space<vmem>>) target(%dma_start3A_52 : memref<128x16xf32, #tpu.memory_space<vmem_shared>>) target_semaphore(%run_scoped3A_49 : memref<!tpu.dma_semaphore, #tpu.memory_space<semaphore_mem>>)
      %dma_wait3A = arith.constant 0 : i32
      %dma_wait3A_53 = tpu.memref_slice %arg7[%add3A_13, %dma_wait3A] : memref<10240x16xf32, #tpu.memory_space<vmem_shared>> -> memref<128x16xf32, #tpu.memory_space<vmem_shared>>
      %dma_wait3A_54 = arith.constant 0 : i32
      %dma_wait3A_55 = tpu.memref_slice %arg7[%add3A_13, %dma_wait3A_54] : memref<10240x16xf32, #tpu.memory_space<vmem_shared>> -> memref<128x16xf32, #tpu.memory_space<vmem_shared>>
      tpu.wait_dma2 semaphore(%run_scoped3A_49 : memref<!tpu.dma_semaphore, #tpu.memory_space<semaphore_mem>>) src(%arg6 : memref<128x16xf32, #tpu.memory_space<vmem>>) dst(%dma_wait3A_55 : memref<128x16xf32, #tpu.memory_space<vmem_shared>>)
      tpu.yield
    }) : () -> ()
    %mul3A_14 = arith.constant 640 : i32
    %mul3A_15 = arith.muli %arg1, %mul3A_14 : i32
    %add3A_16 = arith.constant 128 : i32
    %add3A_17 = arith.addi %mul3A_15, %add3A_16 : i32
    "tpu.region"() ({
      %run_scoped3A_49 = tpu.sem_alloc : memref<!tpu.dma_semaphore, #tpu.memory_space<semaphore_mem>>
      %dma_start3A = arith.constant 0 : i32
      %dma_start3A_50 = tpu.memref_slice %arg7[%add3A_17, %dma_start3A] : memref<10240x16xf32, #tpu.memory_space<vmem_shared>> -> memref<128x16xf32, #tpu.memory_space<vmem_shared>>
      %dma_start3A_51 = arith.constant 0 : i32
      %dma_start3A_52 = tpu.memref_slice %arg7[%add3A_17, %dma_start3A_51] : memref<10240x16xf32, #tpu.memory_space<vmem_shared>> -> memref<128x16xf32, #tpu.memory_space<vmem_shared>>
      tpu.enqueue_dma source(%arg6 : memref<128x16xf32, #tpu.memory_space<vmem>>) target(%dma_start3A_52 : memref<128x16xf32, #tpu.memory_space<vmem_shared>>) target_semaphore(%run_scoped3A_49 : memref<!tpu.dma_semaphore, #tpu.memory_space<semaphore_mem>>)
      %dma_wait3A = arith.constant 0 : i32
      %dma_wait3A_53 = tpu.memref_slice %arg7[%add3A_17, %dma_wait3A] : memref<10240x16xf32, #tpu.memory_space<vmem_shared>> -> memref<128x16xf32, #tpu.memory_space<vmem_shared>>
      %dma_wait3A_54 = arith.constant 0 : i32
      %dma_wait3A_55 = tpu.memref_slice %arg7[%add3A_17, %dma_wait3A_54] : memref<10240x16xf32, #tpu.memory_space<vmem_shared>> -> memref<128x16xf32, #tpu.memory_space<vmem_shared>>
      tpu.wait_dma2 semaphore(%run_scoped3A_49 : memref<!tpu.dma_semaphore, #tpu.memory_space<semaphore_mem>>) src(%arg6 : memref<128x16xf32, #tpu.memory_space<vmem>>) dst(%dma_wait3A_55 : memref<128x16xf32, #tpu.memory_space<vmem_shared>>)
      tpu.yield
    }) : () -> ()
    %mul3A_18 = arith.constant 640 : i32
    %mul3A_19 = arith.muli %arg1, %mul3A_18 : i32
    %add3A_20 = arith.constant 256 : i32
    %add3A_21 = arith.addi %mul3A_19, %add3A_20 : i32
    "tpu.region"() ({
      %run_scoped3A_49 = tpu.sem_alloc : memref<!tpu.dma_semaphore, #tpu.memory_space<semaphore_mem>>
      %dma_start3A = arith.constant 0 : i32
      %dma_start3A_50 = tpu.memref_slice %arg7[%add3A_21, %dma_start3A] : memref<10240x16xf32, #tpu.memory_space<vmem_shared>> -> memref<128x16xf32, #tpu.memory_space<vmem_shared>>
      %dma_start3A_51 = arith.constant 0 : i32
      %dma_start3A_52 = tpu.memref_slice %arg7[%add3A_21, %dma_start3A_51] : memref<10240x16xf32, #tpu.memory_space<vmem_shared>> -> memref<128x16xf32, #tpu.memory_space<vmem_shared>>
      tpu.enqueue_dma source(%arg6 : memref<128x16xf32, #tpu.memory_space<vmem>>) target(%dma_start3A_52 : memref<128x16xf32, #tpu.memory_space<vmem_shared>>) target_semaphore(%run_scoped3A_49 : memref<!tpu.dma_semaphore, #tpu.memory_space<semaphore_mem>>)
      %dma_wait3A = arith.constant 0 : i32
      %dma_wait3A_53 = tpu.memref_slice %arg7[%add3A_21, %dma_wait3A] : memref<10240x16xf32, #tpu.memory_space<vmem_shared>> -> memref<128x16xf32, #tpu.memory_space<vmem_shared>>
      %dma_wait3A_54 = arith.constant 0 : i32
      %dma_wait3A_55 = tpu.memref_slice %arg7[%add3A_21, %dma_wait3A_54] : memref<10240x16xf32, #tpu.memory_space<vmem_shared>> -> memref<128x16xf32, #tpu.memory_space<vmem_shared>>
      tpu.wait_dma2 semaphore(%run_scoped3A_49 : memref<!tpu.dma_semaphore, #tpu.memory_space<semaphore_mem>>) src(%arg6 : memref<128x16xf32, #tpu.memory_space<vmem>>) dst(%dma_wait3A_55 : memref<128x16xf32, #tpu.memory_space<vmem_shared>>)
      tpu.yield
    }) : () -> ()
    %mul3A_22 = arith.constant 640 : i32
    %mul3A_23 = arith.muli %arg1, %mul3A_22 : i32
    %add3A_24 = arith.constant 384 : i32
    %add3A_25 = arith.addi %mul3A_23, %add3A_24 : i32
    "tpu.region"() ({
      %run_scoped3A_49 = tpu.sem_alloc : memref<!tpu.dma_semaphore, #tpu.memory_space<semaphore_mem>>
      %dma_start3A = arith.constant 0 : i32
      %dma_start3A_50 = tpu.memref_slice %arg7[%add3A_25, %dma_start3A] : memref<10240x16xf32, #tpu.memory_space<vmem_shared>> -> memref<128x16xf32, #tpu.memory_space<vmem_shared>>
      %dma_start3A_51 = arith.constant 0 : i32
      %dma_start3A_52 = tpu.memref_slice %arg7[%add3A_25, %dma_start3A_51] : memref<10240x16xf32, #tpu.memory_space<vmem_shared>> -> memref<128x16xf32, #tpu.memory_space<vmem_shared>>
      tpu.enqueue_dma source(%arg6 : memref<128x16xf32, #tpu.memory_space<vmem>>) target(%dma_start3A_52 : memref<128x16xf32, #tpu.memory_space<vmem_shared>>) target_semaphore(%run_scoped3A_49 : memref<!tpu.dma_semaphore, #tpu.memory_space<semaphore_mem>>)
      %dma_wait3A = arith.constant 0 : i32
      %dma_wait3A_53 = tpu.memref_slice %arg7[%add3A_25, %dma_wait3A] : memref<10240x16xf32, #tpu.memory_space<vmem_shared>> -> memref<128x16xf32, #tpu.memory_space<vmem_shared>>
      %dma_wait3A_54 = arith.constant 0 : i32
      %dma_wait3A_55 = tpu.memref_slice %arg7[%add3A_25, %dma_wait3A_54] : memref<10240x16xf32, #tpu.memory_space<vmem_shared>> -> memref<128x16xf32, #tpu.memory_space<vmem_shared>>
      tpu.wait_dma2 semaphore(%run_scoped3A_49 : memref<!tpu.dma_semaphore, #tpu.memory_space<semaphore_mem>>) src(%arg6 : memref<128x16xf32, #tpu.memory_space<vmem>>) dst(%dma_wait3A_55 : memref<128x16xf32, #tpu.memory_space<vmem_shared>>)
      tpu.yield
    }) : () -> ()
    %mul3A_26 = arith.constant 640 : i32
    %mul3A_27 = arith.muli %arg1, %mul3A_26 : i32
    %add3A_28 = arith.constant 512 : i32
    %add3A_29 = arith.addi %mul3A_27, %add3A_28 : i32
    "tpu.region"() ({
      %run_scoped3A_49 = tpu.sem_alloc : memref<!tpu.dma_semaphore, #tpu.memory_space<semaphore_mem>>
      %dma_start3A = arith.constant 0 : i32
      %dma_start3A_50 = tpu.memref_slice %arg7[%add3A_29, %dma_start3A] : memref<10240x16xf32, #tpu.memory_space<vmem_shared>> -> memref<128x16xf32, #tpu.memory_space<vmem_shared>>
      %dma_start3A_51 = arith.constant 0 : i32
      %dma_start3A_52 = tpu.memref_slice %arg7[%add3A_29, %dma_start3A_51] : memref<10240x16xf32, #tpu.memory_space<vmem_shared>> -> memref<128x16xf32, #tpu.memory_space<vmem_shared>>
      tpu.enqueue_dma source(%arg6 : memref<128x16xf32, #tpu.memory_space<vmem>>) target(%dma_start3A_52 : memref<128x16xf32, #tpu.memory_space<vmem_shared>>) target_semaphore(%run_scoped3A_49 : memref<!tpu.dma_semaphore, #tpu.memory_space<semaphore_mem>>)
      %dma_wait3A = arith.constant 0 : i32
      %dma_wait3A_53 = tpu.memref_slice %arg7[%add3A_29, %dma_wait3A] : memref<10240x16xf32, #tpu.memory_space<vmem_shared>> -> memref<128x16xf32, #tpu.memory_space<vmem_shared>>
      %dma_wait3A_54 = arith.constant 0 : i32
      %dma_wait3A_55 = tpu.memref_slice %arg7[%add3A_29, %dma_wait3A_54] : memref<10240x16xf32, #tpu.memory_space<vmem_shared>> -> memref<128x16xf32, #tpu.memory_space<vmem_shared>>
      tpu.wait_dma2 semaphore(%run_scoped3A_49 : memref<!tpu.dma_semaphore, #tpu.memory_space<semaphore_mem>>) src(%arg6 : memref<128x16xf32, #tpu.memory_space<vmem>>) dst(%dma_wait3A_55 : memref<128x16xf32, #tpu.memory_space<vmem_shared>>)
      tpu.yield
    }) : () -> ()
    %barrier3A = arith.constant 0 : index
    tpu.barrier barrier_id(%barrier3A)
    %scan3A_30 = arith.constant 0 : i32
    %scan3A_31 = arith.constant 0 : i32
    %scan3A_32 = arith.constant 13 : i32
    %scan3A_33 = arith.addi %scan3A_31, %scan3A_32 : i32
    %scan3A_34 = arith.constant 1 : i32
    scf.for %scan3A_49 = %scan3A_31 to %scan3A_33 step %scan3A_34  : i32 {
      %mul3A_50 = arith.constant 6 : i32
      %mul3A_51 = arith.muli %mul3A_50, %scan3A_49 : i32
      %add3A_52 = arith.constant 0 : i32
      %add3A_53 = arith.addi %mul3A_51, %add3A_52 : i32
      %dma_start3A = arith.constant 0 : i32
      %dma_start3A_54 = tpu.memref_slice %arg4[%add3A_53, %dma_start3A] : memref<79x128xi32, #tpu.memory_space<vmem>> -> memref<1x128xi32, #tpu.memory_space<vmem>>
      %dma_start3A_55 = tpu.memref_squeeze %dma_start3A_54 : memref<1x128xi32, #tpu.memory_space<vmem>> -> memref<128xi32, #tpu.memory_space<vmem>>
      %dma_start3A_56 = arith.constant 0 : i32
      %dma_start3A_57 = arith.constant 0 : i32
      %dma_start3A_58 = tpu.memref_slice %arg7[%dma_start3A_56, %dma_start3A_57] : memref<10240x16xf32, #tpu.memory_space<vmem_shared>> -> memref<10240x16xf32, #tpu.memory_space<vmem_shared>>
      tpu.enqueue_indirect_dma source(%arg5 : memref<128x16xf32, #tpu.memory_space<vmem>>) target(%dma_start3A_58 : memref<10240x16xf32, #tpu.memory_space<vmem_shared>>) offsets(%dma_start3A_55 : memref<128xi32, #tpu.memory_space<vmem>>) semaphore(%arg8 : memref<!tpu.dma_semaphore, #tpu.memory_space<semaphore_mem>>) {add = true}
      %mul3A_59 = arith.constant 6 : i32
      %mul3A_60 = arith.muli %mul3A_59, %scan3A_49 : i32
      %add3A_61 = arith.constant 1 : i32
      %add3A_62 = arith.addi %mul3A_60, %add3A_61 : i32
      %dma_start3A_63 = arith.constant 0 : i32
      %dma_start3A_64 = tpu.memref_slice %arg4[%add3A_62, %dma_start3A_63] : memref<79x128xi32, #tpu.memory_space<vmem>> -> memref<1x128xi32, #tpu.memory_space<vmem>>
      %dma_start3A_65 = tpu.memref_squeeze %dma_start3A_64 : memref<1x128xi32, #tpu.memory_space<vmem>> -> memref<128xi32, #tpu.memory_space<vmem>>
      %dma_start3A_66 = arith.constant 0 : i32
      %dma_start3A_67 = arith.constant 0 : i32
      %dma_start3A_68 = tpu.memref_slice %arg7[%dma_start3A_66, %dma_start3A_67] : memref<10240x16xf32, #tpu.memory_space<vmem_shared>> -> memref<10240x16xf32, #tpu.memory_space<vmem_shared>>
      tpu.enqueue_indirect_dma source(%arg5 : memref<128x16xf32, #tpu.memory_space<vmem>>) target(%dma_start3A_68 : memref<10240x16xf32, #tpu.memory_space<vmem_shared>>) offsets(%dma_start3A_65 : memref<128xi32, #tpu.memory_space<vmem>>) semaphore(%arg8 : memref<!tpu.dma_semaphore, #tpu.memory_space<semaphore_mem>>) {add = true}
      %mul3A_69 = arith.constant 6 : i32
      %mul3A_70 = arith.muli %mul3A_69, %scan3A_49 : i32
      %add3A_71 = arith.constant 2 : i32
      %add3A_72 = arith.addi %mul3A_70, %add3A_71 : i32
      %dma_start3A_73 = arith.constant 0 : i32
      %dma_start3A_74 = tpu.memref_slice %arg4[%add3A_72, %dma_start3A_73] : memref<79x128xi32, #tpu.memory_space<vmem>> -> memref<1x128xi32, #tpu.memory_space<vmem>>
      %dma_start3A_75 = tpu.memref_squeeze %dma_start3A_74 : memref<1x128xi32, #tpu.memory_space<vmem>> -> memref<128xi32, #tpu.memory_space<vmem>>
      %dma_start3A_76 = arith.constant 0 : i32
      %dma_start3A_77 = arith.constant 0 : i32
      %dma_start3A_78 = tpu.memref_slice %arg7[%dma_start3A_76, %dma_start3A_77] : memref<10240x16xf32, #tpu.memory_space<vmem_shared>> -> memref<10240x16xf32, #tpu.memory_space<vmem_shared>>
      tpu.enqueue_indirect_dma source(%arg5 : memref<128x16xf32, #tpu.memory_space<vmem>>) target(%dma_start3A_78 : memref<10240x16xf32, #tpu.memory_space<vmem_shared>>) offsets(%dma_start3A_75 : memref<128xi32, #tpu.memory_space<vmem>>) semaphore(%arg8 : memref<!tpu.dma_semaphore, #tpu.memory_space<semaphore_mem>>) {add = true}
      %mul3A_79 = arith.constant 6 : i32
      %mul3A_80 = arith.muli %mul3A_79, %scan3A_49 : i32
      %add3A_81 = arith.constant 3 : i32
      %add3A_82 = arith.addi %mul3A_80, %add3A_81 : i32
      %dma_start3A_83 = arith.constant 0 : i32
      %dma_start3A_84 = tpu.memref_slice %arg4[%add3A_82, %dma_start3A_83] : memref<79x128xi32, #tpu.memory_space<vmem>> -> memref<1x128xi32, #tpu.memory_space<vmem>>
      %dma_start3A_85 = tpu.memref_squeeze %dma_start3A_84 : memref<1x128xi32, #tpu.memory_space<vmem>> -> memref<128xi32, #tpu.memory_space<vmem>>
      %dma_start3A_86 = arith.constant 0 : i32
      %dma_start3A_87 = arith.constant 0 : i32
      %dma_start3A_88 = tpu.memref_slice %arg7[%dma_start3A_86, %dma_start3A_87] : memref<10240x16xf32, #tpu.memory_space<vmem_shared>> -> memref<10240x16xf32, #tpu.memory_space<vmem_shared>>
      tpu.enqueue_indirect_dma source(%arg5 : memref<128x16xf32, #tpu.memory_space<vmem>>) target(%dma_start3A_88 : memref<10240x16xf32, #tpu.memory_space<vmem_shared>>) offsets(%dma_start3A_85 : memref<128xi32, #tpu.memory_space<vmem>>) semaphore(%arg8 : memref<!tpu.dma_semaphore, #tpu.memory_space<semaphore_mem>>) {add = true}
      %mul3A_89 = arith.constant 6 : i32
      %mul3A_90 = arith.muli %mul3A_89, %scan3A_49 : i32
      %add3A_91 = arith.constant 4 : i32
      %add3A_92 = arith.addi %mul3A_90, %add3A_91 : i32
      %dma_start3A_93 = arith.constant 0 : i32
      %dma_start3A_94 = tpu.memref_slice %arg4[%add3A_92, %dma_start3A_93] : memref<79x128xi32, #tpu.memory_space<vmem>> -> memref<1x128xi32, #tpu.memory_space<vmem>>
      %dma_start3A_95 = tpu.memref_squeeze %dma_start3A_94 : memref<1x128xi32, #tpu.memory_space<vmem>> -> memref<128xi32, #tpu.memory_space<vmem>>
      %dma_start3A_96 = arith.constant 0 : i32
      %dma_start3A_97 = arith.constant 0 : i32
      %dma_start3A_98 = tpu.memref_slice %arg7[%dma_start3A_96, %dma_start3A_97] : memref<10240x16xf32, #tpu.memory_space<vmem_shared>> -> memref<10240x16xf32, #tpu.memory_space<vmem_shared>>
      tpu.enqueue_indirect_dma source(%arg5 : memref<128x16xf32, #tpu.memory_space<vmem>>) target(%dma_start3A_98 : memref<10240x16xf32, #tpu.memory_space<vmem_shared>>) offsets(%dma_start3A_95 : memref<128xi32, #tpu.memory_space<vmem>>) semaphore(%arg8 : memref<!tpu.dma_semaphore, #tpu.memory_space<semaphore_mem>>) {add = true}
      %mul3A_99 = arith.constant 6 : i32
      %mul3A_100 = arith.muli %mul3A_99, %scan3A_49 : i32
      %add3A_101 = arith.constant 5 : i32
      %add3A_102 = arith.addi %mul3A_100, %add3A_101 : i32
      %dma_start3A_103 = arith.constant 0 : i32
      %dma_start3A_104 = tpu.memref_slice %arg4[%add3A_102, %dma_start3A_103] : memref<79x128xi32, #tpu.memory_space<vmem>> -> memref<1x128xi32, #tpu.memory_space<vmem>>
      %dma_start3A_105 = tpu.memref_squeeze %dma_start3A_104 : memref<1x128xi32, #tpu.memory_space<vmem>> -> memref<128xi32, #tpu.memory_space<vmem>>
      %dma_start3A_106 = arith.constant 0 : i32
      %dma_start3A_107 = arith.constant 0 : i32
      %dma_start3A_108 = tpu.memref_slice %arg7[%dma_start3A_106, %dma_start3A_107] : memref<10240x16xf32, #tpu.memory_space<vmem_shared>> -> memref<10240x16xf32, #tpu.memory_space<vmem_shared>>
      tpu.enqueue_indirect_dma source(%arg5 : memref<128x16xf32, #tpu.memory_space<vmem>>) target(%dma_start3A_108 : memref<10240x16xf32, #tpu.memory_space<vmem_shared>>) offsets(%dma_start3A_105 : memref<128xi32, #tpu.memory_space<vmem>>) semaphore(%arg8 : memref<!tpu.dma_semaphore, #tpu.memory_space<semaphore_mem>>) {add = true}
      %mul3A_109 = arith.constant 6 : i32
      %mul3A_110 = arith.muli %mul3A_109, %scan3A_49 : i32
      %add3A_111 = arith.constant 0 : i32
      %add3A_112 = arith.addi %mul3A_110, %add3A_111 : i32
      %dma_wait3A = arith.constant 0 : i32
      %dma_wait3A_113 = tpu.memref_slice %arg4[%add3A_112, %dma_wait3A] : memref<79x128xi32, #tpu.memory_space<vmem>> -> memref<1x128xi32, #tpu.memory_space<vmem>>
      %dma_wait3A_114 = tpu.memref_squeeze %dma_wait3A_113 : memref<1x128xi32, #tpu.memory_space<vmem>> -> memref<128xi32, #tpu.memory_space<vmem>>
      %dma_wait3A_115 = arith.constant 0 : i32
      %dma_wait3A_116 = arith.constant 0 : i32
      %dma_wait3A_117 = tpu.memref_slice %arg7[%dma_wait3A_115, %dma_wait3A_116] : memref<10240x16xf32, #tpu.memory_space<vmem_shared>> -> memref<10240x16xf32, #tpu.memory_space<vmem_shared>>
      tpu.wait_indirect_dma semaphore(%arg8 : memref<!tpu.dma_semaphore, #tpu.memory_space<semaphore_mem>>) src(%arg5 : memref<128x16xf32, #tpu.memory_space<vmem>>) dst(%dma_wait3A_117 : memref<10240x16xf32, #tpu.memory_space<vmem_shared>>)
      %mul3A_118 = arith.constant 6 : i32
      %mul3A_119 = arith.muli %mul3A_118, %scan3A_49 : i32
      %add3A_120 = arith.constant 1 : i32
      %add3A_121 = arith.addi %mul3A_119, %add3A_120 : i32
      %dma_wait3A_122 = arith.constant 0 : i32
      %dma_wait3A_123 = tpu.memref_slice %arg4[%add3A_121, %dma_wait3A_122] : memref<79x128xi32, #tpu.memory_space<vmem>> -> memref<1x128xi32, #tpu.memory_space<vmem>>
      %dma_wait3A_124 = tpu.memref_squeeze %dma_wait3A_123 : memref<1x128xi32, #tpu.memory_space<vmem>> -> memref<128xi32, #tpu.memory_space<vmem>>
      %dma_wait3A_125 = arith.constant 0 : i32
      %dma_wait3A_126 = arith.constant 0 : i32
      %dma_wait3A_127 = tpu.memref_slice %arg7[%dma_wait3A_125, %dma_wait3A_126] : memref<10240x16xf32, #tpu.memory_space<vmem_shared>> -> memref<10240x16xf32, #tpu.memory_space<vmem_shared>>
      tpu.wait_indirect_dma semaphore(%arg8 : memref<!tpu.dma_semaphore, #tpu.memory_space<semaphore_mem>>) src(%arg5 : memref<128x16xf32, #tpu.memory_space<vmem>>) dst(%dma_wait3A_127 : memref<10240x16xf32, #tpu.memory_space<vmem_shared>>)
      %mul3A_128 = arith.constant 6 : i32
      %mul3A_129 = arith.muli %mul3A_128, %scan3A_49 : i32
      %add3A_130 = arith.constant 2 : i32
      %add3A_131 = arith.addi %mul3A_129, %add3A_130 : i32
      %dma_wait3A_132 = arith.constant 0 : i32
      %dma_wait3A_133 = tpu.memref_slice %arg4[%add3A_131, %dma_wait3A_132] : memref<79x128xi32, #tpu.memory_space<vmem>> -> memref<1x128xi32, #tpu.memory_space<vmem>>
      %dma_wait3A_134 = tpu.memref_squeeze %dma_wait3A_133 : memref<1x128xi32, #tpu.memory_space<vmem>> -> memref<128xi32, #tpu.memory_space<vmem>>
      %dma_wait3A_135 = arith.constant 0 : i32
      %dma_wait3A_136 = arith.constant 0 : i32
      %dma_wait3A_137 = tpu.memref_slice %arg7[%dma_wait3A_135, %dma_wait3A_136] : memref<10240x16xf32, #tpu.memory_space<vmem_shared>> -> memref<10240x16xf32, #tpu.memory_space<vmem_shared>>
      tpu.wait_indirect_dma semaphore(%arg8 : memref<!tpu.dma_semaphore, #tpu.memory_space<semaphore_mem>>) src(%arg5 : memref<128x16xf32, #tpu.memory_space<vmem>>) dst(%dma_wait3A_137 : memref<10240x16xf32, #tpu.memory_space<vmem_shared>>)
      %mul3A_138 = arith.constant 6 : i32
      %mul3A_139 = arith.muli %mul3A_138, %scan3A_49 : i32
      %add3A_140 = arith.constant 3 : i32
      %add3A_141 = arith.addi %mul3A_139, %add3A_140 : i32
      %dma_wait3A_142 = arith.constant 0 : i32
      %dma_wait3A_143 = tpu.memref_slice %arg4[%add3A_141, %dma_wait3A_142] : memref<79x128xi32, #tpu.memory_space<vmem>> -> memref<1x128xi32, #tpu.memory_space<vmem>>
      %dma_wait3A_144 = tpu.memref_squeeze %dma_wait3A_143 : memref<1x128xi32, #tpu.memory_space<vmem>> -> memref<128xi32, #tpu.memory_space<vmem>>
      %dma_wait3A_145 = arith.constant 0 : i32
      %dma_wait3A_146 = arith.constant 0 : i32
      %dma_wait3A_147 = tpu.memref_slice %arg7[%dma_wait3A_145, %dma_wait3A_146] : memref<10240x16xf32, #tpu.memory_space<vmem_shared>> -> memref<10240x16xf32, #tpu.memory_space<vmem_shared>>
      tpu.wait_indirect_dma semaphore(%arg8 : memref<!tpu.dma_semaphore, #tpu.memory_space<semaphore_mem>>) src(%arg5 : memref<128x16xf32, #tpu.memory_space<vmem>>) dst(%dma_wait3A_147 : memref<10240x16xf32, #tpu.memory_space<vmem_shared>>)
      %mul3A_148 = arith.constant 6 : i32
      %mul3A_149 = arith.muli %mul3A_148, %scan3A_49 : i32
      %add3A_150 = arith.constant 4 : i32
      %add3A_151 = arith.addi %mul3A_149, %add3A_150 : i32
      %dma_wait3A_152 = arith.constant 0 : i32
      %dma_wait3A_153 = tpu.memref_slice %arg4[%add3A_151, %dma_wait3A_152] : memref<79x128xi32, #tpu.memory_space<vmem>> -> memref<1x128xi32, #tpu.memory_space<vmem>>
      %dma_wait3A_154 = tpu.memref_squeeze %dma_wait3A_153 : memref<1x128xi32, #tpu.memory_space<vmem>> -> memref<128xi32, #tpu.memory_space<vmem>>
      %dma_wait3A_155 = arith.constant 0 : i32
      %dma_wait3A_156 = arith.constant 0 : i32
      %dma_wait3A_157 = tpu.memref_slice %arg7[%dma_wait3A_155, %dma_wait3A_156] : memref<10240x16xf32, #tpu.memory_space<vmem_shared>> -> memref<10240x16xf32, #tpu.memory_space<vmem_shared>>
      tpu.wait_indirect_dma semaphore(%arg8 : memref<!tpu.dma_semaphore, #tpu.memory_space<semaphore_mem>>) src(%arg5 : memref<128x16xf32, #tpu.memory_space<vmem>>) dst(%dma_wait3A_157 : memref<10240x16xf32, #tpu.memory_space<vmem_shared>>)
      %mul3A_158 = arith.constant 6 : i32
      %mul3A_159 = arith.muli %mul3A_158, %scan3A_49 : i32
      %add3A_160 = arith.constant 5 : i32
      %add3A_161 = arith.addi %mul3A_159, %add3A_160 : i32
      %dma_wait3A_162 = arith.constant 0 : i32
      %dma_wait3A_163 = tpu.memref_slice %arg4[%add3A_161, %dma_wait3A_162] : memref<79x128xi32, #tpu.memory_space<vmem>> -> memref<1x128xi32, #tpu.memory_space<vmem>>
      %dma_wait3A_164 = tpu.memref_squeeze %dma_wait3A_163 : memref<1x128xi32, #tpu.memory_space<vmem>> -> memref<128xi32, #tpu.memory_space<vmem>>
      %dma_wait3A_165 = arith.constant 0 : i32
      %dma_wait3A_166 = arith.constant 0 : i32
      %dma_wait3A_167 = tpu.memref_slice %arg7[%dma_wait3A_165, %dma_wait3A_166] : memref<10240x16xf32, #tpu.memory_space<vmem_shared>> -> memref<10240x16xf32, #tpu.memory_space<vmem_shared>>
      tpu.wait_indirect_dma semaphore(%arg8 : memref<!tpu.dma_semaphore, #tpu.memory_space<semaphore_mem>>) src(%arg5 : memref<128x16xf32, #tpu.memory_space<vmem>>) dst(%dma_wait3A_167 : memref<10240x16xf32, #tpu.memory_space<vmem_shared>>)
    }
    %scan3A_35 = arith.constant 13 : i32
    %lt3A_36 = arith.constant 4 : i32
    %lt3A_37 = arith.cmpi slt, %add3A, %lt3A_36 : i32
    %convert_element_type3A_38 = arith.extui %lt3A_37 : i1 to i32
    %cond3A_39 = arith.constant 0 : i32
    %cond3A_40 = arith.cmpi ne, %convert_element_type3A_38, %cond3A_39 : i32
    scf.if %cond3A_40 {
      %run_scoped3A_49 = arith.constant 78 : i32
      "tpu.region"() ({
        %run_scoped3A_50 = tpu.sem_alloc : memref<!tpu.dma_semaphore, #tpu.memory_space<semaphore_mem>>
        %dma_start3A = arith.constant 0 : i32
        %dma_start3A_51 = tpu.memref_slice %arg4[%run_scoped3A_49, %dma_start3A] : memref<79x128xi32, #tpu.memory_space<vmem>> -> memref<1x128xi32, #tpu.memory_space<vmem>>
        %dma_start3A_52 = tpu.memref_squeeze %dma_start3A_51 : memref<1x128xi32, #tpu.memory_space<vmem>> -> memref<128xi32, #tpu.memory_space<vmem>>
        %dma_start3A_53 = arith.constant 0 : i32
        %dma_start3A_54 = arith.constant 0 : i32
        %dma_start3A_55 = tpu.memref_slice %arg7[%dma_start3A_53, %dma_start3A_54] : memref<10240x16xf32, #tpu.memory_space<vmem_shared>> -> memref<10240x16xf32, #tpu.memory_space<vmem_shared>>
        tpu.enqueue_indirect_dma source(%arg5 : memref<128x16xf32, #tpu.memory_space<vmem>>) target(%dma_start3A_55 : memref<10240x16xf32, #tpu.memory_space<vmem_shared>>) offsets(%dma_start3A_52 : memref<128xi32, #tpu.memory_space<vmem>>) semaphore(%run_scoped3A_50 : memref<!tpu.dma_semaphore, #tpu.memory_space<semaphore_mem>>) {add = true}
        %dma_wait3A = arith.constant 0 : i32
        %dma_wait3A_56 = tpu.memref_slice %arg4[%run_scoped3A_49, %dma_wait3A] : memref<79x128xi32, #tpu.memory_space<vmem>> -> memref<1x128xi32, #tpu.memory_space<vmem>>
        %dma_wait3A_57 = tpu.memref_squeeze %dma_wait3A_56 : memref<1x128xi32, #tpu.memory_space<vmem>> -> memref<128xi32, #tpu.memory_space<vmem>>
        %dma_wait3A_58 = arith.constant 0 : i32
        %dma_wait3A_59 = arith.constant 0 : i32
        %dma_wait3A_60 = tpu.memref_slice %arg7[%dma_wait3A_58, %dma_wait3A_59] : memref<10240x16xf32, #tpu.memory_space<vmem_shared>> -> memref<10240x16xf32, #tpu.memory_space<vmem_shared>>
        tpu.wait_indirect_dma semaphore(%run_scoped3A_50 : memref<!tpu.dma_semaphore, #tpu.memory_space<semaphore_mem>>) src(%arg5 : memref<128x16xf32, #tpu.memory_space<vmem>>) dst(%dma_wait3A_60 : memref<10240x16xf32, #tpu.memory_space<vmem_shared>>)
        tpu.yield
      }) : () -> ()
    } else {
    }
    %barrier3A_41 = arith.constant 0 : index
    tpu.barrier barrier_id(%barrier3A_41)
    %mul3A_42 = arith.constant 640 : i32
    %mul3A_43 = arith.muli %arg1, %mul3A_42 : i32
    %mul3A_44 = arith.constant 10240 : i32
    %mul3A_45 = arith.muli %arg0, %mul3A_44 : i32
    %mul3A_46 = arith.constant 640 : i32
    %mul3A_47 = arith.muli %arg1, %mul3A_46 : i32
    %add3A_48 = arith.addi %mul3A_45, %mul3A_47 : i32
    "tpu.region"() ({
      %run_scoped3A_49 = tpu.sem_alloc : memref<!tpu.dma_semaphore, #tpu.memory_space<semaphore_mem>>
      %dma_start3A = arith.constant 0 : i32
      %dma_start3A_50 = tpu.memref_slice %arg3[%add3A_48, %dma_start3A] : memref<20480x16xf32, #tpu.memory_space<hbm>> -> memref<640x16xf32, #tpu.memory_space<hbm>>
      %dma_start3A_51 = arith.constant 0 : i32
      %dma_start3A_52 = tpu.memref_slice %arg7[%mul3A_43, %dma_start3A_51] : memref<10240x16xf32, #tpu.memory_space<vmem_shared>> -> memref<640x16xf32, #tpu.memory_space<vmem_shared>>
      tpu.enqueue_dma source(%dma_start3A_52 : memref<640x16xf32, #tpu.memory_space<vmem_shared>>) target(%dma_start3A_50 : memref<640x16xf32, #tpu.memory_space<hbm>>) target_semaphore(%run_scoped3A_49 : memref<!tpu.dma_semaphore, #tpu.memory_space<semaphore_mem>>)
      %dma_wait3A = arith.constant 0 : i32
      %dma_wait3A_53 = tpu.memref_slice %arg3[%add3A_48, %dma_wait3A] : memref<20480x16xf32, #tpu.memory_space<hbm>> -> memref<640x16xf32, #tpu.memory_space<hbm>>
      %dma_wait3A_54 = arith.constant 0 : i32
      %dma_wait3A_55 = tpu.memref_slice %arg7[%mul3A_43, %dma_wait3A_54] : memref<10240x16xf32, #tpu.memory_space<vmem_shared>> -> memref<640x16xf32, #tpu.memory_space<vmem_shared>>
      tpu.wait_dma2 semaphore(%run_scoped3A_49 : memref<!tpu.dma_semaphore, #tpu.memory_space<semaphore_mem>>) src(%dma_wait3A_55 : memref<640x16xf32, #tpu.memory_space<vmem_shared>>) dst(%dma_wait3A_53 : memref<640x16xf32, #tpu.memory_space<hbm>>)
      tpu.yield
    }) : () -> ()
    return
  }
}

#map = affine_map<(d0, d1) -> (0, 0)>
#map1 = affine_map<(d0, d1) -> (0, 0, 0)>
module attributes {stable_mosaic.version = 14 : i64} {
  func.func @_msg_body(%arg0: i32, %arg1: i32, %arg2: memref<10240x32xf32, #tpu.memory_space<hbm>>, %arg3: memref<2x2500x128xi32, #tpu.memory_space<hbm>>, %arg4: memref<20480x32xf32, #tpu.memory_space<hbm>>, %arg5: memref<79x128xi32, #tpu.memory_space<vmem>>, %arg6: memref<79x128xi32, #tpu.memory_space<vmem>>, %arg7: memref<128x32xf32, #tpu.memory_space<vmem>>, %arg8: memref<128x32xf32, #tpu.memory_space<vmem>>, %arg9: memref<10240x32xf32, #tpu.memory_space<vmem_shared>>, %arg10: memref<10240x32xf32, #tpu.memory_space<vmem_shared>>, %arg11: memref<!tpu.dma_semaphore, #tpu.memory_space<semaphore_mem>>, %arg12: memref<!tpu.dma_semaphore, #tpu.memory_space<semaphore_mem>>) attributes {dimension_semantics = [#tpu.dimension_semantics<core_parallel>, #tpu.dimension_semantics<subcore_parallel>], iteration_bounds = array<i64: 2, 16>, scalar_prefetch = 0 : i64, scratch_operands = 8 : i64, tpu.core_type = #tpu.core_type<sc_vector_subcore>, window_params = [{transform_indices = #map}, {transform_indices = #map1}, {transform_indices = #map}]} {
    %mul3A = arith.constant 2 : i32
    %mul3A_0 = arith.muli %arg1, %mul3A : i32
    %add3A = arith.addi %mul3A_0, %arg0 : i32
    %mul3A_1 = arith.constant 78 : i32
    %mul3A_2 = arith.muli %add3A, %mul3A_1 : i32
    %run_scoped3A = arith.constant 0 : i32
    "tpu.region"() ({
      %run_scoped3A_58 = tpu.sem_alloc : memref<!tpu.dma_semaphore, #tpu.memory_space<semaphore_mem>>
      %dma_start3A_59 = arith.constant 0 : i32
      %dma_start3A_60 = arith.constant 0 : i32
      %dma_start3A_61 = tpu.memref_slice %arg5[%dma_start3A_59, %dma_start3A_60] : memref<79x128xi32, #tpu.memory_space<vmem>> -> memref<78x128xi32, #tpu.memory_space<vmem>>
      %dma_start3A_62 = arith.constant 0 : i32
      %dma_start3A_63 = tpu.memref_slice %arg3[%run_scoped3A, %mul3A_2, %dma_start3A_62] : memref<2x2500x128xi32, #tpu.memory_space<hbm>> -> memref<1x78x128xi32, #tpu.memory_space<hbm>>
      %dma_start3A_64 = tpu.memref_squeeze %dma_start3A_63 : memref<1x78x128xi32, #tpu.memory_space<hbm>> -> memref<78x128xi32, #tpu.memory_space<hbm>>
      %dma_start3A_65 = arith.constant 0 : i32
      %dma_start3A_66 = arith.constant 0 : i32
      %dma_start3A_67 = tpu.memref_slice %arg5[%dma_start3A_65, %dma_start3A_66] : memref<79x128xi32, #tpu.memory_space<vmem>> -> memref<78x128xi32, #tpu.memory_space<vmem>>
      %dma_start3A_68 = arith.constant 0 : i32
      %dma_start3A_69 = tpu.memref_slice %arg3[%run_scoped3A, %mul3A_2, %dma_start3A_68] : memref<2x2500x128xi32, #tpu.memory_space<hbm>> -> memref<1x78x128xi32, #tpu.memory_space<hbm>>
      %dma_start3A_70 = tpu.memref_squeeze %dma_start3A_69 : memref<1x78x128xi32, #tpu.memory_space<hbm>> -> memref<78x128xi32, #tpu.memory_space<hbm>>
      tpu.enqueue_dma source(%dma_start3A_70 : memref<78x128xi32, #tpu.memory_space<hbm>>) target(%dma_start3A_67 : memref<78x128xi32, #tpu.memory_space<vmem>>) target_semaphore(%run_scoped3A_58 : memref<!tpu.dma_semaphore, #tpu.memory_space<semaphore_mem>>)
      %dma_wait3A = arith.constant 0 : i32
      %dma_wait3A_71 = arith.constant 0 : i32
      %dma_wait3A_72 = tpu.memref_slice %arg5[%dma_wait3A, %dma_wait3A_71] : memref<79x128xi32, #tpu.memory_space<vmem>> -> memref<78x128xi32, #tpu.memory_space<vmem>>
      %dma_wait3A_73 = arith.constant 0 : i32
      %dma_wait3A_74 = tpu.memref_slice %arg3[%run_scoped3A, %mul3A_2, %dma_wait3A_73] : memref<2x2500x128xi32, #tpu.memory_space<hbm>> -> memref<1x78x128xi32, #tpu.memory_space<hbm>>
      %dma_wait3A_75 = tpu.memref_squeeze %dma_wait3A_74 : memref<1x78x128xi32, #tpu.memory_space<hbm>> -> memref<78x128xi32, #tpu.memory_space<hbm>>
      %dma_wait3A_76 = arith.constant 0 : i32
      %dma_wait3A_77 = arith.constant 0 : i32
      %dma_wait3A_78 = tpu.memref_slice %arg5[%dma_wait3A_76, %dma_wait3A_77] : memref<79x128xi32, #tpu.memory_space<vmem>> -> memref<78x128xi32, #tpu.memory_space<vmem>>
      %dma_wait3A_79 = arith.constant 0 : i32
      %dma_wait3A_80 = tpu.memref_slice %arg3[%run_scoped3A, %mul3A_2, %dma_wait3A_79] : memref<2x2500x128xi32, #tpu.memory_space<hbm>> -> memref<1x78x128xi32, #tpu.memory_space<hbm>>
      %dma_wait3A_81 = tpu.memref_squeeze %dma_wait3A_80 : memref<1x78x128xi32, #tpu.memory_space<hbm>> -> memref<78x128xi32, #tpu.memory_space<hbm>>
      tpu.wait_dma2 semaphore(%run_scoped3A_58 : memref<!tpu.dma_semaphore, #tpu.memory_space<semaphore_mem>>) src(%dma_wait3A_81 : memref<78x128xi32, #tpu.memory_space<hbm>>) dst(%dma_wait3A_78 : memref<78x128xi32, #tpu.memory_space<vmem>>)
      tpu.yield
    }) : () -> ()
    %mul3A_3 = arith.constant 78 : i32
    %mul3A_4 = arith.muli %add3A, %mul3A_3 : i32
    %run_scoped3A_5 = arith.constant 1 : i32
    "tpu.region"() ({
      %run_scoped3A_58 = tpu.sem_alloc : memref<!tpu.dma_semaphore, #tpu.memory_space<semaphore_mem>>
      %dma_start3A_59 = arith.constant 0 : i32
      %dma_start3A_60 = arith.constant 0 : i32
      %dma_start3A_61 = tpu.memref_slice %arg6[%dma_start3A_59, %dma_start3A_60] : memref<79x128xi32, #tpu.memory_space<vmem>> -> memref<78x128xi32, #tpu.memory_space<vmem>>
      %dma_start3A_62 = arith.constant 0 : i32
      %dma_start3A_63 = tpu.memref_slice %arg3[%run_scoped3A_5, %mul3A_4, %dma_start3A_62] : memref<2x2500x128xi32, #tpu.memory_space<hbm>> -> memref<1x78x128xi32, #tpu.memory_space<hbm>>
      %dma_start3A_64 = tpu.memref_squeeze %dma_start3A_63 : memref<1x78x128xi32, #tpu.memory_space<hbm>> -> memref<78x128xi32, #tpu.memory_space<hbm>>
      %dma_start3A_65 = arith.constant 0 : i32
      %dma_start3A_66 = arith.constant 0 : i32
      %dma_start3A_67 = tpu.memref_slice %arg6[%dma_start3A_65, %dma_start3A_66] : memref<79x128xi32, #tpu.memory_space<vmem>> -> memref<78x128xi32, #tpu.memory_space<vmem>>
      %dma_start3A_68 = arith.constant 0 : i32
      %dma_start3A_69 = tpu.memref_slice %arg3[%run_scoped3A_5, %mul3A_4, %dma_start3A_68] : memref<2x2500x128xi32, #tpu.memory_space<hbm>> -> memref<1x78x128xi32, #tpu.memory_space<hbm>>
      %dma_start3A_70 = tpu.memref_squeeze %dma_start3A_69 : memref<1x78x128xi32, #tpu.memory_space<hbm>> -> memref<78x128xi32, #tpu.memory_space<hbm>>
      tpu.enqueue_dma source(%dma_start3A_70 : memref<78x128xi32, #tpu.memory_space<hbm>>) target(%dma_start3A_67 : memref<78x128xi32, #tpu.memory_space<vmem>>) target_semaphore(%run_scoped3A_58 : memref<!tpu.dma_semaphore, #tpu.memory_space<semaphore_mem>>)
      %dma_wait3A = arith.constant 0 : i32
      %dma_wait3A_71 = arith.constant 0 : i32
      %dma_wait3A_72 = tpu.memref_slice %arg6[%dma_wait3A, %dma_wait3A_71] : memref<79x128xi32, #tpu.memory_space<vmem>> -> memref<78x128xi32, #tpu.memory_space<vmem>>
      %dma_wait3A_73 = arith.constant 0 : i32
      %dma_wait3A_74 = tpu.memref_slice %arg3[%run_scoped3A_5, %mul3A_4, %dma_wait3A_73] : memref<2x2500x128xi32, #tpu.memory_space<hbm>> -> memref<1x78x128xi32, #tpu.memory_space<hbm>>
      %dma_wait3A_75 = tpu.memref_squeeze %dma_wait3A_74 : memref<1x78x128xi32, #tpu.memory_space<hbm>> -> memref<78x128xi32, #tpu.memory_space<hbm>>
      %dma_wait3A_76 = arith.constant 0 : i32
      %dma_wait3A_77 = arith.constant 0 : i32
      %dma_wait3A_78 = tpu.memref_slice %arg6[%dma_wait3A_76, %dma_wait3A_77] : memref<79x128xi32, #tpu.memory_space<vmem>> -> memref<78x128xi32, #tpu.memory_space<vmem>>
      %dma_wait3A_79 = arith.constant 0 : i32
      %dma_wait3A_80 = tpu.memref_slice %arg3[%run_scoped3A_5, %mul3A_4, %dma_wait3A_79] : memref<2x2500x128xi32, #tpu.memory_space<hbm>> -> memref<1x78x128xi32, #tpu.memory_space<hbm>>
      %dma_wait3A_81 = tpu.memref_squeeze %dma_wait3A_80 : memref<1x78x128xi32, #tpu.memory_space<hbm>> -> memref<78x128xi32, #tpu.memory_space<hbm>>
      tpu.wait_dma2 semaphore(%run_scoped3A_58 : memref<!tpu.dma_semaphore, #tpu.memory_space<semaphore_mem>>) src(%dma_wait3A_81 : memref<78x128xi32, #tpu.memory_space<hbm>>) dst(%dma_wait3A_78 : memref<78x128xi32, #tpu.memory_space<vmem>>)
      tpu.yield
    }) : () -> ()
    %lt3A = arith.constant 4 : i32
    %lt3A_6 = arith.cmpi slt, %add3A, %lt3A : i32
    %convert_element_type3A = arith.extui %lt3A_6 : i1 to i32
    %cond3A = arith.constant 0 : i32
    %cond3A_7 = arith.cmpi ne, %convert_element_type3A, %cond3A : i32
    scf.if %cond3A_7 {
      %add3A_58 = arith.constant 2496 : i32
      %add3A_59 = arith.addi %add3A_58, %add3A : i32
      %run_scoped3A_60 = arith.constant 0 : i32
      %run_scoped3A_61 = arith.constant 78 : i32
      "tpu.region"() ({
        %run_scoped3A_66 = tpu.sem_alloc : memref<!tpu.dma_semaphore, #tpu.memory_space<semaphore_mem>>
        %dma_start3A_67 = arith.constant 0 : i32
        %dma_start3A_68 = tpu.memref_slice %arg5[%run_scoped3A_61, %dma_start3A_67] : memref<79x128xi32, #tpu.memory_space<vmem>> -> memref<1x128xi32, #tpu.memory_space<vmem>>
        %dma_start3A_69 = tpu.memref_squeeze %dma_start3A_68 : memref<1x128xi32, #tpu.memory_space<vmem>> -> memref<128xi32, #tpu.memory_space<vmem>>
        %dma_start3A_70 = arith.constant 0 : i32
        %dma_start3A_71 = tpu.memref_slice %arg3[%run_scoped3A_60, %add3A_59, %dma_start3A_70] : memref<2x2500x128xi32, #tpu.memory_space<hbm>> -> memref<1x1x128xi32, #tpu.memory_space<hbm>>
        %dma_start3A_72 = tpu.memref_squeeze %dma_start3A_71 : memref<1x1x128xi32, #tpu.memory_space<hbm>> -> memref<128xi32, #tpu.memory_space<hbm>>
        %dma_start3A_73 = arith.constant 0 : i32
        %dma_start3A_74 = tpu.memref_slice %arg5[%run_scoped3A_61, %dma_start3A_73] : memref<79x128xi32, #tpu.memory_space<vmem>> -> memref<1x128xi32, #tpu.memory_space<vmem>>
        %dma_start3A_75 = tpu.memref_squeeze %dma_start3A_74 : memref<1x128xi32, #tpu.memory_space<vmem>> -> memref<128xi32, #tpu.memory_space<vmem>>
        %dma_start3A_76 = arith.constant 0 : i32
        %dma_start3A_77 = tpu.memref_slice %arg3[%run_scoped3A_60, %add3A_59, %dma_start3A_76] : memref<2x2500x128xi32, #tpu.memory_space<hbm>> -> memref<1x1x128xi32, #tpu.memory_space<hbm>>
        %dma_start3A_78 = tpu.memref_squeeze %dma_start3A_77 : memref<1x1x128xi32, #tpu.memory_space<hbm>> -> memref<128xi32, #tpu.memory_space<hbm>>
        tpu.enqueue_dma source(%dma_start3A_78 : memref<128xi32, #tpu.memory_space<hbm>>) target(%dma_start3A_75 : memref<128xi32, #tpu.memory_space<vmem>>) target_semaphore(%run_scoped3A_66 : memref<!tpu.dma_semaphore, #tpu.memory_space<semaphore_mem>>)
        %dma_wait3A = arith.constant 0 : i32
        %dma_wait3A_79 = tpu.memref_slice %arg5[%run_scoped3A_61, %dma_wait3A] : memref<79x128xi32, #tpu.memory_space<vmem>> -> memref<1x128xi32, #tpu.memory_space<vmem>>
        %dma_wait3A_80 = tpu.memref_squeeze %dma_wait3A_79 : memref<1x128xi32, #tpu.memory_space<vmem>> -> memref<128xi32, #tpu.memory_space<vmem>>
        %dma_wait3A_81 = arith.constant 0 : i32
        %dma_wait3A_82 = tpu.memref_slice %arg3[%run_scoped3A_60, %add3A_59, %dma_wait3A_81] : memref<2x2500x128xi32, #tpu.memory_space<hbm>> -> memref<1x1x128xi32, #tpu.memory_space<hbm>>
        %dma_wait3A_83 = tpu.memref_squeeze %dma_wait3A_82 : memref<1x1x128xi32, #tpu.memory_space<hbm>> -> memref<128xi32, #tpu.memory_space<hbm>>
        %dma_wait3A_84 = arith.constant 0 : i32
        %dma_wait3A_85 = tpu.memref_slice %arg5[%run_scoped3A_61, %dma_wait3A_84] : memref<79x128xi32, #tpu.memory_space<vmem>> -> memref<1x128xi32, #tpu.memory_space<vmem>>
        %dma_wait3A_86 = tpu.memref_squeeze %dma_wait3A_85 : memref<1x128xi32, #tpu.memory_space<vmem>> -> memref<128xi32, #tpu.memory_space<vmem>>
        %dma_wait3A_87 = arith.constant 0 : i32
        %dma_wait3A_88 = tpu.memref_slice %arg3[%run_scoped3A_60, %add3A_59, %dma_wait3A_87] : memref<2x2500x128xi32, #tpu.memory_space<hbm>> -> memref<1x1x128xi32, #tpu.memory_space<hbm>>
        %dma_wait3A_89 = tpu.memref_squeeze %dma_wait3A_88 : memref<1x1x128xi32, #tpu.memory_space<hbm>> -> memref<128xi32, #tpu.memory_space<hbm>>
        tpu.wait_dma2 semaphore(%run_scoped3A_66 : memref<!tpu.dma_semaphore, #tpu.memory_space<semaphore_mem>>) src(%dma_wait3A_89 : memref<128xi32, #tpu.memory_space<hbm>>) dst(%dma_wait3A_86 : memref<128xi32, #tpu.memory_space<vmem>>)
        tpu.yield
      }) : () -> ()
      %add3A_62 = arith.constant 2496 : i32
      %add3A_63 = arith.addi %add3A_62, %add3A : i32
      %run_scoped3A_64 = arith.constant 1 : i32
      %run_scoped3A_65 = arith.constant 78 : i32
      "tpu.region"() ({
        %run_scoped3A_66 = tpu.sem_alloc : memref<!tpu.dma_semaphore, #tpu.memory_space<semaphore_mem>>
        %dma_start3A_67 = arith.constant 0 : i32
        %dma_start3A_68 = tpu.memref_slice %arg6[%run_scoped3A_65, %dma_start3A_67] : memref<79x128xi32, #tpu.memory_space<vmem>> -> memref<1x128xi32, #tpu.memory_space<vmem>>
        %dma_start3A_69 = tpu.memref_squeeze %dma_start3A_68 : memref<1x128xi32, #tpu.memory_space<vmem>> -> memref<128xi32, #tpu.memory_space<vmem>>
        %dma_start3A_70 = arith.constant 0 : i32
        %dma_start3A_71 = tpu.memref_slice %arg3[%run_scoped3A_64, %add3A_63, %dma_start3A_70] : memref<2x2500x128xi32, #tpu.memory_space<hbm>> -> memref<1x1x128xi32, #tpu.memory_space<hbm>>
        %dma_start3A_72 = tpu.memref_squeeze %dma_start3A_71 : memref<1x1x128xi32, #tpu.memory_space<hbm>> -> memref<128xi32, #tpu.memory_space<hbm>>
        %dma_start3A_73 = arith.constant 0 : i32
        %dma_start3A_74 = tpu.memref_slice %arg6[%run_scoped3A_65, %dma_start3A_73] : memref<79x128xi32, #tpu.memory_space<vmem>> -> memref<1x128xi32, #tpu.memory_space<vmem>>
        %dma_start3A_75 = tpu.memref_squeeze %dma_start3A_74 : memref<1x128xi32, #tpu.memory_space<vmem>> -> memref<128xi32, #tpu.memory_space<vmem>>
        %dma_start3A_76 = arith.constant 0 : i32
        %dma_start3A_77 = tpu.memref_slice %arg3[%run_scoped3A_64, %add3A_63, %dma_start3A_76] : memref<2x2500x128xi32, #tpu.memory_space<hbm>> -> memref<1x1x128xi32, #tpu.memory_space<hbm>>
        %dma_start3A_78 = tpu.memref_squeeze %dma_start3A_77 : memref<1x1x128xi32, #tpu.memory_space<hbm>> -> memref<128xi32, #tpu.memory_space<hbm>>
        tpu.enqueue_dma source(%dma_start3A_78 : memref<128xi32, #tpu.memory_space<hbm>>) target(%dma_start3A_75 : memref<128xi32, #tpu.memory_space<vmem>>) target_semaphore(%run_scoped3A_66 : memref<!tpu.dma_semaphore, #tpu.memory_space<semaphore_mem>>)
        %dma_wait3A = arith.constant 0 : i32
        %dma_wait3A_79 = tpu.memref_slice %arg6[%run_scoped3A_65, %dma_wait3A] : memref<79x128xi32, #tpu.memory_space<vmem>> -> memref<1x128xi32, #tpu.memory_space<vmem>>
        %dma_wait3A_80 = tpu.memref_squeeze %dma_wait3A_79 : memref<1x128xi32, #tpu.memory_space<vmem>> -> memref<128xi32, #tpu.memory_space<vmem>>
        %dma_wait3A_81 = arith.constant 0 : i32
        %dma_wait3A_82 = tpu.memref_slice %arg3[%run_scoped3A_64, %add3A_63, %dma_wait3A_81] : memref<2x2500x128xi32, #tpu.memory_space<hbm>> -> memref<1x1x128xi32, #tpu.memory_space<hbm>>
        %dma_wait3A_83 = tpu.memref_squeeze %dma_wait3A_82 : memref<1x1x128xi32, #tpu.memory_space<hbm>> -> memref<128xi32, #tpu.memory_space<hbm>>
        %dma_wait3A_84 = arith.constant 0 : i32
        %dma_wait3A_85 = tpu.memref_slice %arg6[%run_scoped3A_65, %dma_wait3A_84] : memref<79x128xi32, #tpu.memory_space<vmem>> -> memref<1x128xi32, #tpu.memory_space<vmem>>
        %dma_wait3A_86 = tpu.memref_squeeze %dma_wait3A_85 : memref<1x128xi32, #tpu.memory_space<vmem>> -> memref<128xi32, #tpu.memory_space<vmem>>
        %dma_wait3A_87 = arith.constant 0 : i32
        %dma_wait3A_88 = tpu.memref_slice %arg3[%run_scoped3A_64, %add3A_63, %dma_wait3A_87] : memref<2x2500x128xi32, #tpu.memory_space<hbm>> -> memref<1x1x128xi32, #tpu.memory_space<hbm>>
        %dma_wait3A_89 = tpu.memref_squeeze %dma_wait3A_88 : memref<1x1x128xi32, #tpu.memory_space<hbm>> -> memref<128xi32, #tpu.memory_space<hbm>>
        tpu.wait_dma2 semaphore(%run_scoped3A_66 : memref<!tpu.dma_semaphore, #tpu.memory_space<semaphore_mem>>) src(%dma_wait3A_89 : memref<128xi32, #tpu.memory_space<hbm>>) dst(%dma_wait3A_86 : memref<128xi32, #tpu.memory_space<vmem>>)
        tpu.yield
      }) : () -> ()
    } else {
    }
    %scan3A = arith.constant 0 : i32
    %scan3A_8 = arith.constant 0 : i32
    %scan3A_9 = arith.constant 128 : i32
    %scan3A_10 = arith.addi %scan3A_8, %scan3A_9 : i32
    %scan3A_11 = arith.constant 1 : i32
    scf.for %scan3A_58 = %scan3A_8 to %scan3A_10 step %scan3A_11  : i32 {
      %broadcast_in_dim3A = arith.constant 0.000000e+00 : f32
      %broadcast_in_dim3A_59 = vector.broadcast %broadcast_in_dim3A : f32 to vector<16xf32>
      %swap3A = arith.index_cast %scan3A_58 : i32 to index
      %swap3A_60 = arith.constant 0 : index
      %swap3A_61 = tpu.vector_load %arg7[%swap3A, %swap3A_60] {strides = array<i32>} : memref<128x32xf32, #tpu.memory_space<vmem>>, vector<1x16xf32>,
      %swap3A_62 = vector.shape_cast %swap3A_61 : vector<1x16xf32> to vector<16xf32>
      %swap3A_63 = vector.shape_cast %broadcast_in_dim3A_59 : vector<16xf32> to vector<1x16xf32>
      tpu.vector_store %arg7[%swap3A, %swap3A_60], %swap3A_63 {strides = array<i32>} : memref<128x32xf32, #tpu.memory_space<vmem>>, vector<1x16xf32>,
      %broadcast_in_dim3A_64 = arith.constant 0.000000e+00 : f32
      %broadcast_in_dim3A_65 = vector.broadcast %broadcast_in_dim3A_64 : f32 to vector<16xf32>
      %swap3A_66 = arith.index_cast %scan3A_58 : i32 to index
      %swap3A_67 = arith.constant 16 : index
      %swap3A_68 = tpu.vector_load %arg7[%swap3A_66, %swap3A_67] {strides = array<i32>} : memref<128x32xf32, #tpu.memory_space<vmem>>, vector<1x16xf32>,
      %swap3A_69 = vector.shape_cast %swap3A_68 : vector<1x16xf32> to vector<16xf32>
      %swap3A_70 = vector.shape_cast %broadcast_in_dim3A_65 : vector<16xf32> to vector<1x16xf32>
      tpu.vector_store %arg7[%swap3A_66, %swap3A_67], %swap3A_70 {strides = array<i32>} : memref<128x32xf32, #tpu.memory_space<vmem>>, vector<1x16xf32>,
    }
    %scan3A_12 = arith.constant 128 : i32
    %mul3A_13 = arith.constant 640 : i32
    %mul3A_14 = arith.muli %arg1, %mul3A_13 : i32
    %mul3A_15 = arith.constant 640 : i32
    %mul3A_16 = arith.muli %arg1, %mul3A_15 : i32
    %add3A_17 = arith.constant 0 : i32
    %add3A_18 = arith.addi %mul3A_16, %add3A_17 : i32
    "tpu.region"() ({
      %run_scoped3A_58 = tpu.sem_alloc : memref<!tpu.dma_semaphore, #tpu.memory_space<semaphore_mem>>
      %dma_start3A_59 = arith.constant 0 : i32
      %dma_start3A_60 = tpu.memref_slice %arg10[%add3A_18, %dma_start3A_59] : memref<10240x32xf32, #tpu.memory_space<vmem_shared>> -> memref<128x32xf32, #tpu.memory_space<vmem_shared>>
      %dma_start3A_61 = arith.constant 0 : i32
      %dma_start3A_62 = tpu.memref_slice %arg10[%add3A_18, %dma_start3A_61] : memref<10240x32xf32, #tpu.memory_space<vmem_shared>> -> memref<128x32xf32, #tpu.memory_space<vmem_shared>>
      tpu.enqueue_dma source(%arg7 : memref<128x32xf32, #tpu.memory_space<vmem>>) target(%dma_start3A_62 : memref<128x32xf32, #tpu.memory_space<vmem_shared>>) target_semaphore(%run_scoped3A_58 : memref<!tpu.dma_semaphore, #tpu.memory_space<semaphore_mem>>)
      %dma_wait3A = arith.constant 0 : i32
      %dma_wait3A_63 = tpu.memref_slice %arg10[%add3A_18, %dma_wait3A] : memref<10240x32xf32, #tpu.memory_space<vmem_shared>> -> memref<128x32xf32, #tpu.memory_space<vmem_shared>>
      %dma_wait3A_64 = arith.constant 0 : i32
      %dma_wait3A_65 = tpu.memref_slice %arg10[%add3A_18, %dma_wait3A_64] : memref<10240x32xf32, #tpu.memory_space<vmem_shared>> -> memref<128x32xf32, #tpu.memory_space<vmem_shared>>
      tpu.wait_dma2 semaphore(%run_scoped3A_58 : memref<!tpu.dma_semaphore, #tpu.memory_space<semaphore_mem>>) src(%arg7 : memref<128x32xf32, #tpu.memory_space<vmem>>) dst(%dma_wait3A_65 : memref<128x32xf32, #tpu.memory_space<vmem_shared>>)
      tpu.yield
    }) : () -> ()
    %mul3A_19 = arith.constant 640 : i32
    %mul3A_20 = arith.muli %arg1, %mul3A_19 : i32
    %add3A_21 = arith.constant 128 : i32
    %add3A_22 = arith.addi %mul3A_20, %add3A_21 : i32
    "tpu.region"() ({
      %run_scoped3A_58 = tpu.sem_alloc : memref<!tpu.dma_semaphore, #tpu.memory_space<semaphore_mem>>
      %dma_start3A_59 = arith.constant 0 : i32
      %dma_start3A_60 = tpu.memref_slice %arg10[%add3A_22, %dma_start3A_59] : memref<10240x32xf32, #tpu.memory_space<vmem_shared>> -> memref<128x32xf32, #tpu.memory_space<vmem_shared>>
      %dma_start3A_61 = arith.constant 0 : i32
      %dma_start3A_62 = tpu.memref_slice %arg10[%add3A_22, %dma_start3A_61] : memref<10240x32xf32, #tpu.memory_space<vmem_shared>> -> memref<128x32xf32, #tpu.memory_space<vmem_shared>>
      tpu.enqueue_dma source(%arg7 : memref<128x32xf32, #tpu.memory_space<vmem>>) target(%dma_start3A_62 : memref<128x32xf32, #tpu.memory_space<vmem_shared>>) target_semaphore(%run_scoped3A_58 : memref<!tpu.dma_semaphore, #tpu.memory_space<semaphore_mem>>)
      %dma_wait3A = arith.constant 0 : i32
      %dma_wait3A_63 = tpu.memref_slice %arg10[%add3A_22, %dma_wait3A] : memref<10240x32xf32, #tpu.memory_space<vmem_shared>> -> memref<128x32xf32, #tpu.memory_space<vmem_shared>>
      %dma_wait3A_64 = arith.constant 0 : i32
      %dma_wait3A_65 = tpu.memref_slice %arg10[%add3A_22, %dma_wait3A_64] : memref<10240x32xf32, #tpu.memory_space<vmem_shared>> -> memref<128x32xf32, #tpu.memory_space<vmem_shared>>
      tpu.wait_dma2 semaphore(%run_scoped3A_58 : memref<!tpu.dma_semaphore, #tpu.memory_space<semaphore_mem>>) src(%arg7 : memref<128x32xf32, #tpu.memory_space<vmem>>) dst(%dma_wait3A_65 : memref<128x32xf32, #tpu.memory_space<vmem_shared>>)
      tpu.yield
    }) : () -> ()
    %mul3A_23 = arith.constant 640 : i32
    %mul3A_24 = arith.muli %arg1, %mul3A_23 : i32
    %add3A_25 = arith.constant 256 : i32
    %add3A_26 = arith.addi %mul3A_24, %add3A_25 : i32
    "tpu.region"() ({
      %run_scoped3A_58 = tpu.sem_alloc : memref<!tpu.dma_semaphore, #tpu.memory_space<semaphore_mem>>
      %dma_start3A_59 = arith.constant 0 : i32
      %dma_start3A_60 = tpu.memref_slice %arg10[%add3A_26, %dma_start3A_59] : memref<10240x32xf32, #tpu.memory_space<vmem_shared>> -> memref<128x32xf32, #tpu.memory_space<vmem_shared>>
      %dma_start3A_61 = arith.constant 0 : i32
      %dma_start3A_62 = tpu.memref_slice %arg10[%add3A_26, %dma_start3A_61] : memref<10240x32xf32, #tpu.memory_space<vmem_shared>> -> memref<128x32xf32, #tpu.memory_space<vmem_shared>>
      tpu.enqueue_dma source(%arg7 : memref<128x32xf32, #tpu.memory_space<vmem>>) target(%dma_start3A_62 : memref<128x32xf32, #tpu.memory_space<vmem_shared>>) target_semaphore(%run_scoped3A_58 : memref<!tpu.dma_semaphore, #tpu.memory_space<semaphore_mem>>)
      %dma_wait3A = arith.constant 0 : i32
      %dma_wait3A_63 = tpu.memref_slice %arg10[%add3A_26, %dma_wait3A] : memref<10240x32xf32, #tpu.memory_space<vmem_shared>> -> memref<128x32xf32, #tpu.memory_space<vmem_shared>>
      %dma_wait3A_64 = arith.constant 0 : i32
      %dma_wait3A_65 = tpu.memref_slice %arg10[%add3A_26, %dma_wait3A_64] : memref<10240x32xf32, #tpu.memory_space<vmem_shared>> -> memref<128x32xf32, #tpu.memory_space<vmem_shared>>
      tpu.wait_dma2 semaphore(%run_scoped3A_58 : memref<!tpu.dma_semaphore, #tpu.memory_space<semaphore_mem>>) src(%arg7 : memref<128x32xf32, #tpu.memory_space<vmem>>) dst(%dma_wait3A_65 : memref<128x32xf32, #tpu.memory_space<vmem_shared>>)
      tpu.yield
    }) : () -> ()
    %mul3A_27 = arith.constant 640 : i32
    %mul3A_28 = arith.muli %arg1, %mul3A_27 : i32
    %add3A_29 = arith.constant 384 : i32
    %add3A_30 = arith.addi %mul3A_28, %add3A_29 : i32
    "tpu.region"() ({
      %run_scoped3A_58 = tpu.sem_alloc : memref<!tpu.dma_semaphore, #tpu.memory_space<semaphore_mem>>
      %dma_start3A_59 = arith.constant 0 : i32
      %dma_start3A_60 = tpu.memref_slice %arg10[%add3A_30, %dma_start3A_59] : memref<10240x32xf32, #tpu.memory_space<vmem_shared>> -> memref<128x32xf32, #tpu.memory_space<vmem_shared>>
      %dma_start3A_61 = arith.constant 0 : i32
      %dma_start3A_62 = tpu.memref_slice %arg10[%add3A_30, %dma_start3A_61] : memref<10240x32xf32, #tpu.memory_space<vmem_shared>> -> memref<128x32xf32, #tpu.memory_space<vmem_shared>>
      tpu.enqueue_dma source(%arg7 : memref<128x32xf32, #tpu.memory_space<vmem>>) target(%dma_start3A_62 : memref<128x32xf32, #tpu.memory_space<vmem_shared>>) target_semaphore(%run_scoped3A_58 : memref<!tpu.dma_semaphore, #tpu.memory_space<semaphore_mem>>)
      %dma_wait3A = arith.constant 0 : i32
      %dma_wait3A_63 = tpu.memref_slice %arg10[%add3A_30, %dma_wait3A] : memref<10240x32xf32, #tpu.memory_space<vmem_shared>> -> memref<128x32xf32, #tpu.memory_space<vmem_shared>>
      %dma_wait3A_64 = arith.constant 0 : i32
      %dma_wait3A_65 = tpu.memref_slice %arg10[%add3A_30, %dma_wait3A_64] : memref<10240x32xf32, #tpu.memory_space<vmem_shared>> -> memref<128x32xf32, #tpu.memory_space<vmem_shared>>
      tpu.wait_dma2 semaphore(%run_scoped3A_58 : memref<!tpu.dma_semaphore, #tpu.memory_space<semaphore_mem>>) src(%arg7 : memref<128x32xf32, #tpu.memory_space<vmem>>) dst(%dma_wait3A_65 : memref<128x32xf32, #tpu.memory_space<vmem_shared>>)
      tpu.yield
    }) : () -> ()
    %mul3A_31 = arith.constant 640 : i32
    %mul3A_32 = arith.muli %arg1, %mul3A_31 : i32
    %add3A_33 = arith.constant 512 : i32
    %add3A_34 = arith.addi %mul3A_32, %add3A_33 : i32
    "tpu.region"() ({
      %run_scoped3A_58 = tpu.sem_alloc : memref<!tpu.dma_semaphore, #tpu.memory_space<semaphore_mem>>
      %dma_start3A_59 = arith.constant 0 : i32
      %dma_start3A_60 = tpu.memref_slice %arg10[%add3A_34, %dma_start3A_59] : memref<10240x32xf32, #tpu.memory_space<vmem_shared>> -> memref<128x32xf32, #tpu.memory_space<vmem_shared>>
      %dma_start3A_61 = arith.constant 0 : i32
      %dma_start3A_62 = tpu.memref_slice %arg10[%add3A_34, %dma_start3A_61] : memref<10240x32xf32, #tpu.memory_space<vmem_shared>> -> memref<128x32xf32, #tpu.memory_space<vmem_shared>>
      tpu.enqueue_dma source(%arg7 : memref<128x32xf32, #tpu.memory_space<vmem>>) target(%dma_start3A_62 : memref<128x32xf32, #tpu.memory_space<vmem_shared>>) target_semaphore(%run_scoped3A_58 : memref<!tpu.dma_semaphore, #tpu.memory_space<semaphore_mem>>)
      %dma_wait3A = arith.constant 0 : i32
      %dma_wait3A_63 = tpu.memref_slice %arg10[%add3A_34, %dma_wait3A] : memref<10240x32xf32, #tpu.memory_space<vmem_shared>> -> memref<128x32xf32, #tpu.memory_space<vmem_shared>>
      %dma_wait3A_64 = arith.constant 0 : i32
      %dma_wait3A_65 = tpu.memref_slice %arg10[%add3A_34, %dma_wait3A_64] : memref<10240x32xf32, #tpu.memory_space<vmem_shared>> -> memref<128x32xf32, #tpu.memory_space<vmem_shared>>
      tpu.wait_dma2 semaphore(%run_scoped3A_58 : memref<!tpu.dma_semaphore, #tpu.memory_space<semaphore_mem>>) src(%arg7 : memref<128x32xf32, #tpu.memory_space<vmem>>) dst(%dma_wait3A_65 : memref<128x32xf32, #tpu.memory_space<vmem_shared>>)
      tpu.yield
    }) : () -> ()
    "tpu.region"() ({
      %run_scoped3A_58 = tpu.sem_alloc : memref<!tpu.dma_semaphore, #tpu.memory_space<semaphore_mem>>
      %dma_start3A_59 = arith.constant 0 : i32
      %dma_start3A_60 = tpu.memref_slice %arg9[%mul3A_14, %dma_start3A_59] : memref<10240x32xf32, #tpu.memory_space<vmem_shared>> -> memref<640x32xf32, #tpu.memory_space<vmem_shared>>
      %dma_start3A_61 = arith.constant 0 : i32
      %dma_start3A_62 = tpu.memref_slice %arg2[%mul3A_14, %dma_start3A_61] : memref<10240x32xf32, #tpu.memory_space<hbm>> -> memref<640x32xf32, #tpu.memory_space<hbm>>
      tpu.enqueue_dma source(%dma_start3A_62 : memref<640x32xf32, #tpu.memory_space<hbm>>) target(%dma_start3A_60 : memref<640x32xf32, #tpu.memory_space<vmem_shared>>) target_semaphore(%run_scoped3A_58 : memref<!tpu.dma_semaphore, #tpu.memory_space<semaphore_mem>>)
      %dma_wait3A = arith.constant 0 : i32
      %dma_wait3A_63 = tpu.memref_slice %arg9[%mul3A_14, %dma_wait3A] : memref<10240x32xf32, #tpu.memory_space<vmem_shared>> -> memref<640x32xf32, #tpu.memory_space<vmem_shared>>
      %dma_wait3A_64 = arith.constant 0 : i32
      %dma_wait3A_65 = tpu.memref_slice %arg2[%mul3A_14, %dma_wait3A_64] : memref<10240x32xf32, #tpu.memory_space<hbm>> -> memref<640x32xf32, #tpu.memory_space<hbm>>
      tpu.wait_dma2 semaphore(%run_scoped3A_58 : memref<!tpu.dma_semaphore, #tpu.memory_space<semaphore_mem>>) src(%dma_wait3A_65 : memref<640x32xf32, #tpu.memory_space<hbm>>) dst(%dma_wait3A_63 : memref<640x32xf32, #tpu.memory_space<vmem_shared>>)
      tpu.yield
    }) : () -> ()
    %barrier3A = arith.constant 0 : index
    tpu.barrier barrier_id(%barrier3A)
    %dma_start3A = arith.constant 0 : i32
    %dma_start3A_35 = arith.constant 0 : i32
    %dma_start3A_36 = tpu.memref_slice %arg5[%dma_start3A, %dma_start3A_35] : memref<79x128xi32, #tpu.memory_space<vmem>> -> memref<1x128xi32, #tpu.memory_space<vmem>>
    %dma_start3A_37 = tpu.memref_squeeze %dma_start3A_36 : memref<1x128xi32, #tpu.memory_space<vmem>> -> memref<128xi32, #tpu.memory_space<vmem>>
    %dma_start3A_38 = arith.constant 0 : i32
    %dma_start3A_39 = arith.constant 0 : i32
    %dma_start3A_40 = tpu.memref_slice %arg9[%dma_start3A_38, %dma_start3A_39] : memref<10240x32xf32, #tpu.memory_space<vmem_shared>> -> memref<10240x32xf32, #tpu.memory_space<vmem_shared>>
    tpu.enqueue_indirect_dma source(%dma_start3A_40 : memref<10240x32xf32, #tpu.memory_space<vmem_shared>>) target(%arg7 : memref<128x32xf32, #tpu.memory_space<vmem>>) offsets(%dma_start3A_37 : memref<128xi32, #tpu.memory_space<vmem>>) semaphore(%arg11 : memref<!tpu.dma_semaphore, #tpu.memory_space<semaphore_mem>>)
    %scan3A_41 = arith.constant 0 : i32
    %scan3A_42 = arith.constant 0 : i32
    %scan3A_43 = arith.constant 39 : i32
    %scan3A_44 = arith.addi %scan3A_42, %scan3A_43 : i32
    %scan3A_45 = arith.constant 1 : i32
    scf.for %scan3A_58 = %scan3A_42 to %scan3A_44 step %scan3A_45  : i32 {
      %mul3A_59 = arith.constant 2 : i32
      %mul3A_60 = arith.muli %mul3A_59, %scan3A_58 : i32
      %dma_wait3A = arith.constant 0 : i32
      %dma_wait3A_61 = tpu.memref_slice %arg5[%mul3A_60, %dma_wait3A] : memref<79x128xi32, #tpu.memory_space<vmem>> -> memref<1x128xi32, #tpu.memory_space<vmem>>
      %dma_wait3A_62 = tpu.memref_squeeze %dma_wait3A_61 : memref<1x128xi32, #tpu.memory_space<vmem>> -> memref<128xi32, #tpu.memory_space<vmem>>
      %dma_wait3A_63 = arith.constant 0 : i32
      %dma_wait3A_64 = arith.constant 0 : i32
      %dma_wait3A_65 = tpu.memref_slice %arg9[%dma_wait3A_63, %dma_wait3A_64] : memref<10240x32xf32, #tpu.memory_space<vmem_shared>> -> memref<10240x32xf32, #tpu.memory_space<vmem_shared>>
      tpu.wait_indirect_dma semaphore(%arg11 : memref<!tpu.dma_semaphore, #tpu.memory_space<semaphore_mem>>) src(%dma_wait3A_65 : memref<10240x32xf32, #tpu.memory_space<vmem_shared>>) dst(%arg7 : memref<128x32xf32, #tpu.memory_space<vmem>>)
      %add3A_66 = arith.constant 1 : i32
      %add3A_67 = arith.addi %mul3A_60, %add3A_66 : i32
      %dma_start3A_68 = arith.constant 0 : i32
      %dma_start3A_69 = tpu.memref_slice %arg5[%add3A_67, %dma_start3A_68] : memref<79x128xi32, #tpu.memory_space<vmem>> -> memref<1x128xi32, #tpu.memory_space<vmem>>
      %dma_start3A_70 = tpu.memref_squeeze %dma_start3A_69 : memref<1x128xi32, #tpu.memory_space<vmem>> -> memref<128xi32, #tpu.memory_space<vmem>>
      %dma_start3A_71 = arith.constant 0 : i32
      %dma_start3A_72 = arith.constant 0 : i32
      %dma_start3A_73 = tpu.memref_slice %arg9[%dma_start3A_71, %dma_start3A_72] : memref<10240x32xf32, #tpu.memory_space<vmem_shared>> -> memref<10240x32xf32, #tpu.memory_space<vmem_shared>>
      tpu.enqueue_indirect_dma source(%dma_start3A_73 : memref<10240x32xf32, #tpu.memory_space<vmem_shared>>) target(%arg8 : memref<128x32xf32, #tpu.memory_space<vmem>>) offsets(%dma_start3A_70 : memref<128xi32, #tpu.memory_space<vmem>>) semaphore(%arg12 : memref<!tpu.dma_semaphore, #tpu.memory_space<semaphore_mem>>)
      "tpu.region"() ({
        %run_scoped3A_89 = tpu.sem_alloc : memref<!tpu.dma_semaphore, #tpu.memory_space<semaphore_mem>>
        %dma_start3A_90 = arith.constant 0 : i32
        %dma_start3A_91 = tpu.memref_slice %arg6[%mul3A_60, %dma_start3A_90] : memref<79x128xi32, #tpu.memory_space<vmem>> -> memref<1x128xi32, #tpu.memory_space<vmem>>
        %dma_start3A_92 = tpu.memref_squeeze %dma_start3A_91 : memref<1x128xi32, #tpu.memory_space<vmem>> -> memref<128xi32, #tpu.memory_space<vmem>>
        %dma_start3A_93 = arith.constant 0 : i32
        %dma_start3A_94 = arith.constant 0 : i32
        %dma_start3A_95 = tpu.memref_slice %arg10[%dma_start3A_93, %dma_start3A_94] : memref<10240x32xf32, #tpu.memory_space<vmem_shared>> -> memref<10240x32xf32, #tpu.memory_space<vmem_shared>>
        tpu.enqueue_indirect_dma source(%arg7 : memref<128x32xf32, #tpu.memory_space<vmem>>) target(%dma_start3A_95 : memref<10240x32xf32, #tpu.memory_space<vmem_shared>>) offsets(%dma_start3A_92 : memref<128xi32, #tpu.memory_space<vmem>>) semaphore(%run_scoped3A_89 : memref<!tpu.dma_semaphore, #tpu.memory_space<semaphore_mem>>) {add = true}
        %dma_wait3A_96 = arith.constant 0 : i32
        %dma_wait3A_97 = tpu.memref_slice %arg6[%mul3A_60, %dma_wait3A_96] : memref<79x128xi32, #tpu.memory_space<vmem>> -> memref<1x128xi32, #tpu.memory_space<vmem>>
        %dma_wait3A_98 = tpu.memref_squeeze %dma_wait3A_97 : memref<1x128xi32, #tpu.memory_space<vmem>> -> memref<128xi32, #tpu.memory_space<vmem>>
        %dma_wait3A_99 = arith.constant 0 : i32
        %dma_wait3A_100 = arith.constant 0 : i32
        %dma_wait3A_101 = tpu.memref_slice %arg10[%dma_wait3A_99, %dma_wait3A_100] : memref<10240x32xf32, #tpu.memory_space<vmem_shared>> -> memref<10240x32xf32, #tpu.memory_space<vmem_shared>>
        tpu.wait_indirect_dma semaphore(%run_scoped3A_89 : memref<!tpu.dma_semaphore, #tpu.memory_space<semaphore_mem>>) src(%arg7 : memref<128x32xf32, #tpu.memory_space<vmem>>) dst(%dma_wait3A_101 : memref<10240x32xf32, #tpu.memory_space<vmem_shared>>)
        tpu.yield
      }) : () -> ()
      %add3A_74 = arith.constant 1 : i32
      %add3A_75 = arith.addi %mul3A_60, %add3A_74 : i32
      %dma_wait3A_76 = arith.constant 0 : i32
      %dma_wait3A_77 = tpu.memref_slice %arg5[%add3A_75, %dma_wait3A_76] : memref<79x128xi32, #tpu.memory_space<vmem>> -> memref<1x128xi32, #tpu.memory_space<vmem>>
      %dma_wait3A_78 = tpu.memref_squeeze %dma_wait3A_77 : memref<1x128xi32, #tpu.memory_space<vmem>> -> memref<128xi32, #tpu.memory_space<vmem>>
      %dma_wait3A_79 = arith.constant 0 : i32
      %dma_wait3A_80 = arith.constant 0 : i32
      %dma_wait3A_81 = tpu.memref_slice %arg9[%dma_wait3A_79, %dma_wait3A_80] : memref<10240x32xf32, #tpu.memory_space<vmem_shared>> -> memref<10240x32xf32, #tpu.memory_space<vmem_shared>>
      tpu.wait_indirect_dma semaphore(%arg12 : memref<!tpu.dma_semaphore, #tpu.memory_space<semaphore_mem>>) src(%dma_wait3A_81 : memref<10240x32xf32, #tpu.memory_space<vmem_shared>>) dst(%arg8 : memref<128x32xf32, #tpu.memory_space<vmem>>)
      %lt3A_82 = arith.constant 38 : i32
      %lt3A_83 = arith.cmpi slt, %scan3A_58, %lt3A_82 : i32
      %convert_element_type3A_84 = arith.extui %lt3A_83 : i1 to i32
      %cond3A_85 = arith.constant 0 : i32
      %cond3A_86 = arith.cmpi ne, %convert_element_type3A_84, %cond3A_85 : i32
      scf.if %cond3A_86 {
        %add3A_89 = arith.constant 2 : i32
        %add3A_90 = arith.addi %mul3A_60, %add3A_89 : i32
        %dma_start3A_91 = arith.constant 0 : i32
        %dma_start3A_92 = tpu.memref_slice %arg5[%add3A_90, %dma_start3A_91] : memref<79x128xi32, #tpu.memory_space<vmem>> -> memref<1x128xi32, #tpu.memory_space<vmem>>
        %dma_start3A_93 = tpu.memref_squeeze %dma_start3A_92 : memref<1x128xi32, #tpu.memory_space<vmem>> -> memref<128xi32, #tpu.memory_space<vmem>>
        %dma_start3A_94 = arith.constant 0 : i32
        %dma_start3A_95 = arith.constant 0 : i32
        %dma_start3A_96 = tpu.memref_slice %arg9[%dma_start3A_94, %dma_start3A_95] : memref<10240x32xf32, #tpu.memory_space<vmem_shared>> -> memref<10240x32xf32, #tpu.memory_space<vmem_shared>>
        tpu.enqueue_indirect_dma source(%dma_start3A_96 : memref<10240x32xf32, #tpu.memory_space<vmem_shared>>) target(%arg7 : memref<128x32xf32, #tpu.memory_space<vmem>>) offsets(%dma_start3A_93 : memref<128xi32, #tpu.memory_space<vmem>>) semaphore(%arg11 : memref<!tpu.dma_semaphore, #tpu.memory_space<semaphore_mem>>)
      } else {
      }
      %add3A_87 = arith.constant 1 : i32
      %add3A_88 = arith.addi %mul3A_60, %add3A_87 : i32
      "tpu.region"() ({
        %run_scoped3A_89 = tpu.sem_alloc : memref<!tpu.dma_semaphore, #tpu.memory_space<semaphore_mem>>
        %dma_start3A_90 = arith.constant 0 : i32
        %dma_start3A_91 = tpu.memref_slice %arg6[%add3A_88, %dma_start3A_90] : memref<79x128xi32, #tpu.memory_space<vmem>> -> memref<1x128xi32, #tpu.memory_space<vmem>>
        %dma_start3A_92 = tpu.memref_squeeze %dma_start3A_91 : memref<1x128xi32, #tpu.memory_space<vmem>> -> memref<128xi32, #tpu.memory_space<vmem>>
        %dma_start3A_93 = arith.constant 0 : i32
        %dma_start3A_94 = arith.constant 0 : i32
        %dma_start3A_95 = tpu.memref_slice %arg10[%dma_start3A_93, %dma_start3A_94] : memref<10240x32xf32, #tpu.memory_space<vmem_shared>> -> memref<10240x32xf32, #tpu.memory_space<vmem_shared>>
        tpu.enqueue_indirect_dma source(%arg8 : memref<128x32xf32, #tpu.memory_space<vmem>>) target(%dma_start3A_95 : memref<10240x32xf32, #tpu.memory_space<vmem_shared>>) offsets(%dma_start3A_92 : memref<128xi32, #tpu.memory_space<vmem>>) semaphore(%run_scoped3A_89 : memref<!tpu.dma_semaphore, #tpu.memory_space<semaphore_mem>>) {add = true}
        %dma_wait3A_96 = arith.constant 0 : i32
        %dma_wait3A_97 = tpu.memref_slice %arg6[%add3A_88, %dma_wait3A_96] : memref<79x128xi32, #tpu.memory_space<vmem>> -> memref<1x128xi32, #tpu.memory_space<vmem>>
        %dma_wait3A_98 = tpu.memref_squeeze %dma_wait3A_97 : memref<1x128xi32, #tpu.memory_space<vmem>> -> memref<128xi32, #tpu.memory_space<vmem>>
        %dma_wait3A_99 = arith.constant 0 : i32
        %dma_wait3A_100 = arith.constant 0 : i32
        %dma_wait3A_101 = tpu.memref_slice %arg10[%dma_wait3A_99, %dma_wait3A_100] : memref<10240x32xf32, #tpu.memory_space<vmem_shared>> -> memref<10240x32xf32, #tpu.memory_space<vmem_shared>>
        tpu.wait_indirect_dma semaphore(%run_scoped3A_89 : memref<!tpu.dma_semaphore, #tpu.memory_space<semaphore_mem>>) src(%arg8 : memref<128x32xf32, #tpu.memory_space<vmem>>) dst(%dma_wait3A_101 : memref<10240x32xf32, #tpu.memory_space<vmem_shared>>)
        tpu.yield
      }) : () -> ()
    }
    %scan3A_46 = arith.constant 39 : i32
    %lt3A_47 = arith.constant 4 : i32
    %lt3A_48 = arith.cmpi slt, %add3A, %lt3A_47 : i32
    %convert_element_type3A_49 = arith.extui %lt3A_48 : i1 to i32
    %cond3A_50 = arith.constant 0 : i32
    %cond3A_51 = arith.cmpi ne, %convert_element_type3A_49, %cond3A_50 : i32
    scf.if %cond3A_51 {
      %dma_start3A_58 = arith.constant 78 : i32
      %dma_start3A_59 = arith.constant 0 : i32
      %dma_start3A_60 = tpu.memref_slice %arg5[%dma_start3A_58, %dma_start3A_59] : memref<79x128xi32, #tpu.memory_space<vmem>> -> memref<1x128xi32, #tpu.memory_space<vmem>>
      %dma_start3A_61 = tpu.memref_squeeze %dma_start3A_60 : memref<1x128xi32, #tpu.memory_space<vmem>> -> memref<128xi32, #tpu.memory_space<vmem>>
      %dma_start3A_62 = arith.constant 0 : i32
      %dma_start3A_63 = arith.constant 0 : i32
      %dma_start3A_64 = tpu.memref_slice %arg9[%dma_start3A_62, %dma_start3A_63] : memref<10240x32xf32, #tpu.memory_space<vmem_shared>> -> memref<10240x32xf32, #tpu.memory_space<vmem_shared>>
      tpu.enqueue_indirect_dma source(%dma_start3A_64 : memref<10240x32xf32, #tpu.memory_space<vmem_shared>>) target(%arg7 : memref<128x32xf32, #tpu.memory_space<vmem>>) offsets(%dma_start3A_61 : memref<128xi32, #tpu.memory_space<vmem>>) semaphore(%arg11 : memref<!tpu.dma_semaphore, #tpu.memory_space<semaphore_mem>>)
      %dma_wait3A = arith.constant 78 : i32
      %dma_wait3A_65 = arith.constant 0 : i32
      %dma_wait3A_66 = tpu.memref_slice %arg5[%dma_wait3A, %dma_wait3A_65] : memref<79x128xi32, #tpu.memory_space<vmem>> -> memref<1x128xi32, #tpu.memory_space<vmem>>
      %dma_wait3A_67 = tpu.memref_squeeze %dma_wait3A_66 : memref<1x128xi32, #tpu.memory_space<vmem>> -> memref<128xi32, #tpu.memory_space<vmem>>
      %dma_wait3A_68 = arith.constant 0 : i32
      %dma_wait3A_69 = arith.constant 0 : i32
      %dma_wait3A_70 = tpu.memref_slice %arg9[%dma_wait3A_68, %dma_wait3A_69] : memref<10240x32xf32, #tpu.memory_space<vmem_shared>> -> memref<10240x32xf32, #tpu.memory_space<vmem_shared>>
      tpu.wait_indirect_dma semaphore(%arg11 : memref<!tpu.dma_semaphore, #tpu.memory_space<semaphore_mem>>) src(%dma_wait3A_70 : memref<10240x32xf32, #tpu.memory_space<vmem_shared>>) dst(%arg7 : memref<128x32xf32, #tpu.memory_space<vmem>>)
      %run_scoped3A_71 = arith.constant 78 : i32
      "tpu.region"() ({
        %run_scoped3A_72 = tpu.sem_alloc : memref<!tpu.dma_semaphore, #tpu.memory_space<semaphore_mem>>
        %dma_start3A_73 = arith.constant 0 : i32
        %dma_start3A_74 = tpu.memref_slice %arg6[%run_scoped3A_71, %dma_start3A_73] : memref<79x128xi32, #tpu.memory_space<vmem>> -> memref<1x128xi32, #tpu.memory_space<vmem>>
        %dma_start3A_75 = tpu.memref_squeeze %dma_start3A_74 : memref<1x128xi32, #tpu.memory_space<vmem>> -> memref<128xi32, #tpu.memory_space<vmem>>
        %dma_start3A_76 = arith.constant 0 : i32
        %dma_start3A_77 = arith.constant 0 : i32
        %dma_start3A_78 = tpu.memref_slice %arg10[%dma_start3A_76, %dma_start3A_77] : memref<10240x32xf32, #tpu.memory_space<vmem_shared>> -> memref<10240x32xf32, #tpu.memory_space<vmem_shared>>
        tpu.enqueue_indirect_dma source(%arg7 : memref<128x32xf32, #tpu.memory_space<vmem>>) target(%dma_start3A_78 : memref<10240x32xf32, #tpu.memory_space<vmem_shared>>) offsets(%dma_start3A_75 : memref<128xi32, #tpu.memory_space<vmem>>) semaphore(%run_scoped3A_72 : memref<!tpu.dma_semaphore, #tpu.memory_space<semaphore_mem>>) {add = true}
        %dma_wait3A_79 = arith.constant 0 : i32
        %dma_wait3A_80 = tpu.memref_slice %arg6[%run_scoped3A_71, %dma_wait3A_79] : memref<79x128xi32, #tpu.memory_space<vmem>> -> memref<1x128xi32, #tpu.memory_space<vmem>>
        %dma_wait3A_81 = tpu.memref_squeeze %dma_wait3A_80 : memref<1x128xi32, #tpu.memory_space<vmem>> -> memref<128xi32, #tpu.memory_space<vmem>>
        %dma_wait3A_82 = arith.constant 0 : i32
        %dma_wait3A_83 = arith.constant 0 : i32
        %dma_wait3A_84 = tpu.memref_slice %arg10[%dma_wait3A_82, %dma_wait3A_83] : memref<10240x32xf32, #tpu.memory_space<vmem_shared>> -> memref<10240x32xf32, #tpu.memory_space<vmem_shared>>
        tpu.wait_indirect_dma semaphore(%run_scoped3A_72 : memref<!tpu.dma_semaphore, #tpu.memory_space<semaphore_mem>>) src(%arg7 : memref<128x32xf32, #tpu.memory_space<vmem>>) dst(%dma_wait3A_84 : memref<10240x32xf32, #tpu.memory_space<vmem_shared>>)
        tpu.yield
      }) : () -> ()
    } else {
    }
    %barrier3A_52 = arith.constant 0 : index
    tpu.barrier barrier_id(%barrier3A_52)
    %mul3A_53 = arith.constant 10240 : i32
    %mul3A_54 = arith.muli %arg0, %mul3A_53 : i32
    %mul3A_55 = arith.constant 640 : i32
    %mul3A_56 = arith.muli %arg1, %mul3A_55 : i32
    %add3A_57 = arith.addi %mul3A_54, %mul3A_56 : i32
    "tpu.region"() ({
      %run_scoped3A_58 = tpu.sem_alloc : memref<!tpu.dma_semaphore, #tpu.memory_space<semaphore_mem>>
      %dma_start3A_59 = arith.constant 0 : i32
      %dma_start3A_60 = tpu.memref_slice %arg4[%add3A_57, %dma_start3A_59] : memref<20480x32xf32, #tpu.memory_space<hbm>> -> memref<640x32xf32, #tpu.memory_space<hbm>>
      %dma_start3A_61 = arith.constant 0 : i32
      %dma_start3A_62 = tpu.memref_slice %arg10[%mul3A_14, %dma_start3A_61] : memref<10240x32xf32, #tpu.memory_space<vmem_shared>> -> memref<640x32xf32, #tpu.memory_space<vmem_shared>>
      tpu.enqueue_dma source(%dma_start3A_62 : memref<640x32xf32, #tpu.memory_space<vmem_shared>>) target(%dma_start3A_60 : memref<640x32xf32, #tpu.memory_space<hbm>>) target_semaphore(%run_scoped3A_58 : memref<!tpu.dma_semaphore, #tpu.memory_space<semaphore_mem>>)
      %dma_wait3A = arith.constant 0 : i32
      %dma_wait3A_63 = tpu.memref_slice %arg4[%add3A_57, %dma_wait3A] : memref<20480x32xf32, #tpu.memory_space<hbm>> -> memref<640x32xf32, #tpu.memory_space<hbm>>
      %dma_wait3A_64 = arith.constant 0 : i32
      %dma_wait3A_65 = tpu.memref_slice %arg10[%mul3A_14, %dma_wait3A_64] : memref<10240x32xf32, #tpu.memory_space<vmem_shared>> -> memref<640x32xf32, #tpu.memory_space<vmem_shared>>
      tpu.wait_dma2 semaphore(%run_scoped3A_58 : memref<!tpu.dma_semaphore, #tpu.memory_space<semaphore_mem>>) src(%dma_wait3A_65 : memref<640x32xf32, #tpu.memory_space<vmem_shared>>) dst(%dma_wait3A_63 : memref<640x32xf32, #tpu.memory_space<hbm>>)
      tpu.yield
    }) : () -> ()
    return
  }
}

#map = affine_map<(d0, d1) -> (0, 0)>
#map1 = affine_map<(d0, d1) -> (0, 0, 0)>
module attributes {stable_mosaic.version = 14 : i64} {
  func.func @_msg_body(%arg0: i32, %arg1: i32, %arg2: memref<10240x32xf32, #tpu.memory_space<hbm>>, %arg3: memref<2x2500x128xi32, #tpu.memory_space<hbm>>, %arg4: memref<20480x32xf32, #tpu.memory_space<hbm>>, %arg5: memref<79x128xi32, #tpu.memory_space<vmem>>, %arg6: memref<79x128xi32, #tpu.memory_space<vmem>>, %arg7: memref<128x32xf32, #tpu.memory_space<vmem>>, %arg8: memref<128x32xf32, #tpu.memory_space<vmem>>, %arg9: memref<10240x32xf32, #tpu.memory_space<vmem_shared>>, %arg10: memref<10240x32xf32, #tpu.memory_space<vmem_shared>>, %arg11: memref<!tpu.dma_semaphore, #tpu.memory_space<semaphore_mem>>, %arg12: memref<!tpu.dma_semaphore, #tpu.memory_space<semaphore_mem>>) attributes {dimension_semantics = [#tpu.dimension_semantics<core_parallel>, #tpu.dimension_semantics<subcore_parallel>], iteration_bounds = array<i64: 2, 16>, scalar_prefetch = 0 : i64, scratch_operands = 8 : i64, tpu.core_type = #tpu.core_type<sc_vector_subcore>, window_params = [{transform_indices = #map}, {transform_indices = #map1}, {transform_indices = #map}]} {
    %mul3A = arith.constant 2 : i32
    %mul3A_0 = arith.muli %arg1, %mul3A : i32
    %add3A = arith.addi %mul3A_0, %arg0 : i32
    %mul3A_1 = arith.constant 78 : i32
    %mul3A_2 = arith.muli %add3A, %mul3A_1 : i32
    %run_scoped3A = arith.constant 0 : i32
    "tpu.region"() ({
      %run_scoped3A_58 = tpu.sem_alloc : memref<!tpu.dma_semaphore, #tpu.memory_space<semaphore_mem>>
      %dma_start3A_59 = arith.constant 0 : i32
      %dma_start3A_60 = arith.constant 0 : i32
      %dma_start3A_61 = tpu.memref_slice %arg5[%dma_start3A_59, %dma_start3A_60] : memref<79x128xi32, #tpu.memory_space<vmem>> -> memref<78x128xi32, #tpu.memory_space<vmem>>
      %dma_start3A_62 = arith.constant 0 : i32
      %dma_start3A_63 = tpu.memref_slice %arg3[%run_scoped3A, %mul3A_2, %dma_start3A_62] : memref<2x2500x128xi32, #tpu.memory_space<hbm>> -> memref<1x78x128xi32, #tpu.memory_space<hbm>>
      %dma_start3A_64 = tpu.memref_squeeze %dma_start3A_63 : memref<1x78x128xi32, #tpu.memory_space<hbm>> -> memref<78x128xi32, #tpu.memory_space<hbm>>
      %dma_start3A_65 = arith.constant 0 : i32
      %dma_start3A_66 = arith.constant 0 : i32
      %dma_start3A_67 = tpu.memref_slice %arg5[%dma_start3A_65, %dma_start3A_66] : memref<79x128xi32, #tpu.memory_space<vmem>> -> memref<78x128xi32, #tpu.memory_space<vmem>>
      %dma_start3A_68 = arith.constant 0 : i32
      %dma_start3A_69 = tpu.memref_slice %arg3[%run_scoped3A, %mul3A_2, %dma_start3A_68] : memref<2x2500x128xi32, #tpu.memory_space<hbm>> -> memref<1x78x128xi32, #tpu.memory_space<hbm>>
      %dma_start3A_70 = tpu.memref_squeeze %dma_start3A_69 : memref<1x78x128xi32, #tpu.memory_space<hbm>> -> memref<78x128xi32, #tpu.memory_space<hbm>>
      tpu.enqueue_dma source(%dma_start3A_70 : memref<78x128xi32, #tpu.memory_space<hbm>>) target(%dma_start3A_67 : memref<78x128xi32, #tpu.memory_space<vmem>>) target_semaphore(%run_scoped3A_58 : memref<!tpu.dma_semaphore, #tpu.memory_space<semaphore_mem>>)
      %dma_wait3A = arith.constant 0 : i32
      %dma_wait3A_71 = arith.constant 0 : i32
      %dma_wait3A_72 = tpu.memref_slice %arg5[%dma_wait3A, %dma_wait3A_71] : memref<79x128xi32, #tpu.memory_space<vmem>> -> memref<78x128xi32, #tpu.memory_space<vmem>>
      %dma_wait3A_73 = arith.constant 0 : i32
      %dma_wait3A_74 = tpu.memref_slice %arg3[%run_scoped3A, %mul3A_2, %dma_wait3A_73] : memref<2x2500x128xi32, #tpu.memory_space<hbm>> -> memref<1x78x128xi32, #tpu.memory_space<hbm>>
      %dma_wait3A_75 = tpu.memref_squeeze %dma_wait3A_74 : memref<1x78x128xi32, #tpu.memory_space<hbm>> -> memref<78x128xi32, #tpu.memory_space<hbm>>
      %dma_wait3A_76 = arith.constant 0 : i32
      %dma_wait3A_77 = arith.constant 0 : i32
      %dma_wait3A_78 = tpu.memref_slice %arg5[%dma_wait3A_76, %dma_wait3A_77] : memref<79x128xi32, #tpu.memory_space<vmem>> -> memref<78x128xi32, #tpu.memory_space<vmem>>
      %dma_wait3A_79 = arith.constant 0 : i32
      %dma_wait3A_80 = tpu.memref_slice %arg3[%run_scoped3A, %mul3A_2, %dma_wait3A_79] : memref<2x2500x128xi32, #tpu.memory_space<hbm>> -> memref<1x78x128xi32, #tpu.memory_space<hbm>>
      %dma_wait3A_81 = tpu.memref_squeeze %dma_wait3A_80 : memref<1x78x128xi32, #tpu.memory_space<hbm>> -> memref<78x128xi32, #tpu.memory_space<hbm>>
      tpu.wait_dma2 semaphore(%run_scoped3A_58 : memref<!tpu.dma_semaphore, #tpu.memory_space<semaphore_mem>>) src(%dma_wait3A_81 : memref<78x128xi32, #tpu.memory_space<hbm>>) dst(%dma_wait3A_78 : memref<78x128xi32, #tpu.memory_space<vmem>>)
      tpu.yield
    }) : () -> ()
    %mul3A_3 = arith.constant 78 : i32
    %mul3A_4 = arith.muli %add3A, %mul3A_3 : i32
    %run_scoped3A_5 = arith.constant 1 : i32
    "tpu.region"() ({
      %run_scoped3A_58 = tpu.sem_alloc : memref<!tpu.dma_semaphore, #tpu.memory_space<semaphore_mem>>
      %dma_start3A_59 = arith.constant 0 : i32
      %dma_start3A_60 = arith.constant 0 : i32
      %dma_start3A_61 = tpu.memref_slice %arg6[%dma_start3A_59, %dma_start3A_60] : memref<79x128xi32, #tpu.memory_space<vmem>> -> memref<78x128xi32, #tpu.memory_space<vmem>>
      %dma_start3A_62 = arith.constant 0 : i32
      %dma_start3A_63 = tpu.memref_slice %arg3[%run_scoped3A_5, %mul3A_4, %dma_start3A_62] : memref<2x2500x128xi32, #tpu.memory_space<hbm>> -> memref<1x78x128xi32, #tpu.memory_space<hbm>>
      %dma_start3A_64 = tpu.memref_squeeze %dma_start3A_63 : memref<1x78x128xi32, #tpu.memory_space<hbm>> -> memref<78x128xi32, #tpu.memory_space<hbm>>
      %dma_start3A_65 = arith.constant 0 : i32
      %dma_start3A_66 = arith.constant 0 : i32
      %dma_start3A_67 = tpu.memref_slice %arg6[%dma_start3A_65, %dma_start3A_66] : memref<79x128xi32, #tpu.memory_space<vmem>> -> memref<78x128xi32, #tpu.memory_space<vmem>>
      %dma_start3A_68 = arith.constant 0 : i32
      %dma_start3A_69 = tpu.memref_slice %arg3[%run_scoped3A_5, %mul3A_4, %dma_start3A_68] : memref<2x2500x128xi32, #tpu.memory_space<hbm>> -> memref<1x78x128xi32, #tpu.memory_space<hbm>>
      %dma_start3A_70 = tpu.memref_squeeze %dma_start3A_69 : memref<1x78x128xi32, #tpu.memory_space<hbm>> -> memref<78x128xi32, #tpu.memory_space<hbm>>
      tpu.enqueue_dma source(%dma_start3A_70 : memref<78x128xi32, #tpu.memory_space<hbm>>) target(%dma_start3A_67 : memref<78x128xi32, #tpu.memory_space<vmem>>) target_semaphore(%run_scoped3A_58 : memref<!tpu.dma_semaphore, #tpu.memory_space<semaphore_mem>>)
      %dma_wait3A = arith.constant 0 : i32
      %dma_wait3A_71 = arith.constant 0 : i32
      %dma_wait3A_72 = tpu.memref_slice %arg6[%dma_wait3A, %dma_wait3A_71] : memref<79x128xi32, #tpu.memory_space<vmem>> -> memref<78x128xi32, #tpu.memory_space<vmem>>
      %dma_wait3A_73 = arith.constant 0 : i32
      %dma_wait3A_74 = tpu.memref_slice %arg3[%run_scoped3A_5, %mul3A_4, %dma_wait3A_73] : memref<2x2500x128xi32, #tpu.memory_space<hbm>> -> memref<1x78x128xi32, #tpu.memory_space<hbm>>
      %dma_wait3A_75 = tpu.memref_squeeze %dma_wait3A_74 : memref<1x78x128xi32, #tpu.memory_space<hbm>> -> memref<78x128xi32, #tpu.memory_space<hbm>>
      %dma_wait3A_76 = arith.constant 0 : i32
      %dma_wait3A_77 = arith.constant 0 : i32
      %dma_wait3A_78 = tpu.memref_slice %arg6[%dma_wait3A_76, %dma_wait3A_77] : memref<79x128xi32, #tpu.memory_space<vmem>> -> memref<78x128xi32, #tpu.memory_space<vmem>>
      %dma_wait3A_79 = arith.constant 0 : i32
      %dma_wait3A_80 = tpu.memref_slice %arg3[%run_scoped3A_5, %mul3A_4, %dma_wait3A_79] : memref<2x2500x128xi32, #tpu.memory_space<hbm>> -> memref<1x78x128xi32, #tpu.memory_space<hbm>>
      %dma_wait3A_81 = tpu.memref_squeeze %dma_wait3A_80 : memref<1x78x128xi32, #tpu.memory_space<hbm>> -> memref<78x128xi32, #tpu.memory_space<hbm>>
      tpu.wait_dma2 semaphore(%run_scoped3A_58 : memref<!tpu.dma_semaphore, #tpu.memory_space<semaphore_mem>>) src(%dma_wait3A_81 : memref<78x128xi32, #tpu.memory_space<hbm>>) dst(%dma_wait3A_78 : memref<78x128xi32, #tpu.memory_space<vmem>>)
      tpu.yield
    }) : () -> ()
    %lt3A = arith.constant 4 : i32
    %lt3A_6 = arith.cmpi slt, %add3A, %lt3A : i32
    %convert_element_type3A = arith.extui %lt3A_6 : i1 to i32
    %cond3A = arith.constant 0 : i32
    %cond3A_7 = arith.cmpi ne, %convert_element_type3A, %cond3A : i32
    scf.if %cond3A_7 {
      %add3A_58 = arith.constant 2496 : i32
      %add3A_59 = arith.addi %add3A_58, %add3A : i32
      %run_scoped3A_60 = arith.constant 0 : i32
      %run_scoped3A_61 = arith.constant 78 : i32
      "tpu.region"() ({
        %run_scoped3A_66 = tpu.sem_alloc : memref<!tpu.dma_semaphore, #tpu.memory_space<semaphore_mem>>
        %dma_start3A_67 = arith.constant 0 : i32
        %dma_start3A_68 = tpu.memref_slice %arg5[%run_scoped3A_61, %dma_start3A_67] : memref<79x128xi32, #tpu.memory_space<vmem>> -> memref<1x128xi32, #tpu.memory_space<vmem>>
        %dma_start3A_69 = tpu.memref_squeeze %dma_start3A_68 : memref<1x128xi32, #tpu.memory_space<vmem>> -> memref<128xi32, #tpu.memory_space<vmem>>
        %dma_start3A_70 = arith.constant 0 : i32
        %dma_start3A_71 = tpu.memref_slice %arg3[%run_scoped3A_60, %add3A_59, %dma_start3A_70] : memref<2x2500x128xi32, #tpu.memory_space<hbm>> -> memref<1x1x128xi32, #tpu.memory_space<hbm>>
        %dma_start3A_72 = tpu.memref_squeeze %dma_start3A_71 : memref<1x1x128xi32, #tpu.memory_space<hbm>> -> memref<128xi32, #tpu.memory_space<hbm>>
        %dma_start3A_73 = arith.constant 0 : i32
        %dma_start3A_74 = tpu.memref_slice %arg5[%run_scoped3A_61, %dma_start3A_73] : memref<79x128xi32, #tpu.memory_space<vmem>> -> memref<1x128xi32, #tpu.memory_space<vmem>>
        %dma_start3A_75 = tpu.memref_squeeze %dma_start3A_74 : memref<1x128xi32, #tpu.memory_space<vmem>> -> memref<128xi32, #tpu.memory_space<vmem>>
        %dma_start3A_76 = arith.constant 0 : i32
        %dma_start3A_77 = tpu.memref_slice %arg3[%run_scoped3A_60, %add3A_59, %dma_start3A_76] : memref<2x2500x128xi32, #tpu.memory_space<hbm>> -> memref<1x1x128xi32, #tpu.memory_space<hbm>>
        %dma_start3A_78 = tpu.memref_squeeze %dma_start3A_77 : memref<1x1x128xi32, #tpu.memory_space<hbm>> -> memref<128xi32, #tpu.memory_space<hbm>>
        tpu.enqueue_dma source(%dma_start3A_78 : memref<128xi32, #tpu.memory_space<hbm>>) target(%dma_start3A_75 : memref<128xi32, #tpu.memory_space<vmem>>) target_semaphore(%run_scoped3A_66 : memref<!tpu.dma_semaphore, #tpu.memory_space<semaphore_mem>>)
        %dma_wait3A = arith.constant 0 : i32
        %dma_wait3A_79 = tpu.memref_slice %arg5[%run_scoped3A_61, %dma_wait3A] : memref<79x128xi32, #tpu.memory_space<vmem>> -> memref<1x128xi32, #tpu.memory_space<vmem>>
        %dma_wait3A_80 = tpu.memref_squeeze %dma_wait3A_79 : memref<1x128xi32, #tpu.memory_space<vmem>> -> memref<128xi32, #tpu.memory_space<vmem>>
        %dma_wait3A_81 = arith.constant 0 : i32
        %dma_wait3A_82 = tpu.memref_slice %arg3[%run_scoped3A_60, %add3A_59, %dma_wait3A_81] : memref<2x2500x128xi32, #tpu.memory_space<hbm>> -> memref<1x1x128xi32, #tpu.memory_space<hbm>>
        %dma_wait3A_83 = tpu.memref_squeeze %dma_wait3A_82 : memref<1x1x128xi32, #tpu.memory_space<hbm>> -> memref<128xi32, #tpu.memory_space<hbm>>
        %dma_wait3A_84 = arith.constant 0 : i32
        %dma_wait3A_85 = tpu.memref_slice %arg5[%run_scoped3A_61, %dma_wait3A_84] : memref<79x128xi32, #tpu.memory_space<vmem>> -> memref<1x128xi32, #tpu.memory_space<vmem>>
        %dma_wait3A_86 = tpu.memref_squeeze %dma_wait3A_85 : memref<1x128xi32, #tpu.memory_space<vmem>> -> memref<128xi32, #tpu.memory_space<vmem>>
        %dma_wait3A_87 = arith.constant 0 : i32
        %dma_wait3A_88 = tpu.memref_slice %arg3[%run_scoped3A_60, %add3A_59, %dma_wait3A_87] : memref<2x2500x128xi32, #tpu.memory_space<hbm>> -> memref<1x1x128xi32, #tpu.memory_space<hbm>>
        %dma_wait3A_89 = tpu.memref_squeeze %dma_wait3A_88 : memref<1x1x128xi32, #tpu.memory_space<hbm>> -> memref<128xi32, #tpu.memory_space<hbm>>
        tpu.wait_dma2 semaphore(%run_scoped3A_66 : memref<!tpu.dma_semaphore, #tpu.memory_space<semaphore_mem>>) src(%dma_wait3A_89 : memref<128xi32, #tpu.memory_space<hbm>>) dst(%dma_wait3A_86 : memref<128xi32, #tpu.memory_space<vmem>>)
        tpu.yield
      }) : () -> ()
      %add3A_62 = arith.constant 2496 : i32
      %add3A_63 = arith.addi %add3A_62, %add3A : i32
      %run_scoped3A_64 = arith.constant 1 : i32
      %run_scoped3A_65 = arith.constant 78 : i32
      "tpu.region"() ({
        %run_scoped3A_66 = tpu.sem_alloc : memref<!tpu.dma_semaphore, #tpu.memory_space<semaphore_mem>>
        %dma_start3A_67 = arith.constant 0 : i32
        %dma_start3A_68 = tpu.memref_slice %arg6[%run_scoped3A_65, %dma_start3A_67] : memref<79x128xi32, #tpu.memory_space<vmem>> -> memref<1x128xi32, #tpu.memory_space<vmem>>
        %dma_start3A_69 = tpu.memref_squeeze %dma_start3A_68 : memref<1x128xi32, #tpu.memory_space<vmem>> -> memref<128xi32, #tpu.memory_space<vmem>>
        %dma_start3A_70 = arith.constant 0 : i32
        %dma_start3A_71 = tpu.memref_slice %arg3[%run_scoped3A_64, %add3A_63, %dma_start3A_70] : memref<2x2500x128xi32, #tpu.memory_space<hbm>> -> memref<1x1x128xi32, #tpu.memory_space<hbm>>
        %dma_start3A_72 = tpu.memref_squeeze %dma_start3A_71 : memref<1x1x128xi32, #tpu.memory_space<hbm>> -> memref<128xi32, #tpu.memory_space<hbm>>
        %dma_start3A_73 = arith.constant 0 : i32
        %dma_start3A_74 = tpu.memref_slice %arg6[%run_scoped3A_65, %dma_start3A_73] : memref<79x128xi32, #tpu.memory_space<vmem>> -> memref<1x128xi32, #tpu.memory_space<vmem>>
        %dma_start3A_75 = tpu.memref_squeeze %dma_start3A_74 : memref<1x128xi32, #tpu.memory_space<vmem>> -> memref<128xi32, #tpu.memory_space<vmem>>
        %dma_start3A_76 = arith.constant 0 : i32
        %dma_start3A_77 = tpu.memref_slice %arg3[%run_scoped3A_64, %add3A_63, %dma_start3A_76] : memref<2x2500x128xi32, #tpu.memory_space<hbm>> -> memref<1x1x128xi32, #tpu.memory_space<hbm>>
        %dma_start3A_78 = tpu.memref_squeeze %dma_start3A_77 : memref<1x1x128xi32, #tpu.memory_space<hbm>> -> memref<128xi32, #tpu.memory_space<hbm>>
        tpu.enqueue_dma source(%dma_start3A_78 : memref<128xi32, #tpu.memory_space<hbm>>) target(%dma_start3A_75 : memref<128xi32, #tpu.memory_space<vmem>>) target_semaphore(%run_scoped3A_66 : memref<!tpu.dma_semaphore, #tpu.memory_space<semaphore_mem>>)
        %dma_wait3A = arith.constant 0 : i32
        %dma_wait3A_79 = tpu.memref_slice %arg6[%run_scoped3A_65, %dma_wait3A] : memref<79x128xi32, #tpu.memory_space<vmem>> -> memref<1x128xi32, #tpu.memory_space<vmem>>
        %dma_wait3A_80 = tpu.memref_squeeze %dma_wait3A_79 : memref<1x128xi32, #tpu.memory_space<vmem>> -> memref<128xi32, #tpu.memory_space<vmem>>
        %dma_wait3A_81 = arith.constant 0 : i32
        %dma_wait3A_82 = tpu.memref_slice %arg3[%run_scoped3A_64, %add3A_63, %dma_wait3A_81] : memref<2x2500x128xi32, #tpu.memory_space<hbm>> -> memref<1x1x128xi32, #tpu.memory_space<hbm>>
        %dma_wait3A_83 = tpu.memref_squeeze %dma_wait3A_82 : memref<1x1x128xi32, #tpu.memory_space<hbm>> -> memref<128xi32, #tpu.memory_space<hbm>>
        %dma_wait3A_84 = arith.constant 0 : i32
        %dma_wait3A_85 = tpu.memref_slice %arg6[%run_scoped3A_65, %dma_wait3A_84] : memref<79x128xi32, #tpu.memory_space<vmem>> -> memref<1x128xi32, #tpu.memory_space<vmem>>
        %dma_wait3A_86 = tpu.memref_squeeze %dma_wait3A_85 : memref<1x128xi32, #tpu.memory_space<vmem>> -> memref<128xi32, #tpu.memory_space<vmem>>
        %dma_wait3A_87 = arith.constant 0 : i32
        %dma_wait3A_88 = tpu.memref_slice %arg3[%run_scoped3A_64, %add3A_63, %dma_wait3A_87] : memref<2x2500x128xi32, #tpu.memory_space<hbm>> -> memref<1x1x128xi32, #tpu.memory_space<hbm>>
        %dma_wait3A_89 = tpu.memref_squeeze %dma_wait3A_88 : memref<1x1x128xi32, #tpu.memory_space<hbm>> -> memref<128xi32, #tpu.memory_space<hbm>>
        tpu.wait_dma2 semaphore(%run_scoped3A_66 : memref<!tpu.dma_semaphore, #tpu.memory_space<semaphore_mem>>) src(%dma_wait3A_89 : memref<128xi32, #tpu.memory_space<hbm>>) dst(%dma_wait3A_86 : memref<128xi32, #tpu.memory_space<vmem>>)
        tpu.yield
      }) : () -> ()
    } else {
    }
    %scan3A = arith.constant 0 : i32
    %scan3A_8 = arith.constant 0 : i32
    %scan3A_9 = arith.constant 128 : i32
    %scan3A_10 = arith.addi %scan3A_8, %scan3A_9 : i32
    %scan3A_11 = arith.constant 1 : i32
    scf.for %scan3A_58 = %scan3A_8 to %scan3A_10 step %scan3A_11  : i32 {
      %broadcast_in_dim3A = arith.constant 0.000000e+00 : f32
      %broadcast_in_dim3A_59 = vector.broadcast %broadcast_in_dim3A : f32 to vector<16xf32>
      %swap3A = arith.index_cast %scan3A_58 : i32 to index
      %swap3A_60 = arith.constant 0 : index
      %swap3A_61 = tpu.vector_load %arg7[%swap3A, %swap3A_60] {strides = array<i32>} : memref<128x32xf32, #tpu.memory_space<vmem>>, vector<1x16xf32>,
      %swap3A_62 = vector.shape_cast %swap3A_61 : vector<1x16xf32> to vector<16xf32>
      %swap3A_63 = vector.shape_cast %broadcast_in_dim3A_59 : vector<16xf32> to vector<1x16xf32>
      tpu.vector_store %arg7[%swap3A, %swap3A_60], %swap3A_63 {strides = array<i32>} : memref<128x32xf32, #tpu.memory_space<vmem>>, vector<1x16xf32>,
      %broadcast_in_dim3A_64 = arith.constant 0.000000e+00 : f32
      %broadcast_in_dim3A_65 = vector.broadcast %broadcast_in_dim3A_64 : f32 to vector<16xf32>
      %swap3A_66 = arith.index_cast %scan3A_58 : i32 to index
      %swap3A_67 = arith.constant 16 : index
      %swap3A_68 = tpu.vector_load %arg7[%swap3A_66, %swap3A_67] {strides = array<i32>} : memref<128x32xf32, #tpu.memory_space<vmem>>, vector<1x16xf32>,
      %swap3A_69 = vector.shape_cast %swap3A_68 : vector<1x16xf32> to vector<16xf32>
      %swap3A_70 = vector.shape_cast %broadcast_in_dim3A_65 : vector<16xf32> to vector<1x16xf32>
      tpu.vector_store %arg7[%swap3A_66, %swap3A_67], %swap3A_70 {strides = array<i32>} : memref<128x32xf32, #tpu.memory_space<vmem>>, vector<1x16xf32>,
    }
    %scan3A_12 = arith.constant 128 : i32
    %mul3A_13 = arith.constant 640 : i32
    %mul3A_14 = arith.muli %arg1, %mul3A_13 : i32
    %mul3A_15 = arith.constant 640 : i32
    %mul3A_16 = arith.muli %arg1, %mul3A_15 : i32
    %add3A_17 = arith.constant 0 : i32
    %add3A_18 = arith.addi %mul3A_16, %add3A_17 : i32
    "tpu.region"() ({
      %run_scoped3A_58 = tpu.sem_alloc : memref<!tpu.dma_semaphore, #tpu.memory_space<semaphore_mem>>
      %dma_start3A_59 = arith.constant 0 : i32
      %dma_start3A_60 = tpu.memref_slice %arg10[%add3A_18, %dma_start3A_59] : memref<10240x32xf32, #tpu.memory_space<vmem_shared>> -> memref<128x32xf32, #tpu.memory_space<vmem_shared>>
      %dma_start3A_61 = arith.constant 0 : i32
      %dma_start3A_62 = tpu.memref_slice %arg10[%add3A_18, %dma_start3A_61] : memref<10240x32xf32, #tpu.memory_space<vmem_shared>> -> memref<128x32xf32, #tpu.memory_space<vmem_shared>>
      tpu.enqueue_dma source(%arg7 : memref<128x32xf32, #tpu.memory_space<vmem>>) target(%dma_start3A_62 : memref<128x32xf32, #tpu.memory_space<vmem_shared>>) target_semaphore(%run_scoped3A_58 : memref<!tpu.dma_semaphore, #tpu.memory_space<semaphore_mem>>)
      %dma_wait3A = arith.constant 0 : i32
      %dma_wait3A_63 = tpu.memref_slice %arg10[%add3A_18, %dma_wait3A] : memref<10240x32xf32, #tpu.memory_space<vmem_shared>> -> memref<128x32xf32, #tpu.memory_space<vmem_shared>>
      %dma_wait3A_64 = arith.constant 0 : i32
      %dma_wait3A_65 = tpu.memref_slice %arg10[%add3A_18, %dma_wait3A_64] : memref<10240x32xf32, #tpu.memory_space<vmem_shared>> -> memref<128x32xf32, #tpu.memory_space<vmem_shared>>
      tpu.wait_dma2 semaphore(%run_scoped3A_58 : memref<!tpu.dma_semaphore, #tpu.memory_space<semaphore_mem>>) src(%arg7 : memref<128x32xf32, #tpu.memory_space<vmem>>) dst(%dma_wait3A_65 : memref<128x32xf32, #tpu.memory_space<vmem_shared>>)
      tpu.yield
    }) : () -> ()
    %mul3A_19 = arith.constant 640 : i32
    %mul3A_20 = arith.muli %arg1, %mul3A_19 : i32
    %add3A_21 = arith.constant 128 : i32
    %add3A_22 = arith.addi %mul3A_20, %add3A_21 : i32
    "tpu.region"() ({
      %run_scoped3A_58 = tpu.sem_alloc : memref<!tpu.dma_semaphore, #tpu.memory_space<semaphore_mem>>
      %dma_start3A_59 = arith.constant 0 : i32
      %dma_start3A_60 = tpu.memref_slice %arg10[%add3A_22, %dma_start3A_59] : memref<10240x32xf32, #tpu.memory_space<vmem_shared>> -> memref<128x32xf32, #tpu.memory_space<vmem_shared>>
      %dma_start3A_61 = arith.constant 0 : i32
      %dma_start3A_62 = tpu.memref_slice %arg10[%add3A_22, %dma_start3A_61] : memref<10240x32xf32, #tpu.memory_space<vmem_shared>> -> memref<128x32xf32, #tpu.memory_space<vmem_shared>>
      tpu.enqueue_dma source(%arg7 : memref<128x32xf32, #tpu.memory_space<vmem>>) target(%dma_start3A_62 : memref<128x32xf32, #tpu.memory_space<vmem_shared>>) target_semaphore(%run_scoped3A_58 : memref<!tpu.dma_semaphore, #tpu.memory_space<semaphore_mem>>)
      %dma_wait3A = arith.constant 0 : i32
      %dma_wait3A_63 = tpu.memref_slice %arg10[%add3A_22, %dma_wait3A] : memref<10240x32xf32, #tpu.memory_space<vmem_shared>> -> memref<128x32xf32, #tpu.memory_space<vmem_shared>>
      %dma_wait3A_64 = arith.constant 0 : i32
      %dma_wait3A_65 = tpu.memref_slice %arg10[%add3A_22, %dma_wait3A_64] : memref<10240x32xf32, #tpu.memory_space<vmem_shared>> -> memref<128x32xf32, #tpu.memory_space<vmem_shared>>
      tpu.wait_dma2 semaphore(%run_scoped3A_58 : memref<!tpu.dma_semaphore, #tpu.memory_space<semaphore_mem>>) src(%arg7 : memref<128x32xf32, #tpu.memory_space<vmem>>) dst(%dma_wait3A_65 : memref<128x32xf32, #tpu.memory_space<vmem_shared>>)
      tpu.yield
    }) : () -> ()
    %mul3A_23 = arith.constant 640 : i32
    %mul3A_24 = arith.muli %arg1, %mul3A_23 : i32
    %add3A_25 = arith.constant 256 : i32
    %add3A_26 = arith.addi %mul3A_24, %add3A_25 : i32
    "tpu.region"() ({
      %run_scoped3A_58 = tpu.sem_alloc : memref<!tpu.dma_semaphore, #tpu.memory_space<semaphore_mem>>
      %dma_start3A_59 = arith.constant 0 : i32
      %dma_start3A_60 = tpu.memref_slice %arg10[%add3A_26, %dma_start3A_59] : memref<10240x32xf32, #tpu.memory_space<vmem_shared>> -> memref<128x32xf32, #tpu.memory_space<vmem_shared>>
      %dma_start3A_61 = arith.constant 0 : i32
      %dma_start3A_62 = tpu.memref_slice %arg10[%add3A_26, %dma_start3A_61] : memref<10240x32xf32, #tpu.memory_space<vmem_shared>> -> memref<128x32xf32, #tpu.memory_space<vmem_shared>>
      tpu.enqueue_dma source(%arg7 : memref<128x32xf32, #tpu.memory_space<vmem>>) target(%dma_start3A_62 : memref<128x32xf32, #tpu.memory_space<vmem_shared>>) target_semaphore(%run_scoped3A_58 : memref<!tpu.dma_semaphore, #tpu.memory_space<semaphore_mem>>)
      %dma_wait3A = arith.constant 0 : i32
      %dma_wait3A_63 = tpu.memref_slice %arg10[%add3A_26, %dma_wait3A] : memref<10240x32xf32, #tpu.memory_space<vmem_shared>> -> memref<128x32xf32, #tpu.memory_space<vmem_shared>>
      %dma_wait3A_64 = arith.constant 0 : i32
      %dma_wait3A_65 = tpu.memref_slice %arg10[%add3A_26, %dma_wait3A_64] : memref<10240x32xf32, #tpu.memory_space<vmem_shared>> -> memref<128x32xf32, #tpu.memory_space<vmem_shared>>
      tpu.wait_dma2 semaphore(%run_scoped3A_58 : memref<!tpu.dma_semaphore, #tpu.memory_space<semaphore_mem>>) src(%arg7 : memref<128x32xf32, #tpu.memory_space<vmem>>) dst(%dma_wait3A_65 : memref<128x32xf32, #tpu.memory_space<vmem_shared>>)
      tpu.yield
    }) : () -> ()
    %mul3A_27 = arith.constant 640 : i32
    %mul3A_28 = arith.muli %arg1, %mul3A_27 : i32
    %add3A_29 = arith.constant 384 : i32
    %add3A_30 = arith.addi %mul3A_28, %add3A_29 : i32
    "tpu.region"() ({
      %run_scoped3A_58 = tpu.sem_alloc : memref<!tpu.dma_semaphore, #tpu.memory_space<semaphore_mem>>
      %dma_start3A_59 = arith.constant 0 : i32
      %dma_start3A_60 = tpu.memref_slice %arg10[%add3A_30, %dma_start3A_59] : memref<10240x32xf32, #tpu.memory_space<vmem_shared>> -> memref<128x32xf32, #tpu.memory_space<vmem_shared>>
      %dma_start3A_61 = arith.constant 0 : i32
      %dma_start3A_62 = tpu.memref_slice %arg10[%add3A_30, %dma_start3A_61] : memref<10240x32xf32, #tpu.memory_space<vmem_shared>> -> memref<128x32xf32, #tpu.memory_space<vmem_shared>>
      tpu.enqueue_dma source(%arg7 : memref<128x32xf32, #tpu.memory_space<vmem>>) target(%dma_start3A_62 : memref<128x32xf32, #tpu.memory_space<vmem_shared>>) target_semaphore(%run_scoped3A_58 : memref<!tpu.dma_semaphore, #tpu.memory_space<semaphore_mem>>)
      %dma_wait3A = arith.constant 0 : i32
      %dma_wait3A_63 = tpu.memref_slice %arg10[%add3A_30, %dma_wait3A] : memref<10240x32xf32, #tpu.memory_space<vmem_shared>> -> memref<128x32xf32, #tpu.memory_space<vmem_shared>>
      %dma_wait3A_64 = arith.constant 0 : i32
      %dma_wait3A_65 = tpu.memref_slice %arg10[%add3A_30, %dma_wait3A_64] : memref<10240x32xf32, #tpu.memory_space<vmem_shared>> -> memref<128x32xf32, #tpu.memory_space<vmem_shared>>
      tpu.wait_dma2 semaphore(%run_scoped3A_58 : memref<!tpu.dma_semaphore, #tpu.memory_space<semaphore_mem>>) src(%arg7 : memref<128x32xf32, #tpu.memory_space<vmem>>) dst(%dma_wait3A_65 : memref<128x32xf32, #tpu.memory_space<vmem_shared>>)
      tpu.yield
    }) : () -> ()
    %mul3A_31 = arith.constant 640 : i32
    %mul3A_32 = arith.muli %arg1, %mul3A_31 : i32
    %add3A_33 = arith.constant 512 : i32
    %add3A_34 = arith.addi %mul3A_32, %add3A_33 : i32
    "tpu.region"() ({
      %run_scoped3A_58 = tpu.sem_alloc : memref<!tpu.dma_semaphore, #tpu.memory_space<semaphore_mem>>
      %dma_start3A_59 = arith.constant 0 : i32
      %dma_start3A_60 = tpu.memref_slice %arg10[%add3A_34, %dma_start3A_59] : memref<10240x32xf32, #tpu.memory_space<vmem_shared>> -> memref<128x32xf32, #tpu.memory_space<vmem_shared>>
      %dma_start3A_61 = arith.constant 0 : i32
      %dma_start3A_62 = tpu.memref_slice %arg10[%add3A_34, %dma_start3A_61] : memref<10240x32xf32, #tpu.memory_space<vmem_shared>> -> memref<128x32xf32, #tpu.memory_space<vmem_shared>>
      tpu.enqueue_dma source(%arg7 : memref<128x32xf32, #tpu.memory_space<vmem>>) target(%dma_start3A_62 : memref<128x32xf32, #tpu.memory_space<vmem_shared>>) target_semaphore(%run_scoped3A_58 : memref<!tpu.dma_semaphore, #tpu.memory_space<semaphore_mem>>)
      %dma_wait3A = arith.constant 0 : i32
      %dma_wait3A_63 = tpu.memref_slice %arg10[%add3A_34, %dma_wait3A] : memref<10240x32xf32, #tpu.memory_space<vmem_shared>> -> memref<128x32xf32, #tpu.memory_space<vmem_shared>>
      %dma_wait3A_64 = arith.constant 0 : i32
      %dma_wait3A_65 = tpu.memref_slice %arg10[%add3A_34, %dma_wait3A_64] : memref<10240x32xf32, #tpu.memory_space<vmem_shared>> -> memref<128x32xf32, #tpu.memory_space<vmem_shared>>
      tpu.wait_dma2 semaphore(%run_scoped3A_58 : memref<!tpu.dma_semaphore, #tpu.memory_space<semaphore_mem>>) src(%arg7 : memref<128x32xf32, #tpu.memory_space<vmem>>) dst(%dma_wait3A_65 : memref<128x32xf32, #tpu.memory_space<vmem_shared>>)
      tpu.yield
    }) : () -> ()
    "tpu.region"() ({
      %run_scoped3A_58 = tpu.sem_alloc : memref<!tpu.dma_semaphore, #tpu.memory_space<semaphore_mem>>
      %dma_start3A_59 = arith.constant 0 : i32
      %dma_start3A_60 = tpu.memref_slice %arg9[%mul3A_14, %dma_start3A_59] : memref<10240x32xf32, #tpu.memory_space<vmem_shared>> -> memref<640x32xf32, #tpu.memory_space<vmem_shared>>
      %dma_start3A_61 = arith.constant 0 : i32
      %dma_start3A_62 = tpu.memref_slice %arg2[%mul3A_14, %dma_start3A_61] : memref<10240x32xf32, #tpu.memory_space<hbm>> -> memref<640x32xf32, #tpu.memory_space<hbm>>
      tpu.enqueue_dma source(%dma_start3A_62 : memref<640x32xf32, #tpu.memory_space<hbm>>) target(%dma_start3A_60 : memref<640x32xf32, #tpu.memory_space<vmem_shared>>) target_semaphore(%run_scoped3A_58 : memref<!tpu.dma_semaphore, #tpu.memory_space<semaphore_mem>>)
      %dma_wait3A = arith.constant 0 : i32
      %dma_wait3A_63 = tpu.memref_slice %arg9[%mul3A_14, %dma_wait3A] : memref<10240x32xf32, #tpu.memory_space<vmem_shared>> -> memref<640x32xf32, #tpu.memory_space<vmem_shared>>
      %dma_wait3A_64 = arith.constant 0 : i32
      %dma_wait3A_65 = tpu.memref_slice %arg2[%mul3A_14, %dma_wait3A_64] : memref<10240x32xf32, #tpu.memory_space<hbm>> -> memref<640x32xf32, #tpu.memory_space<hbm>>
      tpu.wait_dma2 semaphore(%run_scoped3A_58 : memref<!tpu.dma_semaphore, #tpu.memory_space<semaphore_mem>>) src(%dma_wait3A_65 : memref<640x32xf32, #tpu.memory_space<hbm>>) dst(%dma_wait3A_63 : memref<640x32xf32, #tpu.memory_space<vmem_shared>>)
      tpu.yield
    }) : () -> ()
    %barrier3A = arith.constant 0 : index
    tpu.barrier barrier_id(%barrier3A)
    %dma_start3A = arith.constant 0 : i32
    %dma_start3A_35 = arith.constant 0 : i32
    %dma_start3A_36 = tpu.memref_slice %arg5[%dma_start3A, %dma_start3A_35] : memref<79x128xi32, #tpu.memory_space<vmem>> -> memref<1x128xi32, #tpu.memory_space<vmem>>
    %dma_start3A_37 = tpu.memref_squeeze %dma_start3A_36 : memref<1x128xi32, #tpu.memory_space<vmem>> -> memref<128xi32, #tpu.memory_space<vmem>>
    %dma_start3A_38 = arith.constant 0 : i32
    %dma_start3A_39 = arith.constant 0 : i32
    %dma_start3A_40 = tpu.memref_slice %arg9[%dma_start3A_38, %dma_start3A_39] : memref<10240x32xf32, #tpu.memory_space<vmem_shared>> -> memref<10240x32xf32, #tpu.memory_space<vmem_shared>>
    tpu.enqueue_indirect_dma source(%dma_start3A_40 : memref<10240x32xf32, #tpu.memory_space<vmem_shared>>) target(%arg7 : memref<128x32xf32, #tpu.memory_space<vmem>>) offsets(%dma_start3A_37 : memref<128xi32, #tpu.memory_space<vmem>>) semaphore(%arg11 : memref<!tpu.dma_semaphore, #tpu.memory_space<semaphore_mem>>)
    %scan3A_41 = arith.constant 0 : i32
    %scan3A_42 = arith.constant 0 : i32
    %scan3A_43 = arith.constant 39 : i32
    %scan3A_44 = arith.addi %scan3A_42, %scan3A_43 : i32
    %scan3A_45 = arith.constant 1 : i32
    scf.for %scan3A_58 = %scan3A_42 to %scan3A_44 step %scan3A_45  : i32 {
      %mul3A_59 = arith.constant 2 : i32
      %mul3A_60 = arith.muli %mul3A_59, %scan3A_58 : i32
      %dma_wait3A = arith.constant 0 : i32
      %dma_wait3A_61 = tpu.memref_slice %arg5[%mul3A_60, %dma_wait3A] : memref<79x128xi32, #tpu.memory_space<vmem>> -> memref<1x128xi32, #tpu.memory_space<vmem>>
      %dma_wait3A_62 = tpu.memref_squeeze %dma_wait3A_61 : memref<1x128xi32, #tpu.memory_space<vmem>> -> memref<128xi32, #tpu.memory_space<vmem>>
      %dma_wait3A_63 = arith.constant 0 : i32
      %dma_wait3A_64 = arith.constant 0 : i32
      %dma_wait3A_65 = tpu.memref_slice %arg9[%dma_wait3A_63, %dma_wait3A_64] : memref<10240x32xf32, #tpu.memory_space<vmem_shared>> -> memref<10240x32xf32, #tpu.memory_space<vmem_shared>>
      tpu.wait_indirect_dma semaphore(%arg11 : memref<!tpu.dma_semaphore, #tpu.memory_space<semaphore_mem>>) src(%dma_wait3A_65 : memref<10240x32xf32, #tpu.memory_space<vmem_shared>>) dst(%arg7 : memref<128x32xf32, #tpu.memory_space<vmem>>)
      %add3A_66 = arith.constant 1 : i32
      %add3A_67 = arith.addi %mul3A_60, %add3A_66 : i32
      %dma_start3A_68 = arith.constant 0 : i32
      %dma_start3A_69 = tpu.memref_slice %arg5[%add3A_67, %dma_start3A_68] : memref<79x128xi32, #tpu.memory_space<vmem>> -> memref<1x128xi32, #tpu.memory_space<vmem>>
      %dma_start3A_70 = tpu.memref_squeeze %dma_start3A_69 : memref<1x128xi32, #tpu.memory_space<vmem>> -> memref<128xi32, #tpu.memory_space<vmem>>
      %dma_start3A_71 = arith.constant 0 : i32
      %dma_start3A_72 = arith.constant 0 : i32
      %dma_start3A_73 = tpu.memref_slice %arg9[%dma_start3A_71, %dma_start3A_72] : memref<10240x32xf32, #tpu.memory_space<vmem_shared>> -> memref<10240x32xf32, #tpu.memory_space<vmem_shared>>
      tpu.enqueue_indirect_dma source(%dma_start3A_73 : memref<10240x32xf32, #tpu.memory_space<vmem_shared>>) target(%arg8 : memref<128x32xf32, #tpu.memory_space<vmem>>) offsets(%dma_start3A_70 : memref<128xi32, #tpu.memory_space<vmem>>) semaphore(%arg12 : memref<!tpu.dma_semaphore, #tpu.memory_space<semaphore_mem>>)
      "tpu.region"() ({
        %run_scoped3A_89 = tpu.sem_alloc : memref<!tpu.dma_semaphore, #tpu.memory_space<semaphore_mem>>
        %dma_start3A_90 = arith.constant 0 : i32
        %dma_start3A_91 = tpu.memref_slice %arg6[%mul3A_60, %dma_start3A_90] : memref<79x128xi32, #tpu.memory_space<vmem>> -> memref<1x128xi32, #tpu.memory_space<vmem>>
        %dma_start3A_92 = tpu.memref_squeeze %dma_start3A_91 : memref<1x128xi32, #tpu.memory_space<vmem>> -> memref<128xi32, #tpu.memory_space<vmem>>
        %dma_start3A_93 = arith.constant 0 : i32
        %dma_start3A_94 = arith.constant 0 : i32
        %dma_start3A_95 = tpu.memref_slice %arg10[%dma_start3A_93, %dma_start3A_94] : memref<10240x32xf32, #tpu.memory_space<vmem_shared>> -> memref<10240x32xf32, #tpu.memory_space<vmem_shared>>
        tpu.enqueue_indirect_dma source(%arg7 : memref<128x32xf32, #tpu.memory_space<vmem>>) target(%dma_start3A_95 : memref<10240x32xf32, #tpu.memory_space<vmem_shared>>) offsets(%dma_start3A_92 : memref<128xi32, #tpu.memory_space<vmem>>) semaphore(%run_scoped3A_89 : memref<!tpu.dma_semaphore, #tpu.memory_space<semaphore_mem>>) {add = true}
        %dma_wait3A_96 = arith.constant 0 : i32
        %dma_wait3A_97 = tpu.memref_slice %arg6[%mul3A_60, %dma_wait3A_96] : memref<79x128xi32, #tpu.memory_space<vmem>> -> memref<1x128xi32, #tpu.memory_space<vmem>>
        %dma_wait3A_98 = tpu.memref_squeeze %dma_wait3A_97 : memref<1x128xi32, #tpu.memory_space<vmem>> -> memref<128xi32, #tpu.memory_space<vmem>>
        %dma_wait3A_99 = arith.constant 0 : i32
        %dma_wait3A_100 = arith.constant 0 : i32
        %dma_wait3A_101 = tpu.memref_slice %arg10[%dma_wait3A_99, %dma_wait3A_100] : memref<10240x32xf32, #tpu.memory_space<vmem_shared>> -> memref<10240x32xf32, #tpu.memory_space<vmem_shared>>
        tpu.wait_indirect_dma semaphore(%run_scoped3A_89 : memref<!tpu.dma_semaphore, #tpu.memory_space<semaphore_mem>>) src(%arg7 : memref<128x32xf32, #tpu.memory_space<vmem>>) dst(%dma_wait3A_101 : memref<10240x32xf32, #tpu.memory_space<vmem_shared>>)
        tpu.yield
      }) : () -> ()
      %add3A_74 = arith.constant 1 : i32
      %add3A_75 = arith.addi %mul3A_60, %add3A_74 : i32
      %dma_wait3A_76 = arith.constant 0 : i32
      %dma_wait3A_77 = tpu.memref_slice %arg5[%add3A_75, %dma_wait3A_76] : memref<79x128xi32, #tpu.memory_space<vmem>> -> memref<1x128xi32, #tpu.memory_space<vmem>>
      %dma_wait3A_78 = tpu.memref_squeeze %dma_wait3A_77 : memref<1x128xi32, #tpu.memory_space<vmem>> -> memref<128xi32, #tpu.memory_space<vmem>>
      %dma_wait3A_79 = arith.constant 0 : i32
      %dma_wait3A_80 = arith.constant 0 : i32
      %dma_wait3A_81 = tpu.memref_slice %arg9[%dma_wait3A_79, %dma_wait3A_80] : memref<10240x32xf32, #tpu.memory_space<vmem_shared>> -> memref<10240x32xf32, #tpu.memory_space<vmem_shared>>
      tpu.wait_indirect_dma semaphore(%arg12 : memref<!tpu.dma_semaphore, #tpu.memory_space<semaphore_mem>>) src(%dma_wait3A_81 : memref<10240x32xf32, #tpu.memory_space<vmem_shared>>) dst(%arg8 : memref<128x32xf32, #tpu.memory_space<vmem>>)
      %lt3A_82 = arith.constant 38 : i32
      %lt3A_83 = arith.cmpi slt, %scan3A_58, %lt3A_82 : i32
      %convert_element_type3A_84 = arith.extui %lt3A_83 : i1 to i32
      %cond3A_85 = arith.constant 0 : i32
      %cond3A_86 = arith.cmpi ne, %convert_element_type3A_84, %cond3A_85 : i32
      scf.if %cond3A_86 {
        %add3A_89 = arith.constant 2 : i32
        %add3A_90 = arith.addi %mul3A_60, %add3A_89 : i32
        %dma_start3A_91 = arith.constant 0 : i32
        %dma_start3A_92 = tpu.memref_slice %arg5[%add3A_90, %dma_start3A_91] : memref<79x128xi32, #tpu.memory_space<vmem>> -> memref<1x128xi32, #tpu.memory_space<vmem>>
        %dma_start3A_93 = tpu.memref_squeeze %dma_start3A_92 : memref<1x128xi32, #tpu.memory_space<vmem>> -> memref<128xi32, #tpu.memory_space<vmem>>
        %dma_start3A_94 = arith.constant 0 : i32
        %dma_start3A_95 = arith.constant 0 : i32
        %dma_start3A_96 = tpu.memref_slice %arg9[%dma_start3A_94, %dma_start3A_95] : memref<10240x32xf32, #tpu.memory_space<vmem_shared>> -> memref<10240x32xf32, #tpu.memory_space<vmem_shared>>
        tpu.enqueue_indirect_dma source(%dma_start3A_96 : memref<10240x32xf32, #tpu.memory_space<vmem_shared>>) target(%arg7 : memref<128x32xf32, #tpu.memory_space<vmem>>) offsets(%dma_start3A_93 : memref<128xi32, #tpu.memory_space<vmem>>) semaphore(%arg11 : memref<!tpu.dma_semaphore, #tpu.memory_space<semaphore_mem>>)
      } else {
      }
      %add3A_87 = arith.constant 1 : i32
      %add3A_88 = arith.addi %mul3A_60, %add3A_87 : i32
      "tpu.region"() ({
        %run_scoped3A_89 = tpu.sem_alloc : memref<!tpu.dma_semaphore, #tpu.memory_space<semaphore_mem>>
        %dma_start3A_90 = arith.constant 0 : i32
        %dma_start3A_91 = tpu.memref_slice %arg6[%add3A_88, %dma_start3A_90] : memref<79x128xi32, #tpu.memory_space<vmem>> -> memref<1x128xi32, #tpu.memory_space<vmem>>
        %dma_start3A_92 = tpu.memref_squeeze %dma_start3A_91 : memref<1x128xi32, #tpu.memory_space<vmem>> -> memref<128xi32, #tpu.memory_space<vmem>>
        %dma_start3A_93 = arith.constant 0 : i32
        %dma_start3A_94 = arith.constant 0 : i32
        %dma_start3A_95 = tpu.memref_slice %arg10[%dma_start3A_93, %dma_start3A_94] : memref<10240x32xf32, #tpu.memory_space<vmem_shared>> -> memref<10240x32xf32, #tpu.memory_space<vmem_shared>>
        tpu.enqueue_indirect_dma source(%arg8 : memref<128x32xf32, #tpu.memory_space<vmem>>) target(%dma_start3A_95 : memref<10240x32xf32, #tpu.memory_space<vmem_shared>>) offsets(%dma_start3A_92 : memref<128xi32, #tpu.memory_space<vmem>>) semaphore(%run_scoped3A_89 : memref<!tpu.dma_semaphore, #tpu.memory_space<semaphore_mem>>) {add = true}
        %dma_wait3A_96 = arith.constant 0 : i32
        %dma_wait3A_97 = tpu.memref_slice %arg6[%add3A_88, %dma_wait3A_96] : memref<79x128xi32, #tpu.memory_space<vmem>> -> memref<1x128xi32, #tpu.memory_space<vmem>>
        %dma_wait3A_98 = tpu.memref_squeeze %dma_wait3A_97 : memref<1x128xi32, #tpu.memory_space<vmem>> -> memref<128xi32, #tpu.memory_space<vmem>>
        %dma_wait3A_99 = arith.constant 0 : i32
        %dma_wait3A_100 = arith.constant 0 : i32
        %dma_wait3A_101 = tpu.memref_slice %arg10[%dma_wait3A_99, %dma_wait3A_100] : memref<10240x32xf32, #tpu.memory_space<vmem_shared>> -> memref<10240x32xf32, #tpu.memory_space<vmem_shared>>
        tpu.wait_indirect_dma semaphore(%run_scoped3A_89 : memref<!tpu.dma_semaphore, #tpu.memory_space<semaphore_mem>>) src(%arg8 : memref<128x32xf32, #tpu.memory_space<vmem>>) dst(%dma_wait3A_101 : memref<10240x32xf32, #tpu.memory_space<vmem_shared>>)
        tpu.yield
      }) : () -> ()
    }
    %scan3A_46 = arith.constant 39 : i32
    %lt3A_47 = arith.constant 4 : i32
    %lt3A_48 = arith.cmpi slt, %add3A, %lt3A_47 : i32
    %convert_element_type3A_49 = arith.extui %lt3A_48 : i1 to i32
    %cond3A_50 = arith.constant 0 : i32
    %cond3A_51 = arith.cmpi ne, %convert_element_type3A_49, %cond3A_50 : i32
    scf.if %cond3A_51 {
      %dma_start3A_58 = arith.constant 78 : i32
      %dma_start3A_59 = arith.constant 0 : i32
      %dma_start3A_60 = tpu.memref_slice %arg5[%dma_start3A_58, %dma_start3A_59] : memref<79x128xi32, #tpu.memory_space<vmem>> -> memref<1x128xi32, #tpu.memory_space<vmem>>
      %dma_start3A_61 = tpu.memref_squeeze %dma_start3A_60 : memref<1x128xi32, #tpu.memory_space<vmem>> -> memref<128xi32, #tpu.memory_space<vmem>>
      %dma_start3A_62 = arith.constant 0 : i32
      %dma_start3A_63 = arith.constant 0 : i32
      %dma_start3A_64 = tpu.memref_slice %arg9[%dma_start3A_62, %dma_start3A_63] : memref<10240x32xf32, #tpu.memory_space<vmem_shared>> -> memref<10240x32xf32, #tpu.memory_space<vmem_shared>>
      tpu.enqueue_indirect_dma source(%dma_start3A_64 : memref<10240x32xf32, #tpu.memory_space<vmem_shared>>) target(%arg7 : memref<128x32xf32, #tpu.memory_space<vmem>>) offsets(%dma_start3A_61 : memref<128xi32, #tpu.memory_space<vmem>>) semaphore(%arg11 : memref<!tpu.dma_semaphore, #tpu.memory_space<semaphore_mem>>)
      %dma_wait3A = arith.constant 78 : i32
      %dma_wait3A_65 = arith.constant 0 : i32
      %dma_wait3A_66 = tpu.memref_slice %arg5[%dma_wait3A, %dma_wait3A_65] : memref<79x128xi32, #tpu.memory_space<vmem>> -> memref<1x128xi32, #tpu.memory_space<vmem>>
      %dma_wait3A_67 = tpu.memref_squeeze %dma_wait3A_66 : memref<1x128xi32, #tpu.memory_space<vmem>> -> memref<128xi32, #tpu.memory_space<vmem>>
      %dma_wait3A_68 = arith.constant 0 : i32
      %dma_wait3A_69 = arith.constant 0 : i32
      %dma_wait3A_70 = tpu.memref_slice %arg9[%dma_wait3A_68, %dma_wait3A_69] : memref<10240x32xf32, #tpu.memory_space<vmem_shared>> -> memref<10240x32xf32, #tpu.memory_space<vmem_shared>>
      tpu.wait_indirect_dma semaphore(%arg11 : memref<!tpu.dma_semaphore, #tpu.memory_space<semaphore_mem>>) src(%dma_wait3A_70 : memref<10240x32xf32, #tpu.memory_space<vmem_shared>>) dst(%arg7 : memref<128x32xf32, #tpu.memory_space<vmem>>)
      %run_scoped3A_71 = arith.constant 78 : i32
      "tpu.region"() ({
        %run_scoped3A_72 = tpu.sem_alloc : memref<!tpu.dma_semaphore, #tpu.memory_space<semaphore_mem>>
        %dma_start3A_73 = arith.constant 0 : i32
        %dma_start3A_74 = tpu.memref_slice %arg6[%run_scoped3A_71, %dma_start3A_73] : memref<79x128xi32, #tpu.memory_space<vmem>> -> memref<1x128xi32, #tpu.memory_space<vmem>>
        %dma_start3A_75 = tpu.memref_squeeze %dma_start3A_74 : memref<1x128xi32, #tpu.memory_space<vmem>> -> memref<128xi32, #tpu.memory_space<vmem>>
        %dma_start3A_76 = arith.constant 0 : i32
        %dma_start3A_77 = arith.constant 0 : i32
        %dma_start3A_78 = tpu.memref_slice %arg10[%dma_start3A_76, %dma_start3A_77] : memref<10240x32xf32, #tpu.memory_space<vmem_shared>> -> memref<10240x32xf32, #tpu.memory_space<vmem_shared>>
        tpu.enqueue_indirect_dma source(%arg7 : memref<128x32xf32, #tpu.memory_space<vmem>>) target(%dma_start3A_78 : memref<10240x32xf32, #tpu.memory_space<vmem_shared>>) offsets(%dma_start3A_75 : memref<128xi32, #tpu.memory_space<vmem>>) semaphore(%run_scoped3A_72 : memref<!tpu.dma_semaphore, #tpu.memory_space<semaphore_mem>>) {add = true}
        %dma_wait3A_79 = arith.constant 0 : i32
        %dma_wait3A_80 = tpu.memref_slice %arg6[%run_scoped3A_71, %dma_wait3A_79] : memref<79x128xi32, #tpu.memory_space<vmem>> -> memref<1x128xi32, #tpu.memory_space<vmem>>
        %dma_wait3A_81 = tpu.memref_squeeze %dma_wait3A_80 : memref<1x128xi32, #tpu.memory_space<vmem>> -> memref<128xi32, #tpu.memory_space<vmem>>
        %dma_wait3A_82 = arith.constant 0 : i32
        %dma_wait3A_83 = arith.constant 0 : i32
        %dma_wait3A_84 = tpu.memref_slice %arg10[%dma_wait3A_82, %dma_wait3A_83] : memref<10240x32xf32, #tpu.memory_space<vmem_shared>> -> memref<10240x32xf32, #tpu.memory_space<vmem_shared>>
        tpu.wait_indirect_dma semaphore(%run_scoped3A_72 : memref<!tpu.dma_semaphore, #tpu.memory_space<semaphore_mem>>) src(%arg7 : memref<128x32xf32, #tpu.memory_space<vmem>>) dst(%dma_wait3A_84 : memref<10240x32xf32, #tpu.memory_space<vmem_shared>>)
        tpu.yield
      }) : () -> ()
    } else {
    }
    %barrier3A_52 = arith.constant 0 : index
    tpu.barrier barrier_id(%barrier3A_52)
    %mul3A_53 = arith.constant 10240 : i32
    %mul3A_54 = arith.muli %arg0, %mul3A_53 : i32
    %mul3A_55 = arith.constant 640 : i32
    %mul3A_56 = arith.muli %arg1, %mul3A_55 : i32
    %add3A_57 = arith.addi %mul3A_54, %mul3A_56 : i32
    "tpu.region"() ({
      %run_scoped3A_58 = tpu.sem_alloc : memref<!tpu.dma_semaphore, #tpu.memory_space<semaphore_mem>>
      %dma_start3A_59 = arith.constant 0 : i32
      %dma_start3A_60 = tpu.memref_slice %arg4[%add3A_57, %dma_start3A_59] : memref<20480x32xf32, #tpu.memory_space<hbm>> -> memref<640x32xf32, #tpu.memory_space<hbm>>
      %dma_start3A_61 = arith.constant 0 : i32
      %dma_start3A_62 = tpu.memref_slice %arg10[%mul3A_14, %dma_start3A_61] : memref<10240x32xf32, #tpu.memory_space<vmem_shared>> -> memref<640x32xf32, #tpu.memory_space<vmem_shared>>
      tpu.enqueue_dma source(%dma_start3A_62 : memref<640x32xf32, #tpu.memory_space<vmem_shared>>) target(%dma_start3A_60 : memref<640x32xf32, #tpu.memory_space<hbm>>) target_semaphore(%run_scoped3A_58 : memref<!tpu.dma_semaphore, #tpu.memory_space<semaphore_mem>>)
      %dma_wait3A = arith.constant 0 : i32
      %dma_wait3A_63 = tpu.memref_slice %arg4[%add3A_57, %dma_wait3A] : memref<20480x32xf32, #tpu.memory_space<hbm>> -> memref<640x32xf32, #tpu.memory_space<hbm>>
      %dma_wait3A_64 = arith.constant 0 : i32
      %dma_wait3A_65 = tpu.memref_slice %arg10[%mul3A_14, %dma_wait3A_64] : memref<10240x32xf32, #tpu.memory_space<vmem_shared>> -> memref<640x32xf32, #tpu.memory_space<vmem_shared>>
      tpu.wait_dma2 semaphore(%run_scoped3A_58 : memref<!tpu.dma_semaphore, #tpu.memory_space<semaphore_mem>>) src(%dma_wait3A_65 : memref<640x32xf32, #tpu.memory_space<vmem_shared>>) dst(%dma_wait3A_63 : memref<640x32xf32, #tpu.memory_space<hbm>>)
      tpu.yield
    }) : () -> ()
    return
  }
}

module attributes {stable_mosaic.version = 14 : i64} {
  func.func @_prep_body(%arg0: memref<10000x128xf32, #tpu.memory_space<vmem>>, %arg1: memref<128x32xf32, #tpu.memory_space<vmem>>, %arg2: memref<2x10240x16xf32, #tpu.memory_space<vmem>>, %arg3: memref<10240x32xf32, #tpu.memory_space<vmem>>, %arg4: memref<10240x1xf32, #tpu.memory_space<vmem>>) attributes {dimension_semantics = [], scalar_prefetch = 0 : i64, scratch_operands = 0 : i64, tpu.core_type = #tpu.core_type<tc>} {
    %get3A = arith.constant 0 : index
    %get3A_0 = arith.constant 0 : index
    %get3A_1 = arith.constant 0 : index
    %get3A_2 = vector.load %arg2[%get3A, %get3A_0, %get3A_1] : memref<2x10240x16xf32, #tpu.memory_space<vmem>>, vector<1x10240x16xf32>
    %get3A_3 = vector.shape_cast %get3A_2 : vector<1x10240x16xf32> to vector<10240x16xf32>
    %get3A_4 = arith.constant 1 : index
    %get3A_5 = arith.constant 0 : index
    %get3A_6 = arith.constant 0 : index
    %get3A_7 = vector.load %arg2[%get3A_4, %get3A_5, %get3A_6] : memref<2x10240x16xf32, #tpu.memory_space<vmem>>, vector<1x10240x16xf32>
    %get3A_8 = vector.shape_cast %get3A_7 : vector<1x10240x16xf32> to vector<10240x16xf32>
    %add3A = arith.addf %get3A_3, %get3A_8 : vector<10240x16xf32>
    %reduce_sum3A = arith.constant dense<0.000000e+00> : vector<10240xf32>
    %reduce_sum3A_9 = vector.multi_reduction <add>, %add3A, %reduce_sum3A [1] : vector<10240x16xf32> to vector<10240xf32>
    %broadcast_in_dim3A = vector.shape_cast %reduce_sum3A_9 : vector<10240xf32> to vector<10240x1xf32>
    %mul3A = arith.constant 6.250000e-02 : f32
    %mul3A_10 = vector.broadcast %mul3A : f32 to vector<10240x1xf32>
    %mul3A_11 = arith.mulf %broadcast_in_dim3A, %mul3A_10 : vector<10240x1xf32>
    %add3A_12 = arith.constant 1.000000e+00 : f32
    %add3A_13 = vector.broadcast %add3A_12 : f32 to vector<10240x1xf32>
    %add3A_14 = arith.addf %mul3A_11, %add3A_13 : vector<10240x1xf32>
    %rsqrt3A = math.rsqrt %add3A_14 : vector<10240x1xf32>
    %get3A_15 = arith.constant 0 : index
    %get3A_16 = arith.constant 0 : index
    %get3A_17 = vector.load %arg0[%get3A_15, %get3A_16] : memref<10000x128xf32, #tpu.memory_space<vmem>>, vector<10000x128xf32>
    %get3A_18 = arith.constant 0 : index
    %get3A_19 = arith.constant 0 : index
    %get3A_20 = vector.load %arg1[%get3A_18, %get3A_19] : memref<128x32xf32, #tpu.memory_space<vmem>>, vector<128x32xf32>
    %dot_general3A = arith.constant dense<0.000000e+00> : vector<10000x32xf32>
    %dot_general3A_21 = tpu.matmul %get3A_17, %get3A_20, %dot_general3A {dimension_numbers = #tpu.dot_dimension_numbers<[1], [0], [0], [1], [0, 0, 1, 1], [], []>, transpose_lhs_hint = false} : vector<10000x128xf32>, vector<128x32xf32>, vector<10000x32xf32> -> vector<10000x32xf32>
    %slice3A = vector.extract_strided_slice %rsqrt3A {offsets = [0, 0], sizes = [10000, 1], strides = [1, 1]} : vector<10240x1xf32> to vector<10000x1xf32>
    %mul3A_22 = vector.broadcast %slice3A : vector<10000x1xf32> to vector<10000x32xf32>
    %mul3A_23 = arith.mulf %dot_general3A_21, %mul3A_22 : vector<10000x32xf32>
    %swap3A = arith.constant 0 : index
    %swap3A_24 = arith.constant 0 : index
    %swap3A_25 = vector.load %arg3[%swap3A, %swap3A_24] : memref<10240x32xf32, #tpu.memory_space<vmem>>, vector<10000x32xf32>
    tpu.vector_store %arg3[%swap3A, %swap3A_24], %mul3A_23 {strides = array<i32>} : memref<10240x32xf32, #tpu.memory_space<vmem>>, vector<10000x32xf32>,
    %broadcast_in_dim3A_26 = arith.constant 0.000000e+00 : f32
    %broadcast_in_dim3A_27 = vector.broadcast %broadcast_in_dim3A_26 : f32 to vector<240x32xf32>
    %swap3A_28 = arith.constant 10000 : index
    %swap3A_29 = arith.constant 0 : index
    %swap3A_30 = vector.load %arg3[%swap3A_28, %swap3A_29] : memref<10240x32xf32, #tpu.memory_space<vmem>>, vector<240x32xf32>
    tpu.vector_store %arg3[%swap3A_28, %swap3A_29], %broadcast_in_dim3A_27 {strides = array<i32>} : memref<10240x32xf32, #tpu.memory_space<vmem>>, vector<240x32xf32>,
    %swap3A_31 = arith.constant 0 : index
    %swap3A_32 = arith.constant 0 : index
    %swap3A_33 = vector.load %arg4[%swap3A_31, %swap3A_32] : memref<10240x1xf32, #tpu.memory_space<vmem>>, vector<10240x1xf32>
    tpu.vector_store %arg4[%swap3A_31, %swap3A_32], %rsqrt3A {strides = array<i32>} : memref<10240x1xf32, #tpu.memory_space<vmem>>, vector<10240x1xf32>,
    return
  }
}

module attributes {stable_mosaic.version = 14 : i64} {
  func.func @_mid_body(%arg0: memref<2x10240x32xf32, #tpu.memory_space<vmem>>, %arg1: memref<10240x32xf32, #tpu.memory_space<vmem>>, %arg2: memref<10240x1xf32, #tpu.memory_space<vmem>>, %arg3: memref<32x32xf32, #tpu.memory_space<vmem>>, %arg4: memref<32xf32, #tpu.memory_space<vmem>>, %arg5: memref<10240x32xf32, #tpu.memory_space<vmem>>) attributes {dimension_semantics = [], scalar_prefetch = 0 : i64, scratch_operands = 0 : i64, tpu.core_type = #tpu.core_type<tc>} {
    %get3A = arith.constant 0 : index
    %get3A_0 = arith.constant 0 : index
    %get3A_1 = arith.constant 0 : index
    %get3A_2 = vector.load %arg0[%get3A, %get3A_0, %get3A_1] : memref<2x10240x32xf32, #tpu.memory_space<vmem>>, vector<1x10240x32xf32>
    %get3A_3 = vector.shape_cast %get3A_2 : vector<1x10240x32xf32> to vector<10240x32xf32>
    %get3A_4 = arith.constant 1 : index
    %get3A_5 = arith.constant 0 : index
    %get3A_6 = arith.constant 0 : index
    %get3A_7 = vector.load %arg0[%get3A_4, %get3A_5, %get3A_6] : memref<2x10240x32xf32, #tpu.memory_space<vmem>>, vector<1x10240x32xf32>
    %get3A_8 = vector.shape_cast %get3A_7 : vector<1x10240x32xf32> to vector<10240x32xf32>
    %add3A = arith.addf %get3A_3, %get3A_8 : vector<10240x32xf32>
    %get3A_9 = arith.constant 0 : index
    %get3A_10 = arith.constant 0 : index
    %get3A_11 = vector.load %arg1[%get3A_9, %get3A_10] : memref<10240x32xf32, #tpu.memory_space<vmem>>, vector<10240x32xf32>
    %add3A_12 = arith.addf %add3A, %get3A_11 : vector<10240x32xf32>
    %get3A_13 = arith.constant 0 : index
    %get3A_14 = arith.constant 0 : index
    %get3A_15 = vector.load %arg2[%get3A_13, %get3A_14] : memref<10240x1xf32, #tpu.memory_space<vmem>>, vector<10240x1xf32>
    %mul3A = vector.broadcast %get3A_15 : vector<10240x1xf32> to vector<10240x32xf32>
    %mul3A_16 = arith.mulf %add3A_12, %mul3A : vector<10240x32xf32>
    %get3A_17 = arith.constant 0 : index
    %get3A_18 = vector.load %arg4[%get3A_17] : memref<32xf32, #tpu.memory_space<vmem>>, vector<32xf32>
    %broadcast_in_dim3A = vector.shape_cast %get3A_18 : vector<32xf32> to vector<1x32xf32>
    %add3A_19 = vector.broadcast %broadcast_in_dim3A : vector<1x32xf32> to vector<10240x32xf32>
    %add3A_20 = arith.addf %mul3A_16, %add3A_19 : vector<10240x32xf32>
    %max3A = arith.constant 0.000000e+00 : f32
    %max3A_21 = vector.broadcast %max3A : f32 to vector<10240x32xf32>
    %max3A_22 = arith.maximumf %add3A_20, %max3A_21 : vector<10240x32xf32>
    %get3A_23 = arith.constant 0 : index
    %get3A_24 = arith.constant 0 : index
    %get3A_25 = vector.load %arg3[%get3A_23, %get3A_24] : memref<32x32xf32, #tpu.memory_space<vmem>>, vector<32x32xf32>
    %dot_general3A = arith.constant dense<0.000000e+00> : vector<10240x32xf32>
    %dot_general3A_26 = tpu.matmul %max3A_22, %get3A_25, %dot_general3A {dimension_numbers = #tpu.dot_dimension_numbers<[1], [0], [0], [1], [0, 0, 1, 1], [], []>, transpose_lhs_hint = false} : vector<10240x32xf32>, vector<32x32xf32>, vector<10240x32xf32> -> vector<10240x32xf32>
    %get3A_27 = arith.constant 0 : index
    %get3A_28 = arith.constant 0 : index
    %get3A_29 = vector.load %arg2[%get3A_27, %get3A_28] : memref<10240x1xf32, #tpu.memory_space<vmem>>, vector<10240x1xf32>
    %mul3A_30 = vector.broadcast %get3A_29 : vector<10240x1xf32> to vector<10240x32xf32>
    %mul3A_31 = arith.mulf %dot_general3A_26, %mul3A_30 : vector<10240x32xf32>
    %swap3A = arith.constant 0 : index
    %swap3A_32 = arith.constant 0 : index
    %swap3A_33 = vector.load %arg5[%swap3A, %swap3A_32] : memref<10240x32xf32, #tpu.memory_space<vmem>>, vector<10240x32xf32>
    tpu.vector_store %arg5[%swap3A, %swap3A_32], %mul3A_31 {strides = array<i32>} : memref<10240x32xf32, #tpu.memory_space<vmem>>, vector<10240x32xf32>,
    return
  }
}

module attributes {stable_mosaic.version = 14 : i64} {
  func.func @_fin_body(%arg0: memref<2x10240x32xf32, #tpu.memory_space<vmem>>, %arg1: memref<10240x32xf32, #tpu.memory_space<vmem>>, %arg2: memref<10240x1xf32, #tpu.memory_space<vmem>>, %arg3: memref<32xf32, #tpu.memory_space<vmem>>, %arg4: memref<32x1xf32, #tpu.memory_space<vmem>>, %arg5: memref<1xf32, #tpu.memory_space<vmem>>, %arg6: memref<10000x1xi32, #tpu.memory_space<vmem>>, %arg7: memref<64xf32, #tpu.memory_space<vmem>>) attributes {dimension_semantics = [], scalar_prefetch = 0 : i64, scratch_operands = 0 : i64, tpu.core_type = #tpu.core_type<tc>} {
    %get3A = arith.constant 0 : index
    %get3A_0 = arith.constant 0 : index
    %get3A_1 = arith.constant 0 : index
    %get3A_2 = vector.load %arg0[%get3A, %get3A_0, %get3A_1] : memref<2x10240x32xf32, #tpu.memory_space<vmem>>, vector<1x10000x32xf32>
    %get3A_3 = vector.shape_cast %get3A_2 : vector<1x10000x32xf32> to vector<10000x32xf32>
    %get3A_4 = arith.constant 1 : index
    %get3A_5 = arith.constant 0 : index
    %get3A_6 = arith.constant 0 : index
    %get3A_7 = vector.load %arg0[%get3A_4, %get3A_5, %get3A_6] : memref<2x10240x32xf32, #tpu.memory_space<vmem>>, vector<1x10000x32xf32>
    %get3A_8 = vector.shape_cast %get3A_7 : vector<1x10000x32xf32> to vector<10000x32xf32>
    %add3A = arith.addf %get3A_3, %get3A_8 : vector<10000x32xf32>
    %get3A_9 = arith.constant 0 : index
    %get3A_10 = arith.constant 0 : index
    %get3A_11 = vector.load %arg1[%get3A_9, %get3A_10] : memref<10240x32xf32, #tpu.memory_space<vmem>>, vector<10000x32xf32>
    %add3A_12 = arith.addf %add3A, %get3A_11 : vector<10000x32xf32>
    %get3A_13 = arith.constant 0 : index
    %get3A_14 = arith.constant 0 : index
    %get3A_15 = vector.load %arg2[%get3A_13, %get3A_14] : memref<10240x1xf32, #tpu.memory_space<vmem>>, vector<10000x1xf32>
    %mul3A = vector.broadcast %get3A_15 : vector<10000x1xf32> to vector<10000x32xf32>
    %mul3A_16 = arith.mulf %add3A_12, %mul3A : vector<10000x32xf32>
    %get3A_17 = arith.constant 0 : index
    %get3A_18 = vector.load %arg3[%get3A_17] : memref<32xf32, #tpu.memory_space<vmem>>, vector<32xf32>
    %broadcast_in_dim3A = vector.shape_cast %get3A_18 : vector<32xf32> to vector<1x32xf32>
    %add3A_19 = vector.broadcast %broadcast_in_dim3A : vector<1x32xf32> to vector<10000x32xf32>
    %add3A_20 = arith.addf %mul3A_16, %add3A_19 : vector<10000x32xf32>
    %max3A = arith.constant 0.000000e+00 : f32
    %max3A_21 = vector.broadcast %max3A : f32 to vector<10000x32xf32>
    %max3A_22 = arith.maximumf %add3A_20, %max3A_21 : vector<10000x32xf32>
    %get3A_23 = arith.constant 0 : index
    %get3A_24 = arith.constant 0 : index
    %get3A_25 = vector.load %arg4[%get3A_23, %get3A_24] : memref<32x1xf32, #tpu.memory_space<vmem>>, vector<32x1xf32>
    %dot_general3A = arith.constant dense<0.000000e+00> : vector<10000x1xf32>
    %dot_general3A_26 = tpu.matmul %max3A_22, %get3A_25, %dot_general3A {dimension_numbers = #tpu.dot_dimension_numbers<[1], [0], [0], [1], [0, 0, 1, 1], [], []>, transpose_lhs_hint = false} : vector<10000x32xf32>, vector<32x1xf32>, vector<10000x1xf32> -> vector<10000x1xf32>
    %get3A_27 = arith.constant 0 : index
    %get3A_28 = arith.constant 0 : index
    %get3A_29 = vector.load %arg6[%get3A_27, %get3A_28] : memref<10000x1xi32, #tpu.memory_space<vmem>>, vector<10000x1xi32>
    %iota3A = tpu.iota {dimensions = array<i32: 1>} : vector<10000x64xi32>
    %eq3A = vector.broadcast %get3A_29 : vector<10000x1xi32> to vector<10000x64xi32>
    %eq3A_30 = arith.cmpi eq, %eq3A, %iota3A : vector<10000x64xi32>
    %convert_element_type3A = arith.extui %eq3A_30 : vector<10000x64xi1> to vector<10000x64xi32>
    %convert_element_type3A_31 = arith.sitofp %convert_element_type3A : vector<10000x64xi32> to vector<10000x64xf32>
    %broadcast_in_dim3A_32 = arith.constant 1.000000e+00 : f32
    %broadcast_in_dim3A_33 = vector.broadcast %broadcast_in_dim3A_32 : f32 to vector<10000x1xf32>
    %concatenate3A = tpu.concatenate %dot_general3A_26, %broadcast_in_dim3A_33 in 1 : vector<10000x1xf32>, vector<10000x1xf32> -> vector<10000x2xf32>
    %dot_general3A_34 = arith.constant dense<0.000000e+00> : vector<64x2xf32>
    %dot_general3A_35 = tpu.matmul %convert_element_type3A_31, %concatenate3A, %dot_general3A_34 {dimension_numbers = #tpu.dot_dimension_numbers<[0], [0], [1], [1], [0, 1, 1, 1], [], []>, transpose_lhs_hint = false} : vector<10000x64xf32>, vector<10000x2xf32>, vector<64x2xf32> -> vector<64x2xf32>
    %slice3A = vector.extract_strided_slice %dot_general3A_35 {offsets = [0, 0], sizes = [64, 1], strides = [1, 1]} : vector<64x2xf32> to vector<64x1xf32>
    %squeeze3A = vector.shape_cast %slice3A : vector<64x1xf32> to vector<64xf32>
    %slice3A_36 = vector.extract_strided_slice %dot_general3A_35 {offsets = [0, 1], sizes = [64, 1], strides = [1, 1]} : vector<64x2xf32> to vector<64x1xf32>
    %squeeze3A_37 = vector.shape_cast %slice3A_36 : vector<64x1xf32> to vector<64xf32>
    %max3A_38 = arith.constant 1.000000e+00 : f32
    %max3A_39 = vector.broadcast %max3A_38 : f32 to vector<64xf32>
    %max3A_40 = arith.maximumf %squeeze3A_37, %max3A_39 : vector<64xf32>
    %div3A = arith.divf %squeeze3A, %max3A_40 : vector<64xf32>
    %get3A_41 = arith.constant 0 : index
    %get3A_42 = vector.load %arg5[%get3A_41] : memref<1xf32, #tpu.memory_space<vmem>>, vector<1xf32>
    %add3A_43 = vector.broadcast %get3A_42 : vector<1xf32> to vector<64xf32>
    %add3A_44 = arith.addf %div3A, %add3A_43 : vector<64xf32>
    %swap3A = arith.constant 0 : index
    %swap3A_45 = vector.load %arg7[%swap3A] : memref<64xf32, #tpu.memory_space<vmem>>, vector<64xf32>
    tpu.vector_store %arg7[%swap3A], %add3A_44 {strides = array<i32>} : memref<64xf32, #tpu.memory_space<vmem>>, vector<64xf32>,
    return
  }
}

</mosaic_0001>

<sc_bundles>
// kernel: kernel.11.cloned.1.call-start
scs
__scs_entry_jumppad:
0x0: {  	(pc) =	sbr.rel $0x88, $3  }
0x1: {  	(tag) =	ssettag $0x0;
	lr =	simm.s32 $0x1  }
0x2: {  	[smem:$0x3F98] =	sst lr;
	_ =	strace $0xD0000000  }
0x3: {  	_ = 	snop  }
0x4: {  	_ = 	snop  }
0x5: {  	_ = 	snop  }
0x6: {  	_ = 	snop  }
0x7: {  	_ = 	snop  }
__scs_overlays_trampoline_lowered:
0x8: {  	[smem:$0x3FA7] =	sst s0  }
0x9: {  	[smem:$0x3FA8] =	sst s1  }
0xa: {  	[smem:$0x3FA9] =	sst s2  }
0xb: {  	[smem:$0x3FAA] =	sst s3  }
0xc: {  	[smem:$0x3FAB] =	sst s4  }
0xd: {  	[smem:$0x3FAC] =	sst s5  }
0xe: {  	[smem:$0x3FAD] =	sst s6  }
0xf: {  	[smem:$0x3FAE] =	sst s7  }
0x10: {  	[smem:$0x3FAF] =	sst s8  }
0x11: {  	[smem:$0x3FB0] =	sst s9;
	s0 =	simm.s32 @!p0 $0x0  }
0x12: {  	s1 =	sld [smem:$0x3F96];
	s0 =	simm.s32 @p0 $0x1  }
0x13: {  	[smem:$0x3FB1] =	sst s0;
	s0 =	simm.s32 @!p1 $0x0  }
0x14: {  	s2 =	sld [smem:$0x3F95];
	s0 =	simm.s32 @p1 $0x1  }
0x15: {  	[smem:$0x3FB2] =	sst s0;
	s0 =	simm.s32 @!p2 $0x0  }
0x16: {  	s3 =	sld [smem:$0x3FDB];
	s0 =	simm.s32 @p2 $0x1  }
0x17: {  	s4 =	simm.s32 $0x1BF5;
	[smem:$0x3FB4] =	sst s0  }
0x18: {  	s0 =	sld [smem:$0x3F97];
	_ =	swait.ge [sflag:s4], $0x0  }
0x19: {  	s7 =	sld [smem:$0x3F98]  }
0x1a: {  	s8 =	sadd.s32 $0xFFFFE003, lr  }
0x1b: {  	s9 =	sadd.s32 $0xFFFFFEF7, lr;
	s5 =	simm.s32 $0xFFFFFFFF;
	p2 =	slt.u32 s8, $0xFFFFF086  }
0x1c: {  	p1 =	slt.u32 s9, $0xF7A;
	s5 =	simm.s32 @!p2 $0x0  }
0x1d: {  	s5 =	simm.s32 @p1 $0x1;
	p0 =	seq.s32 s7, s2  }
0x1e: {  	s7 =	smul.u32 @!p0 $0xF7A, s2;
	p2 =	seq.s32 @!p0 s5, $0x0  }
0x1f: {  	s9 =	smul.u32 $0xF7A, s1;
	s8 =	simm.s32 @!p0 $0x1BF5;
	p2 =	por !p2, p0  }
0x20: {  	[sflag:s8] =	ssyncset.s32 @!p0 $0xFFFFF086;
	s6 =	sadd.s32 @!p0 s3, s7;
	s7 =	simm.s32 @!p0 $0x108  }
0x21: {  	s3 =	sadd.s32 s3, s9;
	s6 =	sadd.s32 @!p0 $0x88, s6;
	s7 =	simm.s32 @p2 $0x1082  }
0x22: {  	[simem:s7], [sflag:s8] =	dma.local @!p0 [hbm:s6], $0xF7A  }
0x23: {  	s9 =	sor.u32 $0xD0000000, s2;
	s6 =	simm.s32 $0x108;
	_ =	swait.ge @!p0 [sflag:s8], $0x0  }
0x24: {  	s3 =	sadd.s32 $0x88, s3;
	s6 =	simm.s32 @!p1 $0x1082;
	[sflag:s4] =	ssyncset.s32 $0xFFFFF086  }
0x25: {  	[simem:s6], [sflag:s4] =	dma.local [hbm:s3], $0xF7A  }
0x26: {  	[smem:$0x3F98] =	sst s1;
	(tag) =	ssettag s2;
	_ =	strace s9  }
0x27: {  	s1 =	sld [smem:$0x3FA8]  }
0x28: {  	s2 =	sld [smem:$0x3FA9]  }
0x29: {  	s4 =	sld [smem:$0x3FAB]  }
0x2a: {  	p0 =	seq.s32 s5, $0x0;
	s5 =	sld [smem:$0x3FAC]  }
0x2b: {  	s6 =	sld [smem:$0x3FAD]  }
0x2c: {  	s7 =	sld [smem:$0x3FAE]  }
0x2d: {  	s3 =	simm.s32 $0x108;
	s8 =	sld [smem:$0x3FAF]  }
0x2e: {  	s3 =	simm.s32 @!p0 $0x1082;
	s9 =	sld [smem:$0x3FB0]  }
0x2f: {  	lr =	sadd.s32 s0, s3;
	s0 =	sld [smem:$0x3FA7]  }
0x30: {  	s3 =	sld [smem:$0x3FAA]  }
0x31: {  	[smem:$0x3FB3] =	sst s10  }
0x32: {  	s10 =	sld [smem:$0x3FB1];
	_ =	sdelay $0x3  }
0x33: {  	p0 =	seq.s32 s10, $0x1;
	s10 =	sld [smem:$0x3FB3];
	_ =	sdelay $0x3  }
0x34: {  	[smem:$0x3FB3] =	sst s10  }
0x35: {  	s10 =	sld [smem:$0x3FB2];
	_ =	sdelay $0x3  }
0x36: {  	p1 =	seq.s32 s10, $0x1;
	s10 =	sld [smem:$0x3FB3];
	_ =	sdelay $0x3  }
0x37: {  	[smem:$0x3FB3] =	sst s10  }
0x38: {  	s10 =	sld [smem:$0x3FB4]  }
0x39: {  	_ = 	snop;
	(pc) =	sbr.ind lr, $3  }
0x3a: {  	_ = 	snop  }
0x3b: {  	_ = 	snop  }
0x3c: {  	p2 =	seq.s32 s10, $0x1;
	s10 =	sld [smem:$0x3FB3]  }
0x3d: {  	_ =	shalt  }
0x3e: {  	_ =	shalt  }
0x3f: {  	_ =	shalt  }
0x40: {  	_ =	shalt  }
0x41: {  	_ =	shalt  }
0x42: {  	_ =	shalt  }
0x43: {  	_ =	shalt  }
0x44: {  	_ =	shalt  }
0x45: {  	_ =	shalt  }
0x46: {  	_ =	shalt  }
0x47: {  	_ =	shalt  }
0x48: {  	_ =	shalt  }
0x49: {  	_ =	shalt  }
0x4a: {  	_ =	shalt  }
0x4b: {  	_ =	shalt  }
0x4c: {  	_ =	shalt  }
0x4d: {  	_ =	shalt  }
0x4e: {  	_ =	shalt  }
0x4f: {  	_ =	shalt  }
0x50: {  	_ =	shalt  }
0x51: {  	_ =	shalt  }
0x52: {  	_ =	shalt  }
0x53: {  	_ =	shalt  }
0x54: {  	_ =	shalt  }
0x55: {  	_ =	shalt  }
0x56: {  	_ =	shalt  }
0x57: {  	_ =	shalt  }
0x58: {  	_ =	shalt  }
0x59: {  	_ =	shalt  }
0x5a: {  	_ =	shalt  }
0x5b: {  	_ =	shalt  }
0x5c: {  	_ =	shalt  }
0x5d: {  	_ =	shalt  }
0x5e: {  	_ =	shalt  }
0x5f: {  	_ =	shalt  }
0x60: {  	_ =	shalt  }
0x61: {  	_ =	shalt  }
0x62: {  	_ =	shalt  }
0x63: {  	_ =	shalt  }
0x64: {  	_ =	shalt  }
0x65: {  	_ =	shalt  }
0x66: {  	_ =	shalt  }
0x67: {  	_ =	shalt  }
0x68: {  	_ =	shalt  }
0x69: {  	_ =	shalt  }
0x6a: {  	_ =	shalt  }
0x6b: {  	_ =	shalt  }
0x6c: {  	_ =	shalt  }
0x6d: {  	_ =	shalt  }
0x6e: {  	_ =	shalt  }
0x6f: {  	_ =	shalt  }
0x70: {  	_ =	shalt  }
0x71: {  	_ =	shalt  }
0x72: {  	_ =	shalt  }
0x73: {  	_ =	shalt  }
0x74: {  	_ =	shalt  }
0x75: {  	_ =	shalt  }
0x76: {  	_ =	shalt  }
0x77: {  	_ =	shalt  }
0x78: {  	_ =	shalt  }
0x79: {  	_ =	shalt  }
0x7a: {  	_ =	shalt  }
0x7b: {  	_ =	shalt  }
0x7c: {  	_ =	shalt  }
0x7d: {  	_ =	shalt  }
0x7e: {  	_ =	shalt  }
0x7f: {  	_ =	shalt  }
0x80: {  	_ =	shalt  }
0x81: {  	_ =	shalt  }
0x82: {  	_ =	shalt  }
0x83: {  	_ =	shalt  }
0x84: {  	_ =	shalt  }
0x85: {  	_ =	shalt  }
0x86: {  	_ =	shalt  }
0x87: {  	_ =	shalt  }
.Lfunc_end0:
.L_simem_size_0:
called_computation.1_lowered:
.L_overlay_start_0:
0x88: {  	s2 =	sld [smem:$0x3FD9]  }
0x89: {  	s3 =	sld [smem:$0x3FFE];
	_ =	sdelay $0x1  }
0x8a: {  	s1 =	srdreg.scid  }
0x8b: {  	s0 =	sand.u32 $0x1, s1  }
0x8c: {  	s16 =	sshll.u32 s0, $0xA;
	s2 =	sadd.s32 s3, s2  }
0x8d: {  	s2 =	sadd.s32 s2, s16  }
0x8e: {  	[smem:$0x3FBF] =	sst s2  }
0x8f: {  	_ = 	snop  }
0x90: {  	(tm) =	ssettm $0x1  }
0x91: {  	s17 =	sld [smem:$0x3FFB];
	_ =	sdelay $0x3  }
0x92: {  	_ =	strace s17  }
0x93: {  	s2 =	sld [smem:$0x3FFC];
	_ =	sdelay $0x3  }
0x94: {  	_ =	strace s2  }
0x95: {  	s2 =	sld [smem:$0x3FFD];
	_ =	sdelay $0x3  }
0x96: {  	_ =	strace s2  }
0x97: {  	_ =	strace $0x8FFFFFFF  }
0x98: {  	s18 =	sld [smem:$0x3FDB];
	_ =	sdelay $0x1  }
0x99: {  	s19 =	simm.s32 $_scs_section_size  }
0x9a: {  	s4 =	simm.s32 $_size__tile_overlayer_lowered;
	s5 =	simm.s32 $_tile_overlayer_lowered  }
0x9b: {  	s22 =	simm.s32 $0x1BFF;
	s21 =	sshll.u32 s5, $0x1;
	s2 =	sadd.s32 s19, s18  }
0x9c: {  	s6 =	simm.s32 $0x0;
	s20 =	sshll.u32 s4, $0x1;
	s4 =	sadd.s32 s21, s2  }
0x9d: {  	[timem:s6], [sflag:s22] =	dma.local [hbm:s4], s20  }
0x9e: {  	_ =	swait.ge [sflag:s22], s20  }
0x9f: {  	s3 =	ssub.s32 $0x0, s20;
	[sflag:s22] =	ssyncset.done $0x0  }
0xa0: {  	[sflag:s22] =	ssyncadd.s32 s3;
	_ =	sdelay $0x1  }
0xa1: {  	s23 =	simm.s32 $0x1B8B  }
0xa2: {  	_ =	swait.ge [sflag:s23], $0x1  }
0xa3: {  	[sflag:s23] =	ssyncset.done $0x0  }
0xa4: {  	s25 =	simm.s32 $0x1B8E;
	s24 =	sld [smem:$0x3FFE];
	[sflag:s23] =	ssyncadd.s32 $0xFFFFFFFF  }
0xa5: {  	s26 =	simm.s32 $execute0_lowered;
	[smem:$0x3FD2] =	sst s25  }
0xa6: {  	s4 =	sshll.u32 s26, $0x1;
	_ =	strace $0x80000049;
	[dreg:$0x1] =	wrdreg $0xFFFFFFFF  }
0xa7: {  	s28 =	simm.s32 $_size_execute0_lowered;
	s2 =	sadd.s32 s2, s4;
	[dreg:$0x0] =	wrdreg $0x0  }
0xa8: {  	s4 =	sshll.u32 s28, $0x1;
	[dreg:$0x2] =	wrdreg s2  }
0xa9: {  	[dreg:$0x3] =	wrdreg s4  }
0xaa: {  	[dreg:$0x4] =	wrdreg $0xC0  }
0xab: {  	_ =	task [dreg:s6], $0x5FFFF  }
0xac: {  	[dreg:$0x1] =	wrdreg $0xFFFFFFFF  }
0xad: {  	[dreg:$0x0] =	wrdreg $0x60  }
0xae: {  	[dreg:$0x2] =	wrdreg s24  }
0xaf: {  	[dreg:$0x3] =	wrdreg $0xBF000  }
0xb0: {  	[dreg:$0x4] =	wrdreg $0x6F000  }
0xb1: {  	[dreg:$0x5] =	wrdreg $0x9  }
0xb2: {  	_ =	task.clear_ibuf [dreg:s6], $0x6FFFF;
	_ =	strace $0x90000049  }
0xb3: {  	s29 =	simm.s32 $0x9;
	_ =	strace $0x8000004B  }
0xb4: {  	_ =	swait.ge [sflag:s29], $0x1  }
0xb5: {  	[sflag:s29] =	ssyncadd.s32 $0xFFFFFFFF  }
0xb6: {  	_ =	strace $0x9000004B  }
0xb7: {  	_ =	sfence  }
0xb8: {  	s30 =	sld [smem:$0x0];
	_ =	sdelay $0x2  }
0xb9: {  	s31 =	sshll.u32 s1, $0xD;
	s1 =	sshrl.u32 s1, $0x2  }
0xba: {  	s3 =	sand.u32 $0x4000, s31;
	s1 =	sadd.s32 s1, s30  }
0xbb: {  	s0 =	sor.u32 s3, s0;
	s1 =	sshll.u32 s1, $0x11  }
0xbc: {  	s0 =	sor.u32 s1, s0  }
0xbd: {  	s0 =	sadd.s32 $0x8F2B, s0  }
0xbe: {  	[sflag:s0] =	ssyncadd.remote.s32 $0x1  }
0xbf: {  	_ =	sfence.sel $0xFFFF  }
0xc0: {  	[dreg:$0x0] =	wrdreg $0xFFFFFFFF;
	(pc) =	sbr.abs _section_cstart, $3  }
0xc1: {  	[dreg:$0x1] =	wrdreg $0xFFFFFFFF  }
0xc2: {  	_ =	task.clear_ibuf [dreg:s6], $0x2FFFF;
	_ =	strace $0x9FFFFFFF  }
0xc3: {  	(tm) =	ssettm $0x7FFFFFFF  }
tec
execute0_lowered:
.L_overlay_start_1:
0x0: {  	(tag) =	ssettag $0x1  }
0x1: {  	s5 =	rddreg [dreg:$0x0]  }
0x2: {  	s2 =	rddreg [dreg:$0x1]  }
0x3: {  	s3 =	rddreg [dreg:$0x2];
	s0 =	stileid.u32  }
0x4: {  	s4 =	simm.s32 $0x0;
	s6 =	srdreg.scid;
	s18 =	simm.s32 $0x2780  }
0x5: {  	s19 =	simm.s32 $0x4F00;
	s21 =	simm.s32 $0x80;
	s28 =	simm.s32 $0x4E00  }
0x6: {  	s29 =	simm.s32 $0x0;
	s14 =	smul.u32 $0x5000, s0;
	[smem:$0x7FF] =	sst s4  }
0x7: {  	s6 =	sand.u32 $0x1, s6;
	s7 =	smul.u32 $0xA00, s0;
	s10 =	sshll.u32 s0, $0x1  }
0x8: {  	s24 =	sadd.s32 $0x2200, s5;
	s30 =	smul.u32 $0x14000, s0;
	p0 =	sgt.u32 s0, $0x1  }
0x9: {  	s9 =	smul.u32 $0xA000, s6;
	_ =	strace $0x8000004A;
	s22 =	sor.u32 s6, s10  }
0xa: {  	s6 =	ssub.s32 $0x2, s6;
	s8 =	sshrl.u32 s14, $0x3;
	s23 =	smul.u32 $0x2700, s22  }
0xb: {  	s25 =	sshrl.u32 s6, $0x1;
	s31 =	sshrl.u32 s30, $0x2;
	s20 =	sadd.s32 s14, s3  }
0xc: {  	s15 =	sadd.s32 s8, s5;
	s7 =	sadd.s32 s7, s9;
	s8 =	sshll.u32 s22, $0x4  }
0xd: {  	s17 =	ssub.s32 s6, s25;
	s9 =	sadd.s32 s14, s2;
	s13 =	sadd.s32 s31, s2  }
0xe: {  	s20 =	sshrl.u32 s20, $0x3;
	s22 =	simm.s32 $0x1;
	s25 =	simm.s32 $0x2680  }
0xf: {  	s16 =	sadd.s32 s7, s5;
	s26 =	sshrl.u32 s23, $0x3;
	s8 =	sadd.s32 s8, s24  }
0x10: {  	s10 =	sadd.s32 $0x1000, s13;
	s11 =	sadd.s32 $0x2000, s13;
	s12 =	sadd.s32 $0x3000, s13  }
0x11: {  	s13 =	sadd.s32 $0x4000, s13;
	s14 =	sadd.s32 $0x15C00, s15;
	s23 =	simm.s32 $0x5F00  }
0x12: {  	s5 =	sadd.s32 s24, s26;
	s7 =	sadd.s32 $0x9C00, s8;
	s8 =	sadd.s32 $0x13840, s8  }
0x13: {  	s15 =	sadd.s32 $0x1FC00, s16;
	s16 =	smax.u32 s17, $0x1;
	s17 =	simm.s32 $0x3  }
0x14: {  	v0 =	vimm.f32 $0.0e+00;
	s24 =	simm.s32 $0x2;
	s26 =	simm.s32 $0x4D80;
	s6 =	sadd.s32 $0x9C40, s5  }
.LBB2_1:
0x15: {  	[tilespmem:s4], [sflag:$0x3] =	stream.linear.gather [hbm4b:s5+s4], $0x2700, $0x38;
	[tilespmem:$0x10F00] =	vst v63  }
0x16: {  	_ =	swait.ge [sflag:s17], $0x2700  }
0x17: {  	[sflag:s17] =	ssyncset.done $0x0  }
0x18: {  	[sflag:s17] =	ssyncadd.s32 $0xFFFFD900  }
0x19: {  	[tilespmem:s18], [sflag:$0x3] =	stream.linear.gather [hbm4b:s6+s4], $0x2700, $0x38;
	[tilespmem:$0x10F00] =	vst v63  }
0x1a: {  	_ =	swait.ge [sflag:s17], $0x2700  }
0x1b: {  	[sflag:s17] =	ssyncset.done $0x0  }
0x1c: {  	s30 =	simm.s32 @!p0 $0x0;
	s31 =	simm.s32 @!p0 $0x2700;
	[sflag:s17] =	ssyncadd.s32 $0xFFFFD900  }
0x1d: {  	[tilespmem:s31], [sflag:$0x3] =	stream.linear.gather @!p0 [hbm4b:s7+s30], $0x80, $0x38;
	[tilespmem:$0x10F00] =	vst v63  }
0x1e: {  	s31 =	simm.s32 @!p0 $0x3  }
0x1f: {  	_ =	swait.ge @!p0 [sflag:s31], $0x80  }
0x20: {  	[sflag:s31] =	ssyncset.done @!p0 $0x0  }
0x21: {  	s0 =	simm.s32 @!p0 $0x4E80;
	[sflag:s31] =	ssyncadd.s32 @!p0 $0xFFFFFF80  }
0x22: {  	[tilespmem:s0], [sflag:$0x3] =	stream.linear.gather @!p0 [hbm4b:s8+s30], $0x80, $0x38;
	[tilespmem:$0x10F00] =	vst v63  }
0x23: {  	_ =	swait.ge @!p0 [sflag:s31], $0x80  }
0x24: {  	[sflag:s31] =	ssyncset.done @!p0 $0x0  }
0x25: {  	s30 =	simm.s32 $0x80;
	[sflag:s31] =	ssyncadd.s32 @!p0 $0xFFFFFF80;
	s31 =	simm.s32 $0x0  }
.LBB2_2:
0x26: {  	p1 =	sne.s32 s30, $0x3F80;
	[tilespmem:s31+$0x4F00] =	vst v0;
	s0 =	smov.u32 s30;
	s30 =	sadd.s32 $0x80, s30  }
.Ltmp0:
0x27: {  	[tilespmem:s31+$0x4F10] =	vst v0;
	(pc) =	sbr.rel @p1 .LBB2_2-.Ltmp0, $2  }
0x28: {  	_ =	sdelay $0x2  }
0x29: {  	s31 =	sshra.s32 s0, $0x2  }
0x2a: {  	[tilespmem:s31+$0x4F00] =	vst v0  }
0x2b: {  	[tilespmem:s31+$0x4F10] =	vst v0  }
0x2c: {  	[spmem:s9] =	stream.linear.scatter [tilespmem:s19], [sflag:$0x3], $0x1000, $0x38;
	[tilespmem:$0x10F00] =	vst v63  }
0x2d: {  	_ =	swait.ge [sflag:s17], $0x1000  }
0x2e: {  	[sflag:s17] =	ssyncset.done $0x0  }
0x2f: {  	[sflag:s17] =	ssyncadd.s32 $0xFFFFF000  }
0x30: {  	[spmem:s10] =	stream.linear.scatter [tilespmem:s19], [sflag:$0x3], $0x1000, $0x38;
	[tilespmem:$0x10F00] =	vst v63  }
0x31: {  	_ =	swait.ge [sflag:s17], $0x1000  }
0x32: {  	[sflag:s17] =	ssyncset.done $0x0  }
0x33: {  	[sflag:s17] =	ssyncadd.s32 $0xFFFFF000  }
0x34: {  	[spmem:s11] =	stream.linear.scatter [tilespmem:s19], [sflag:$0x3], $0x1000, $0x38;
	[tilespmem:$0x10F00] =	vst v63  }
0x35: {  	_ =	swait.ge [sflag:s17], $0x1000  }
0x36: {  	[sflag:s17] =	ssyncset.done $0x0  }
0x37: {  	[sflag:s17] =	ssyncadd.s32 $0xFFFFF000  }
0x38: {  	[spmem:s12] =	stream.linear.scatter [tilespmem:s19], [sflag:$0x3], $0x1000, $0x38;
	[tilespmem:$0x10F00] =	vst v63  }
0x39: {  	_ =	swait.ge [sflag:s17], $0x1000  }
0x3a: {  	[sflag:s17] =	ssyncset.done $0x0  }
0x3b: {  	[sflag:s17] =	ssyncadd.s32 $0xFFFFF000  }
0x3c: {  	[spmem:s13] =	stream.linear.scatter [tilespmem:s19], [sflag:$0x3], $0x1000, $0x38;
	[tilespmem:$0x10F00] =	vst v63  }
0x3d: {  	s0 =	stileid.u32;
	_ =	swait.ge [sflag:s17], $0x1000  }
0x3e: {  	s0 =	sshll.u32 s0, $0x6;
	[sflag:s17] =	ssyncset.done $0x0  }
0x3f: {  	s30 =	sor.u32 $0x1C03, s0;
	[sflag:s17] =	ssyncadd.s32 $0xFFFFF000  }
0x40: {  	[spmem:s20], [sflag:s30] =	dma.local [hbm:s14], $0xA00  }
0x41: {  	_ =	swait.ge [sflag:s17], $0xA00  }
0x42: {  	[sflag:s17] =	ssyncset.done $0x0  }
0x43: {  	[sflag:s17] =	ssyncadd.s32 $0xFFFFF600  }
0x44: {  	s1 =	simm.s32 $0x0;
	[bflag:$0x0] =	sbarrier.arrive $0xFFFF  }
0x45: {  	[tilespmem:s19], [sflag:$0x1] =	stream.indirect.gather [spmem:s3], $0x20, s1, s21, $0xb8;
	[tilespmem:$0x10F00] =	vst v63  }
0x46: {  	_ =	swait.ge [sflag:s22], $0x1000  }
0x47: {  	[sflag:s22] =	ssyncset.done $0x0  }
0x48: {  	s1 =	simm.s32 $0x80;
	[sflag:s22] =	ssyncadd.s32 $0xFFFFF000  }
0x49: {  	[tilespmem:s23], [sflag:$0x2] =	stream.indirect.gather [spmem:s3], $0x20, s1, s21, $0xb8;
	[tilespmem:$0x10F00] =	vst v63  }
0x4a: {  	s1 =	simm.s32 $0x2780  }
0x4b: {  	[spmem:s2] =	stream.indirect.scatter.add.f32 [tilespmem:s19], [sflag:$0x3], $0x20, s1, s21, $0xb8;
	[tilespmem:$0x10F00] =	vst v63  }
0x4c: {  	_ =	swait.ge [sflag:s17], $0x1000  }
0x4d: {  	[sflag:s17] =	ssyncset.done $0x0  }
0x4e: {  	[sflag:s17] =	ssyncadd.s32 $0xFFFFF000  }
0x4f: {  	_ =	swait.ge [sflag:s24], $0x1000  }
0x50: {  	[sflag:s24] =	ssyncset.done $0x0  }
0x51: {  	s1 =	simm.s32 $0x100;
	[sflag:s24] =	ssyncadd.s32 $0xFFFFF000  }
0x52: {  	[tilespmem:s19], [sflag:$0x1] =	stream.indirect.gather [spmem:s3], $0x20, s1, s21, $0xb8;
	[tilespmem:$0x10F00] =	vst v63  }
0x53: {  	s1 =	simm.s32 $0x2800  }
0x54: {  	[spmem:s2] =	stream.indirect.scatter.add.f32 [tilespmem:s23], [sflag:$0x3], $0x20, s1, s21, $0xb8;
	[tilespmem:$0x10F00] =	vst v63  }
0x55: {  	_ =	swait.ge [sflag:s17], $0x1000  }
0x56: {  	s31 =	simm.s32 $0x400;
	[sflag:s17] =	ssyncset.done $0x0  }
.LBB2_4:
0x57: {  	p1 =	sne.s32 s31, $0x9400  }
0x58: {  	[sflag:s17] =	ssyncadd.s32 $0xFFFFF000;
	s0 =	smov.u32 s31;
	s31 =	sadd.s32 $0x400, s31  }
0x59: {  	_ = 	snop  }
0x5a: {  	_ =	swait.ge [sflag:s22], $0x1000  }
0x5b: {  	s0 =	sshra.s32 s0, $0x2;
	[sflag:s22] =	ssyncset.done $0x0  }
0x5c: {  	s1 =	sadd.s32 $0x80, s0;
	[sflag:s22] =	ssyncadd.s32 $0xFFFFF000  }
0x5d: {  	[tilespmem:s23], [sflag:$0x2] =	stream.indirect.gather [spmem:s3], $0x20, s1, s21, $0xb8;
	[tilespmem:$0x10F00] =	vst v63  }
0x5e: {  	s1 =	sadd.s32 $0x2780, s0  }
0x5f: {  	[spmem:s2] =	stream.indirect.scatter.add.f32 [tilespmem:s19], [sflag:$0x3], $0x20, s1, s21, $0xb8;
	[tilespmem:$0x10F00] =	vst v63  }
0x60: {  	_ =	swait.ge [sflag:s17], $0x1000  }
0x61: {  	[sflag:s17] =	ssyncset.done $0x0  }
0x62: {  	[sflag:s17] =	ssyncadd.s32 $0xFFFFF000  }
0x63: {  	_ =	swait.ge [sflag:s24], $0x1000  }
0x64: {  	[sflag:s24] =	ssyncset.done $0x0  }
0x65: {  	s1 =	sadd.s32 $0x100, s0;
	[sflag:s24] =	ssyncadd.s32 $0xFFFFF000  }
0x66: {  	[tilespmem:s19], [sflag:$0x1] =	stream.indirect.gather [spmem:s3], $0x20, s1, s21, $0xb8;
	[tilespmem:$0x10F00] =	vst v63  }
.Ltmp1:
0x67: {  	_ = 	snop;
	(pc) =	sbr.rel @p1 .LBB2_4-.Ltmp1, $4  }
0x68: {  	s0 =	sadd.s32 $0x2800, s0  }
0x69: {  	[spmem:s2] =	stream.indirect.scatter.add.f32 [tilespmem:s23], [sflag:$0x3], $0x20, s0, s21, $0xb8;
	[tilespmem:$0x10F00] =	vst v63  }
0x6a: {  	_ =	swait.ge [sflag:s17], $0x1000  }
0x6b: {  	[sflag:s17] =	ssyncset.done $0x0  }
0x6c: {  	[sflag:s17] =	ssyncadd.s32 $0xFFFFF000  }
0x6d: {  	_ =	swait.ge [sflag:s22], $0x1000  }
0x6e: {  	[sflag:s22] =	ssyncset.done $0x0  }
0x6f: {  	[sflag:s22] =	ssyncadd.s32 $0xFFFFF000  }
0x70: {  	[tilespmem:s23], [sflag:$0x2] =	stream.indirect.gather [spmem:s3], $0x20, s25, s21, $0xb8;
	[tilespmem:$0x10F00] =	vst v63  }
0x71: {  	_ = 	snop  }
0x72: {  	[spmem:s2] =	stream.indirect.scatter.add.f32 [tilespmem:s19], [sflag:$0x3], $0x20, s26, s21, $0xb8;
	[tilespmem:$0x10F00] =	vst v63  }
0x73: {  	_ =	swait.ge [sflag:s17], $0x1000  }
0x74: {  	[sflag:s17] =	ssyncset.done $0x0  }
0x75: {  	[sflag:s17] =	ssyncadd.s32 $0xFFFFF000  }
0x76: {  	_ =	swait.ge [sflag:s24], $0x1000  }
0x77: {  	[sflag:s24] =	ssyncset.done $0x0  }
0x78: {  	[sflag:s24] =	ssyncadd.s32 $0xFFFFF000  }
0x79: {  	[spmem:s2] =	stream.indirect.scatter.add.f32 [tilespmem:s23], [sflag:$0x3], $0x20, s28, s21, $0xb8;
	[tilespmem:$0x10F00] =	vst v63  }
0x7a: {  	_ =	swait.ge [sflag:s17], $0x1000  }
0x7b: {  	s0 =	simm.s32 @!p0 $0x80;
	[sflag:s17] =	ssyncset.done $0x0  }
0x7c: {  	s1 =	simm.s32 @!p0 $0x2700;
	s31 =	simm.s32 @!p0 $0x4F00;
	[sflag:s17] =	ssyncadd.s32 $0xFFFFF000  }
0x7d: {  	[tilespmem:s31], [sflag:$0x1] =	stream.indirect.gather @!p0 [spmem:s3], $0x20, s1, s0, $0xb8;
	[tilespmem:$0x10F00] =	vst v63  }
0x7e: {  	s1 =	simm.s32 @!p0 $0x1  }
0x7f: {  	_ =	swait.ge @!p0 [sflag:s1], $0x1000  }
0x80: {  	[sflag:s1] =	ssyncset.done @!p0 $0x0  }
0x81: {  	[sflag:s1] =	ssyncadd.s32 @!p0 $0xFFFFF000;
	s1 =	simm.s32 @!p0 $0x4E80  }
0x82: {  	[spmem:s2] =	stream.indirect.scatter.add.f32 @!p0 [tilespmem:s31], [sflag:$0x3], $0x20, s1, s0, $0xb8;
	[tilespmem:$0x10F00] =	vst v63  }
0x83: {  	s0 =	simm.s32 @!p0 $0x3  }
0x84: {  	_ =	swait.ge @!p0 [sflag:s0], $0x1000  }
0x85: {  	s29 =	sadd.s32 $0x1, s29;
	[sflag:s0] =	ssyncset.done @!p0 $0x0  }
0x86: {  	p1 =	sne.s32 s29, s16;
	[sflag:s0] =	ssyncadd.s32 @!p0 $0xFFFFF000  }
.Ltmp2:
0x87: {  	s31 =	sshrl.u32 s9, $0x3;
	[bflag:$0x0] =	sbarrier.arrive $0xFFFF;
	(pc) =	sbr.rel @p1 .LBB2_1-.Ltmp2, $4  }
0x88: {  	[hbm:s15], [sflag:s30] =	dma.local [spmem:s31], $0xA00  }
0x89: {  	_ =	swait.ge [sflag:s17], $0xA00  }
0x8a: {  	[sflag:s17] =	ssyncset.done $0x0  }
0x8b: {  	[sflag:s17] =	ssyncadd.s32 $0xFFFFF600  }
0x8c: {  	_ =	sfence.sel $0x180000  }
0x8d: {  	[bflag:$0x0] =	sbarrier.arrive $0xFFFF  }
0x8e: {  	_ =	strace $0x9000004A  }
0x8f: {  	s0 =	stileid.u32;
	[bflag:$0x2] =	sbarrier.arrive $0xFFFF  }
0x90: {  	p0 =	sne.s32 s0, $0x0;
	s0 =	rddreg [dreg:$0x3]  }
0x91: {  	s0 =	sadd.s32 @!p0 $0x100000, s0  }
0x92: {  	[sflag:s0] =	ssyncadd.tile.s32 @!p0 $0x1;
	_ =	shalt  }
.Lfunc_end2:
_tile_overlayer_lowered:
.L_overlay_start_2:
0x93: {  	(tag) =	ssettag $0x2  }
0x94: {  	s0 =	rddreg [dreg:$0x0];
	s2 =	stileid.u32  }
0x95: {  	s1 =	rddreg [dreg:$0x1];
	p0 =	sne.s32 s2, $0x0  }
0x96: {  	s3 =	rddreg [dreg:$0x2];
	[bflag:$0x3] =	sbarrier.arrive $0xFFFF;
	s2 =	simm.s32 @!p0 $0x1C03  }
0x97: {  	[timem:s3], [sflag:s2] =	dma.local @!p0 [hbm:s0], s1  }
0x98: {  	s0 =	simm.s32 @!p0 $0x3  }
0x99: {  	_ =	swait.ge @!p0 [sflag:s0], s1  }
0x9a: {  	s1 =	ssub.s32 @!p0 $0x0, s1;
	[sflag:s0] =	ssyncset.done @!p0 $0x0  }
0x9b: {  	[sflag:s0] =	ssyncadd.s32 @!p0 s1  }
0x9c: {  	[bflag:$0x3] =	sbarrier.arrive $0xFFFF  }
0x9d: {  	_ =	shalt  }

// kernel: kernel.14.cloned.1.call-start
scs
__scs_entry_jumppad:
0x0: {  	(pc) =	sbr.rel $0x88, $3  }
0x1: {  	(tag) =	ssettag $0x0;
	lr =	simm.s32 $0x1  }
0x2: {  	[smem:$0x3F98] =	sst lr;
	_ =	strace $0xD0000000  }
0x3: {  	_ = 	snop  }
0x4: {  	_ = 	snop  }
0x5: {  	_ = 	snop  }
0x6: {  	_ = 	snop  }
0x7: {  	_ = 	snop  }
__scs_overlays_trampoline_lowered:
0x8: {  	[smem:$0x3FA7] =	sst s0  }
0x9: {  	[smem:$0x3FA8] =	sst s1  }
0xa: {  	[smem:$0x3FA9] =	sst s2  }
0xb: {  	[smem:$0x3FAA] =	sst s3  }
0xc: {  	[smem:$0x3FAB] =	sst s4  }
0xd: {  	[smem:$0x3FAC] =	sst s5  }
0xe: {  	[smem:$0x3FAD] =	sst s6  }
0xf: {  	[smem:$0x3FAE] =	sst s7  }
0x10: {  	[smem:$0x3FAF] =	sst s8  }
0x11: {  	[smem:$0x3FB0] =	sst s9;
	s0 =	simm.s32 @!p0 $0x0  }
0x12: {  	s1 =	sld [smem:$0x3F96];
	s0 =	simm.s32 @p0 $0x1  }
0x13: {  	[smem:$0x3FB1] =	sst s0;
	s0 =	simm.s32 @!p1 $0x0  }
0x14: {  	s2 =	sld [smem:$0x3F95];
	s0 =	simm.s32 @p1 $0x1  }
0x15: {  	[smem:$0x3FB2] =	sst s0;
	s0 =	simm.s32 @!p2 $0x0  }
0x16: {  	s3 =	sld [smem:$0x3FDB];
	s0 =	simm.s32 @p2 $0x1  }
0x17: {  	s4 =	simm.s32 $0x1BF5;
	[smem:$0x3FB4] =	sst s0  }
0x18: {  	s0 =	sld [smem:$0x3F97];
	_ =	swait.ge [sflag:s4], $0x0  }
0x19: {  	s7 =	sld [smem:$0x3F98]  }
0x1a: {  	s8 =	sadd.s32 $0xFFFFE003, lr  }
0x1b: {  	s9 =	sadd.s32 $0xFFFFFEF7, lr;
	s5 =	simm.s32 $0xFFFFFFFF;
	p2 =	slt.u32 s8, $0xFFFFF086  }
0x1c: {  	p1 =	slt.u32 s9, $0xF7A;
	s5 =	simm.s32 @!p2 $0x0  }
0x1d: {  	s5 =	simm.s32 @p1 $0x1;
	p0 =	seq.s32 s7, s2  }
0x1e: {  	s7 =	smul.u32 @!p0 $0xF7A, s2;
	p2 =	seq.s32 @!p0 s5, $0x0  }
0x1f: {  	s9 =	smul.u32 $0xF7A, s1;
	s8 =	simm.s32 @!p0 $0x1BF5;
	p2 =	por !p2, p0  }
0x20: {  	[sflag:s8] =	ssyncset.s32 @!p0 $0xFFFFF086;
	s6 =	sadd.s32 @!p0 s3, s7;
	s7 =	simm.s32 @!p0 $0x108  }
0x21: {  	s3 =	sadd.s32 s3, s9;
	s6 =	sadd.s32 @!p0 $0x88, s6;
	s7 =	simm.s32 @p2 $0x1082  }
0x22: {  	[simem:s7], [sflag:s8] =	dma.local @!p0 [hbm:s6], $0xF7A  }
0x23: {  	s9 =	sor.u32 $0xD0000000, s2;
	s6 =	simm.s32 $0x108;
	_ =	swait.ge @!p0 [sflag:s8], $0x0  }
0x24: {  	s3 =	sadd.s32 $0x88, s3;
	s6 =	simm.s32 @!p1 $0x1082;
	[sflag:s4] =	ssyncset.s32 $0xFFFFF086  }
0x25: {  	[simem:s6], [sflag:s4] =	dma.local [hbm:s3], $0xF7A  }
0x26: {  	[smem:$0x3F98] =	sst s1;
	(tag) =	ssettag s2;
	_ =	strace s9  }
0x27: {  	s1 =	sld [smem:$0x3FA8]  }
0x28: {  	s2 =	sld [smem:$0x3FA9]  }
0x29: {  	s4 =	sld [smem:$0x3FAB]  }
0x2a: {  	p0 =	seq.s32 s5, $0x0;
	s5 =	sld [smem:$0x3FAC]  }
0x2b: {  	s6 =	sld [smem:$0x3FAD]  }
0x2c: {  	s7 =	sld [smem:$0x3FAE]  }
0x2d: {  	s3 =	simm.s32 $0x108;
	s8 =	sld [smem:$0x3FAF]  }
0x2e: {  	s3 =	simm.s32 @!p0 $0x1082;
	s9 =	sld [smem:$0x3FB0]  }
0x2f: {  	lr =	sadd.s32 s0, s3;
	s0 =	sld [smem:$0x3FA7]  }
0x30: {  	s3 =	sld [smem:$0x3FAA]  }
0x31: {  	[smem:$0x3FB3] =	sst s10  }
0x32: {  	s10 =	sld [smem:$0x3FB1];
	_ =	sdelay $0x3  }
0x33: {  	p0 =	seq.s32 s10, $0x1;
	s10 =	sld [smem:$0x3FB3];
	_ =	sdelay $0x3  }
0x34: {  	[smem:$0x3FB3] =	sst s10  }
0x35: {  	s10 =	sld [smem:$0x3FB2];
	_ =	sdelay $0x3  }
0x36: {  	p1 =	seq.s32 s10, $0x1;
	s10 =	sld [smem:$0x3FB3];
	_ =	sdelay $0x3  }
0x37: {  	[smem:$0x3FB3] =	sst s10  }
0x38: {  	s10 =	sld [smem:$0x3FB4]  }
0x39: {  	_ = 	snop;
	(pc) =	sbr.ind lr, $3  }
0x3a: {  	_ = 	snop  }
0x3b: {  	_ = 	snop  }
0x3c: {  	p2 =	seq.s32 s10, $0x1;
	s10 =	sld [smem:$0x3FB3]  }
0x3d: {  	_ =	shalt  }
0x3e: {  	_ =	shalt  }
0x3f: {  	_ =	shalt  }
0x40: {  	_ =	shalt  }
0x41: {  	_ =	shalt  }
0x42: {  	_ =	shalt  }
0x43: {  	_ =	shalt  }
0x44: {  	_ =	shalt  }
0x45: {  	_ =	shalt  }
0x46: {  	_ =	shalt  }
0x47: {  	_ =	shalt  }
0x48: {  	_ =	shalt  }
0x49: {  	_ =	shalt  }
0x4a: {  	_ =	shalt  }
0x4b: {  	_ =	shalt  }
0x4c: {  	_ =	shalt  }
0x4d: {  	_ =	shalt  }
0x4e: {  	_ =	shalt  }
0x4f: {  	_ =	shalt  }
0x50: {  	_ =	shalt  }
0x51: {  	_ =	shalt  }
0x52: {  	_ =	shalt  }
0x53: {  	_ =	shalt  }
0x54: {  	_ =	shalt  }
0x55: {  	_ =	shalt  }
0x56: {  	_ =	shalt  }
0x57: {  	_ =	shalt  }
0x58: {  	_ =	shalt  }
0x59: {  	_ =	shalt  }
0x5a: {  	_ =	shalt  }
0x5b: {  	_ =	shalt  }
0x5c: {  	_ =	shalt  }
0x5d: {  	_ =	shalt  }
0x5e: {  	_ =	shalt  }
0x5f: {  	_ =	shalt  }
0x60: {  	_ =	shalt  }
0x61: {  	_ =	shalt  }
0x62: {  	_ =	shalt  }
0x63: {  	_ =	shalt  }
0x64: {  	_ =	shalt  }
0x65: {  	_ =	shalt  }
0x66: {  	_ =	shalt  }
0x67: {  	_ =	shalt  }
0x68: {  	_ =	shalt  }
0x69: {  	_ =	shalt  }
0x6a: {  	_ =	shalt  }
0x6b: {  	_ =	shalt  }
0x6c: {  	_ =	shalt  }
0x6d: {  	_ =	shalt  }
0x6e: {  	_ =	shalt  }
0x6f: {  	_ =	shalt  }
0x70: {  	_ =	shalt  }
0x71: {  	_ =	shalt  }
0x72: {  	_ =	shalt  }
0x73: {  	_ =	shalt  }
0x74: {  	_ =	shalt  }
0x75: {  	_ =	shalt  }
0x76: {  	_ =	shalt  }
0x77: {  	_ =	shalt  }
0x78: {  	_ =	shalt  }
0x79: {  	_ =	shalt  }
0x7a: {  	_ =	shalt  }
0x7b: {  	_ =	shalt  }
0x7c: {  	_ =	shalt  }
0x7d: {  	_ =	shalt  }
0x7e: {  	_ =	shalt  }
0x7f: {  	_ =	shalt  }
0x80: {  	_ =	shalt  }
0x81: {  	_ =	shalt  }
0x82: {  	_ =	shalt  }
0x83: {  	_ =	shalt  }
0x84: {  	_ =	shalt  }
0x85: {  	_ =	shalt  }
0x86: {  	_ =	shalt  }
0x87: {  	_ =	shalt  }
.Lfunc_end0:
.L_simem_size_0:
called_computation.2_lowered:
.L_overlay_start_0:
0x88: {  	s2 =	sld [smem:$0x3FD9]  }
0x89: {  	s3 =	sld [smem:$0x3FFE];
	_ =	sdelay $0x1  }
0x8a: {  	s1 =	srdreg.scid  }
0x8b: {  	s0 =	sand.u32 $0x1, s1  }
0x8c: {  	s16 =	sshll.u32 s0, $0xA;
	s2 =	sadd.s32 s3, s2  }
0x8d: {  	s2 =	sadd.s32 s2, s16  }
0x8e: {  	[smem:$0x3FBF] =	sst s2  }
0x8f: {  	_ = 	snop  }
0x90: {  	(tm) =	ssettm $0x1  }
0x91: {  	s17 =	sld [smem:$0x3FFB];
	_ =	sdelay $0x3  }
0x92: {  	_ =	strace s17  }
0x93: {  	s2 =	sld [smem:$0x3FFC];
	_ =	sdelay $0x3  }
0x94: {  	_ =	strace s2  }
0x95: {  	s2 =	sld [smem:$0x3FFD];
	_ =	sdelay $0x3  }
0x96: {  	_ =	strace s2  }
0x97: {  	_ =	strace $0x8FFFFFFF  }
0x98: {  	s18 =	sld [smem:$0x3FDB];
	_ =	sdelay $0x1  }
0x99: {  	s19 =	simm.s32 $_scs_section_size  }
0x9a: {  	s4 =	simm.s32 $_size__tile_overlayer_lowered;
	s5 =	simm.s32 $_tile_overlayer_lowered  }
0x9b: {  	s22 =	simm.s32 $0x1BFF;
	s21 =	sshll.u32 s5, $0x1;
	s2 =	sadd.s32 s19, s18  }
0x9c: {  	s6 =	simm.s32 $0x0;
	s20 =	sshll.u32 s4, $0x1;
	s4 =	sadd.s32 s21, s2  }
0x9d: {  	[timem:s6], [sflag:s22] =	dma.local [hbm:s4], s20  }
0x9e: {  	_ =	swait.ge [sflag:s22], s20  }
0x9f: {  	s3 =	ssub.s32 $0x0, s20;
	[sflag:s22] =	ssyncset.done $0x0  }
0xa0: {  	[sflag:s22] =	ssyncadd.s32 s3;
	_ =	sdelay $0x1  }
0xa1: {  	s23 =	simm.s32 $0x1B8B  }
0xa2: {  	_ =	swait.ge [sflag:s23], $0x1  }
0xa3: {  	[sflag:s23] =	ssyncset.done $0x0  }
0xa4: {  	s25 =	simm.s32 $0x1B8E;
	s24 =	sld [smem:$0x3FFE];
	[sflag:s23] =	ssyncadd.s32 $0xFFFFFFFF  }
0xa5: {  	s26 =	simm.s32 $execute0_lowered;
	[smem:$0x3FD2] =	sst s25  }
0xa6: {  	s4 =	sshll.u32 s26, $0x1;
	_ =	strace $0x8000004C;
	[dreg:$0x1] =	wrdreg $0xFFFFFFFF  }
0xa7: {  	s28 =	simm.s32 $_size_execute0_lowered;
	s2 =	sadd.s32 s2, s4;
	[dreg:$0x0] =	wrdreg $0x0  }
0xa8: {  	s4 =	sshll.u32 s28, $0x1;
	[dreg:$0x2] =	wrdreg s2  }
0xa9: {  	[dreg:$0x3] =	wrdreg s4  }
0xaa: {  	[dreg:$0x4] =	wrdreg $0xC0  }
0xab: {  	_ =	task [dreg:s6], $0x5FFFF  }
0xac: {  	[dreg:$0x1] =	wrdreg $0xFFFFFFFF  }
0xad: {  	[dreg:$0x0] =	wrdreg $0x60  }
0xae: {  	[dreg:$0x2] =	wrdreg s24  }
0xaf: {  	[dreg:$0x3] =	wrdreg $0xBF000  }
0xb0: {  	[dreg:$0x4] =	wrdreg $0x6F000  }
0xb1: {  	[dreg:$0x5] =	wrdreg $0x9  }
0xb2: {  	_ =	task.clear_ibuf [dreg:s6], $0x6FFFF;
	_ =	strace $0x9000004C  }
0xb3: {  	s29 =	simm.s32 $0x9;
	_ =	strace $0x8000004E  }
0xb4: {  	_ =	swait.ge [sflag:s29], $0x1  }
0xb5: {  	[sflag:s29] =	ssyncadd.s32 $0xFFFFFFFF  }
0xb6: {  	_ =	strace $0x9000004E  }
0xb7: {  	_ =	sfence  }
0xb8: {  	s30 =	sld [smem:$0x0];
	_ =	sdelay $0x2  }
0xb9: {  	s31 =	sshll.u32 s1, $0xD;
	s1 =	sshrl.u32 s1, $0x2  }
0xba: {  	s3 =	sand.u32 $0x4000, s31;
	s1 =	sadd.s32 s1, s30  }
0xbb: {  	s0 =	sor.u32 s3, s0;
	s1 =	sshll.u32 s1, $0x11  }
0xbc: {  	s0 =	sor.u32 s1, s0  }
0xbd: {  	s0 =	sadd.s32 $0x8F2B, s0  }
0xbe: {  	[sflag:s0] =	ssyncadd.remote.s32 $0x1  }
0xbf: {  	_ =	sfence.sel $0xFFFF  }
0xc0: {  	[dreg:$0x0] =	wrdreg $0xFFFFFFFF;
	(pc) =	sbr.abs _section_cstart, $3  }
0xc1: {  	[dreg:$0x1] =	wrdreg $0xFFFFFFFF  }
0xc2: {  	_ =	task.clear_ibuf [dreg:s6], $0x2FFFF;
	_ =	strace $0x9FFFFFFF  }
0xc3: {  	(tm) =	ssettm $0x7FFFFFFF  }
tec
execute0_lowered:
.L_overlay_start_1:
0x0: {  	(tag) =	ssettag $0x1  }
0x1: {  	s5 =	rddreg [dreg:$0x0]  }
0x2: {  	s2 =	rddreg [dreg:$0x1]  }
0x3: {  	s3 =	rddreg [dreg:$0x2];
	s0 =	stileid.u32  }
0x4: {  	s4 =	simm.s32 $0x0;
	s6 =	srdreg.scid;
	s18 =	simm.s32 $0x2780  }
0x5: {  	s19 =	simm.s32 $0x4F00;
	s21 =	simm.s32 $0x80;
	s28 =	simm.s32 $0x4E00  }
0x6: {  	s29 =	simm.s32 $0x0;
	s14 =	smul.u32 $0x5000, s0;
	[smem:$0x7FF] =	sst s4  }
0x7: {  	s6 =	sand.u32 $0x1, s6;
	s7 =	smul.u32 $0xA00, s0;
	s10 =	sshll.u32 s0, $0x1  }
0x8: {  	s24 =	sadd.s32 $0x2200, s5;
	s30 =	smul.u32 $0x14000, s0;
	p0 =	sgt.u32 s0, $0x1  }
0x9: {  	s9 =	smul.u32 $0xA000, s6;
	_ =	strace $0x8000004D;
	s22 =	sor.u32 s6, s10  }
0xa: {  	s6 =	ssub.s32 $0x2, s6;
	s8 =	sshrl.u32 s14, $0x3;
	s23 =	smul.u32 $0x2700, s22  }
0xb: {  	s25 =	sshrl.u32 s6, $0x1;
	s31 =	sshrl.u32 s30, $0x2;
	s20 =	sadd.s32 s14, s3  }
0xc: {  	s15 =	sadd.s32 s8, s5;
	s7 =	sadd.s32 s7, s9;
	s8 =	sshll.u32 s22, $0x4  }
0xd: {  	s17 =	ssub.s32 s6, s25;
	s9 =	sadd.s32 s14, s2;
	s13 =	sadd.s32 s31, s2  }
0xe: {  	s20 =	sshrl.u32 s20, $0x3;
	s22 =	simm.s32 $0x1;
	s25 =	simm.s32 $0x2680  }
0xf: {  	s16 =	sadd.s32 s7, s5;
	s26 =	sshrl.u32 s23, $0x3;
	s8 =	sadd.s32 s8, s24  }
0x10: {  	s10 =	sadd.s32 $0x1000, s13;
	s11 =	sadd.s32 $0x2000, s13;
	s12 =	sadd.s32 $0x3000, s13  }
0x11: {  	s13 =	sadd.s32 $0x4000, s13;
	s14 =	sadd.s32 $0x15C00, s15;
	s23 =	simm.s32 $0x5F00  }
0x12: {  	s5 =	sadd.s32 s24, s26;
	s7 =	sadd.s32 $0x9C00, s8;
	s8 =	sadd.s32 $0x13840, s8  }
0x13: {  	s15 =	sadd.s32 $0x1FC00, s16;
	s16 =	smax.u32 s17, $0x1;
	s17 =	simm.s32 $0x3  }
0x14: {  	v0 =	vimm.f32 $0.0e+00;
	s24 =	simm.s32 $0x2;
	s26 =	simm.s32 $0x4D80;
	s6 =	sadd.s32 $0x9C40, s5  }
.LBB2_1:
0x15: {  	[tilespmem:s4], [sflag:$0x3] =	stream.linear.gather [hbm4b:s5+s4], $0x2700, $0x38;
	[tilespmem:$0x10F00] =	vst v63  }
0x16: {  	_ =	swait.ge [sflag:s17], $0x2700  }
0x17: {  	[sflag:s17] =	ssyncset.done $0x0  }
0x18: {  	[sflag:s17] =	ssyncadd.s32 $0xFFFFD900  }
0x19: {  	[tilespmem:s18], [sflag:$0x3] =	stream.linear.gather [hbm4b:s6+s4], $0x2700, $0x38;
	[tilespmem:$0x10F00] =	vst v63  }
0x1a: {  	_ =	swait.ge [sflag:s17], $0x2700  }
0x1b: {  	[sflag:s17] =	ssyncset.done $0x0  }
0x1c: {  	s30 =	simm.s32 @!p0 $0x0;
	s31 =	simm.s32 @!p0 $0x2700;
	[sflag:s17] =	ssyncadd.s32 $0xFFFFD900  }
0x1d: {  	[tilespmem:s31], [sflag:$0x3] =	stream.linear.gather @!p0 [hbm4b:s7+s30], $0x80, $0x38;
	[tilespmem:$0x10F00] =	vst v63  }
0x1e: {  	s31 =	simm.s32 @!p0 $0x3  }
0x1f: {  	_ =	swait.ge @!p0 [sflag:s31], $0x80  }
0x20: {  	[sflag:s31] =	ssyncset.done @!p0 $0x0  }
0x21: {  	s0 =	simm.s32 @!p0 $0x4E80;
	[sflag:s31] =	ssyncadd.s32 @!p0 $0xFFFFFF80  }
0x22: {  	[tilespmem:s0], [sflag:$0x3] =	stream.linear.gather @!p0 [hbm4b:s8+s30], $0x80, $0x38;
	[tilespmem:$0x10F00] =	vst v63  }
0x23: {  	_ =	swait.ge @!p0 [sflag:s31], $0x80  }
0x24: {  	[sflag:s31] =	ssyncset.done @!p0 $0x0  }
0x25: {  	s30 =	simm.s32 $0x80;
	[sflag:s31] =	ssyncadd.s32 @!p0 $0xFFFFFF80;
	s31 =	simm.s32 $0x0  }
.LBB2_2:
0x26: {  	p1 =	sne.s32 s30, $0x3F80;
	[tilespmem:s31+$0x4F00] =	vst v0;
	s0 =	smov.u32 s30;
	s30 =	sadd.s32 $0x80, s30  }
.Ltmp0:
0x27: {  	[tilespmem:s31+$0x4F10] =	vst v0;
	(pc) =	sbr.rel @p1 .LBB2_2-.Ltmp0, $2  }
0x28: {  	_ =	sdelay $0x2  }
0x29: {  	s31 =	sshra.s32 s0, $0x2  }
0x2a: {  	[tilespmem:s31+$0x4F00] =	vst v0  }
0x2b: {  	[tilespmem:s31+$0x4F10] =	vst v0  }
0x2c: {  	[spmem:s9] =	stream.linear.scatter [tilespmem:s19], [sflag:$0x3], $0x1000, $0x38;
	[tilespmem:$0x10F00] =	vst v63  }
0x2d: {  	_ =	swait.ge [sflag:s17], $0x1000  }
0x2e: {  	[sflag:s17] =	ssyncset.done $0x0  }
0x2f: {  	[sflag:s17] =	ssyncadd.s32 $0xFFFFF000  }
0x30: {  	[spmem:s10] =	stream.linear.scatter [tilespmem:s19], [sflag:$0x3], $0x1000, $0x38;
	[tilespmem:$0x10F00] =	vst v63  }
0x31: {  	_ =	swait.ge [sflag:s17], $0x1000  }
0x32: {  	[sflag:s17] =	ssyncset.done $0x0  }
0x33: {  	[sflag:s17] =	ssyncadd.s32 $0xFFFFF000  }
0x34: {  	[spmem:s11] =	stream.linear.scatter [tilespmem:s19], [sflag:$0x3], $0x1000, $0x38;
	[tilespmem:$0x10F00] =	vst v63  }
0x35: {  	_ =	swait.ge [sflag:s17], $0x1000  }
0x36: {  	[sflag:s17] =	ssyncset.done $0x0  }
0x37: {  	[sflag:s17] =	ssyncadd.s32 $0xFFFFF000  }
0x38: {  	[spmem:s12] =	stream.linear.scatter [tilespmem:s19], [sflag:$0x3], $0x1000, $0x38;
	[tilespmem:$0x10F00] =	vst v63  }
0x39: {  	_ =	swait.ge [sflag:s17], $0x1000  }
0x3a: {  	[sflag:s17] =	ssyncset.done $0x0  }
0x3b: {  	[sflag:s17] =	ssyncadd.s32 $0xFFFFF000  }
0x3c: {  	[spmem:s13] =	stream.linear.scatter [tilespmem:s19], [sflag:$0x3], $0x1000, $0x38;
	[tilespmem:$0x10F00] =	vst v63  }
0x3d: {  	s0 =	stileid.u32;
	_ =	swait.ge [sflag:s17], $0x1000  }
0x3e: {  	s0 =	sshll.u32 s0, $0x6;
	[sflag:s17] =	ssyncset.done $0x0  }
0x3f: {  	s30 =	sor.u32 $0x1C03, s0;
	[sflag:s17] =	ssyncadd.s32 $0xFFFFF000  }
0x40: {  	[spmem:s20], [sflag:s30] =	dma.local [hbm:s14], $0xA00  }
0x41: {  	_ =	swait.ge [sflag:s17], $0xA00  }
0x42: {  	[sflag:s17] =	ssyncset.done $0x0  }
0x43: {  	[sflag:s17] =	ssyncadd.s32 $0xFFFFF600  }
0x44: {  	s1 =	simm.s32 $0x0;
	[bflag:$0x0] =	sbarrier.arrive $0xFFFF  }
0x45: {  	[tilespmem:s19], [sflag:$0x1] =	stream.indirect.gather [spmem:s3], $0x20, s1, s21, $0xb8;
	[tilespmem:$0x10F00] =	vst v63  }
0x46: {  	_ =	swait.ge [sflag:s22], $0x1000  }
0x47: {  	[sflag:s22] =	ssyncset.done $0x0  }
0x48: {  	s1 =	simm.s32 $0x80;
	[sflag:s22] =	ssyncadd.s32 $0xFFFFF000  }
0x49: {  	[tilespmem:s23], [sflag:$0x2] =	stream.indirect.gather [spmem:s3], $0x20, s1, s21, $0xb8;
	[tilespmem:$0x10F00] =	vst v63  }
0x4a: {  	s1 =	simm.s32 $0x2780  }
0x4b: {  	[spmem:s2] =	stream.indirect.scatter.add.f32 [tilespmem:s19], [sflag:$0x3], $0x20, s1, s21, $0xb8;
	[tilespmem:$0x10F00] =	vst v63  }
0x4c: {  	_ =	swait.ge [sflag:s17], $0x1000  }
0x4d: {  	[sflag:s17] =	ssyncset.done $0x0  }
0x4e: {  	[sflag:s17] =	ssyncadd.s32 $0xFFFFF000  }
0x4f: {  	_ =	swait.ge [sflag:s24], $0x1000  }
0x50: {  	[sflag:s24] =	ssyncset.done $0x0  }
0x51: {  	s1 =	simm.s32 $0x100;
	[sflag:s24] =	ssyncadd.s32 $0xFFFFF000  }
0x52: {  	[tilespmem:s19], [sflag:$0x1] =	stream.indirect.gather [spmem:s3], $0x20, s1, s21, $0xb8;
	[tilespmem:$0x10F00] =	vst v63  }
0x53: {  	s1 =	simm.s32 $0x2800  }
0x54: {  	[spmem:s2] =	stream.indirect.scatter.add.f32 [tilespmem:s23], [sflag:$0x3], $0x20, s1, s21, $0xb8;
	[tilespmem:$0x10F00] =	vst v63  }
0x55: {  	_ =	swait.ge [sflag:s17], $0x1000  }
0x56: {  	s31 =	simm.s32 $0x400;
	[sflag:s17] =	ssyncset.done $0x0  }
.LBB2_4:
0x57: {  	p1 =	sne.s32 s31, $0x9400  }
0x58: {  	[sflag:s17] =	ssyncadd.s32 $0xFFFFF000;
	s0 =	smov.u32 s31;
	s31 =	sadd.s32 $0x400, s31  }
0x59: {  	_ = 	snop  }
0x5a: {  	_ =	swait.ge [sflag:s22], $0x1000  }
0x5b: {  	s0 =	sshra.s32 s0, $0x2;
	[sflag:s22] =	ssyncset.done $0x0  }
0x5c: {  	s1 =	sadd.s32 $0x80, s0;
	[sflag:s22] =	ssyncadd.s32 $0xFFFFF000  }
0x5d: {  	[tilespmem:s23], [sflag:$0x2] =	stream.indirect.gather [spmem:s3], $0x20, s1, s21, $0xb8;
	[tilespmem:$0x10F00] =	vst v63  }
0x5e: {  	s1 =	sadd.s32 $0x2780, s0  }
0x5f: {  	[spmem:s2] =	stream.indirect.scatter.add.f32 [tilespmem:s19], [sflag:$0x3], $0x20, s1, s21, $0xb8;
	[tilespmem:$0x10F00] =	vst v63  }
0x60: {  	_ =	swait.ge [sflag:s17], $0x1000  }
0x61: {  	[sflag:s17] =	ssyncset.done $0x0  }
0x62: {  	[sflag:s17] =	ssyncadd.s32 $0xFFFFF000  }
0x63: {  	_ =	swait.ge [sflag:s24], $0x1000  }
0x64: {  	[sflag:s24] =	ssyncset.done $0x0  }
0x65: {  	s1 =	sadd.s32 $0x100, s0;
	[sflag:s24] =	ssyncadd.s32 $0xFFFFF000  }
0x66: {  	[tilespmem:s19], [sflag:$0x1] =	stream.indirect.gather [spmem:s3], $0x20, s1, s21, $0xb8;
	[tilespmem:$0x10F00] =	vst v63  }
.Ltmp1:
0x67: {  	_ = 	snop;
	(pc) =	sbr.rel @p1 .LBB2_4-.Ltmp1, $4  }
0x68: {  	s0 =	sadd.s32 $0x2800, s0  }
0x69: {  	[spmem:s2] =	stream.indirect.scatter.add.f32 [tilespmem:s23], [sflag:$0x3], $0x20, s0, s21, $0xb8;
	[tilespmem:$0x10F00] =	vst v63  }
0x6a: {  	_ =	swait.ge [sflag:s17], $0x1000  }
0x6b: {  	[sflag:s17] =	ssyncset.done $0x0  }
0x6c: {  	[sflag:s17] =	ssyncadd.s32 $0xFFFFF000  }
0x6d: {  	_ =	swait.ge [sflag:s22], $0x1000  }
0x6e: {  	[sflag:s22] =	ssyncset.done $0x0  }
0x6f: {  	[sflag:s22] =	ssyncadd.s32 $0xFFFFF000  }
0x70: {  	[tilespmem:s23], [sflag:$0x2] =	stream.indirect.gather [spmem:s3], $0x20, s25, s21, $0xb8;
	[tilespmem:$0x10F00] =	vst v63  }
0x71: {  	_ = 	snop  }
0x72: {  	[spmem:s2] =	stream.indirect.scatter.add.f32 [tilespmem:s19], [sflag:$0x3], $0x20, s26, s21, $0xb8;
	[tilespmem:$0x10F00] =	vst v63  }
0x73: {  	_ =	swait.ge [sflag:s17], $0x1000  }
0x74: {  	[sflag:s17] =	ssyncset.done $0x0  }
0x75: {  	[sflag:s17] =	ssyncadd.s32 $0xFFFFF000  }
0x76: {  	_ =	swait.ge [sflag:s24], $0x1000  }
0x77: {  	[sflag:s24] =	ssyncset.done $0x0  }
0x78: {  	[sflag:s24] =	ssyncadd.s32 $0xFFFFF000  }
0x79: {  	[spmem:s2] =	stream.indirect.scatter.add.f32 [tilespmem:s23], [sflag:$0x3], $0x20, s28, s21, $0xb8;
	[tilespmem:$0x10F00] =	vst v63  }
0x7a: {  	_ =	swait.ge [sflag:s17], $0x1000  }
0x7b: {  	s0 =	simm.s32 @!p0 $0x80;
	[sflag:s17] =	ssyncset.done $0x0  }
0x7c: {  	s1 =	simm.s32 @!p0 $0x2700;
	s31 =	simm.s32 @!p0 $0x4F00;
	[sflag:s17] =	ssyncadd.s32 $0xFFFFF000  }
0x7d: {  	[tilespmem:s31], [sflag:$0x1] =	stream.indirect.gather @!p0 [spmem:s3], $0x20, s1, s0, $0xb8;
	[tilespmem:$0x10F00] =	vst v63  }
0x7e: {  	s1 =	simm.s32 @!p0 $0x1  }
0x7f: {  	_ =	swait.ge @!p0 [sflag:s1], $0x1000  }
0x80: {  	[sflag:s1] =	ssyncset.done @!p0 $0x0  }
0x81: {  	[sflag:s1] =	ssyncadd.s32 @!p0 $0xFFFFF000;
	s1 =	simm.s32 @!p0 $0x4E80  }
0x82: {  	[spmem:s2] =	stream.indirect.scatter.add.f32 @!p0 [tilespmem:s31], [sflag:$0x3], $0x20, s1, s0, $0xb8;
	[tilespmem:$0x10F00] =	vst v63  }
0x83: {  	s0 =	simm.s32 @!p0 $0x3  }
0x84: {  	_ =	swait.ge @!p0 [sflag:s0], $0x1000  }
0x85: {  	s29 =	sadd.s32 $0x1, s29;
	[sflag:s0] =	ssyncset.done @!p0 $0x0  }
0x86: {  	p1 =	sne.s32 s29, s16;
	[sflag:s0] =	ssyncadd.s32 @!p0 $0xFFFFF000  }
.Ltmp2:
0x87: {  	s31 =	sshrl.u32 s9, $0x3;
	[bflag:$0x0] =	sbarrier.arrive $0xFFFF;
	(pc) =	sbr.rel @p1 .LBB2_1-.Ltmp2, $4  }
0x88: {  	[hbm:s15], [sflag:s30] =	dma.local [spmem:s31], $0xA00  }
0x89: {  	_ =	swait.ge [sflag:s17], $0xA00  }
0x8a: {  	[sflag:s17] =	ssyncset.done $0x0  }
0x8b: {  	[sflag:s17] =	ssyncadd.s32 $0xFFFFF600  }
0x8c: {  	_ =	sfence.sel $0x180000  }
0x8d: {  	[bflag:$0x0] =	sbarrier.arrive $0xFFFF  }
0x8e: {  	_ =	strace $0x9000004D  }
0x8f: {  	s0 =	stileid.u32;
	[bflag:$0x2] =	sbarrier.arrive $0xFFFF  }
0x90: {  	p0 =	sne.s32 s0, $0x0;
	s0 =	rddreg [dreg:$0x3]  }
0x91: {  	s0 =	sadd.s32 @!p0 $0x100000, s0  }
0x92: {  	[sflag:s0] =	ssyncadd.tile.s32 @!p0 $0x1;
	_ =	shalt  }
.Lfunc_end2:
_tile_overlayer_lowered:
.L_overlay_start_2:
0x93: {  	(tag) =	ssettag $0x2  }
0x94: {  	s0 =	rddreg [dreg:$0x0];
	s2 =	stileid.u32  }
0x95: {  	s1 =	rddreg [dreg:$0x1];
	p0 =	sne.s32 s2, $0x0  }
0x96: {  	s3 =	rddreg [dreg:$0x2];
	[bflag:$0x3] =	sbarrier.arrive $0xFFFF;
	s2 =	simm.s32 @!p0 $0x1C03  }
0x97: {  	[timem:s3], [sflag:s2] =	dma.local @!p0 [hbm:s0], s1  }
0x98: {  	s0 =	simm.s32 @!p0 $0x3  }
0x99: {  	_ =	swait.ge @!p0 [sflag:s0], s1  }
0x9a: {  	s1 =	ssub.s32 @!p0 $0x0, s1;
	[sflag:s0] =	ssyncset.done @!p0 $0x0  }
0x9b: {  	[sflag:s0] =	ssyncadd.s32 @!p0 s1  }
0x9c: {  	[bflag:$0x3] =	sbarrier.arrive $0xFFFF  }
0x9d: {  	_ =	shalt  }

// kernel: kernel.8.cloned.1.call-start
scs
__scs_entry_jumppad:
0x0: {  	(pc) =	sbr.rel $0x88, $3  }
0x1: {  	(tag) =	ssettag $0x0;
	lr =	simm.s32 $0x1  }
0x2: {  	[smem:$0x3F98] =	sst lr;
	_ =	strace $0xD0000000  }
0x3: {  	_ = 	snop  }
0x4: {  	_ = 	snop  }
0x5: {  	_ = 	snop  }
0x6: {  	_ = 	snop  }
0x7: {  	_ = 	snop  }
__scs_overlays_trampoline_lowered:
0x8: {  	[smem:$0x3FA7] =	sst s0  }
0x9: {  	[smem:$0x3FA8] =	sst s1  }
0xa: {  	[smem:$0x3FA9] =	sst s2  }
0xb: {  	[smem:$0x3FAA] =	sst s3  }
0xc: {  	[smem:$0x3FAB] =	sst s4  }
0xd: {  	[smem:$0x3FAC] =	sst s5  }
0xe: {  	[smem:$0x3FAD] =	sst s6  }
0xf: {  	[smem:$0x3FAE] =	sst s7  }
0x10: {  	[smem:$0x3FAF] =	sst s8  }
0x11: {  	[smem:$0x3FB0] =	sst s9;
	s0 =	simm.s32 @!p0 $0x0  }
0x12: {  	s1 =	sld [smem:$0x3F96];
	s0 =	simm.s32 @p0 $0x1  }
0x13: {  	[smem:$0x3FB1] =	sst s0;
	s0 =	simm.s32 @!p1 $0x0  }
0x14: {  	s2 =	sld [smem:$0x3F95];
	s0 =	simm.s32 @p1 $0x1  }
0x15: {  	[smem:$0x3FB2] =	sst s0;
	s0 =	simm.s32 @!p2 $0x0  }
0x16: {  	s3 =	sld [smem:$0x3FDB];
	s0 =	simm.s32 @p2 $0x1  }
0x17: {  	s4 =	simm.s32 $0x1BF5;
	[smem:$0x3FB4] =	sst s0  }
0x18: {  	s0 =	sld [smem:$0x3F97];
	_ =	swait.ge [sflag:s4], $0x0  }
0x19: {  	s7 =	sld [smem:$0x3F98]  }
0x1a: {  	s8 =	sadd.s32 $0xFFFFE003, lr  }
0x1b: {  	s9 =	sadd.s32 $0xFFFFFEF7, lr;
	s5 =	simm.s32 $0xFFFFFFFF;
	p2 =	slt.u32 s8, $0xFFFFF086  }
0x1c: {  	p1 =	slt.u32 s9, $0xF7A;
	s5 =	simm.s32 @!p2 $0x0  }
0x1d: {  	s5 =	simm.s32 @p1 $0x1;
	p0 =	seq.s32 s7, s2  }
0x1e: {  	s7 =	smul.u32 @!p0 $0xF7A, s2;
	p2 =	seq.s32 @!p0 s5, $0x0  }
0x1f: {  	s9 =	smul.u32 $0xF7A, s1;
	s8 =	simm.s32 @!p0 $0x1BF5;
	p2 =	por !p2, p0  }
0x20: {  	[sflag:s8] =	ssyncset.s32 @!p0 $0xFFFFF086;
	s6 =	sadd.s32 @!p0 s3, s7;
	s7 =	simm.s32 @!p0 $0x108  }
0x21: {  	s3 =	sadd.s32 s3, s9;
	s6 =	sadd.s32 @!p0 $0x88, s6;
	s7 =	simm.s32 @p2 $0x1082  }
0x22: {  	[simem:s7], [sflag:s8] =	dma.local @!p0 [hbm:s6], $0xF7A  }
0x23: {  	s9 =	sor.u32 $0xD0000000, s2;
	s6 =	simm.s32 $0x108;
	_ =	swait.ge @!p0 [sflag:s8], $0x0  }
0x24: {  	s3 =	sadd.s32 $0x88, s3;
	s6 =	simm.s32 @!p1 $0x1082;
	[sflag:s4] =	ssyncset.s32 $0xFFFFF086  }
0x25: {  	[simem:s6], [sflag:s4] =	dma.local [hbm:s3], $0xF7A  }
0x26: {  	[smem:$0x3F98] =	sst s1;
	(tag) =	ssettag s2;
	_ =	strace s9  }
0x27: {  	s1 =	sld [smem:$0x3FA8]  }
0x28: {  	s2 =	sld [smem:$0x3FA9]  }
0x29: {  	s4 =	sld [smem:$0x3FAB]  }
0x2a: {  	p0 =	seq.s32 s5, $0x0;
	s5 =	sld [smem:$0x3FAC]  }
0x2b: {  	s6 =	sld [smem:$0x3FAD]  }
0x2c: {  	s7 =	sld [smem:$0x3FAE]  }
0x2d: {  	s3 =	simm.s32 $0x108;
	s8 =	sld [smem:$0x3FAF]  }
0x2e: {  	s3 =	simm.s32 @!p0 $0x1082;
	s9 =	sld [smem:$0x3FB0]  }
0x2f: {  	lr =	sadd.s32 s0, s3;
	s0 =	sld [smem:$0x3FA7]  }
0x30: {  	s3 =	sld [smem:$0x3FAA]  }
0x31: {  	[smem:$0x3FB3] =	sst s10  }
0x32: {  	s10 =	sld [smem:$0x3FB1];
	_ =	sdelay $0x3  }
0x33: {  	p0 =	seq.s32 s10, $0x1;
	s10 =	sld [smem:$0x3FB3];
	_ =	sdelay $0x3  }
0x34: {  	[smem:$0x3FB3] =	sst s10  }
0x35: {  	s10 =	sld [smem:$0x3FB2];
	_ =	sdelay $0x3  }
0x36: {  	p1 =	seq.s32 s10, $0x1;
	s10 =	sld [smem:$0x3FB3];
	_ =	sdelay $0x3  }
0x37: {  	[smem:$0x3FB3] =	sst s10  }
0x38: {  	s10 =	sld [smem:$0x3FB4]  }
0x39: {  	_ = 	snop;
	(pc) =	sbr.ind lr, $3  }
0x3a: {  	_ = 	snop  }
0x3b: {  	_ = 	snop  }
0x3c: {  	p2 =	seq.s32 s10, $0x1;
	s10 =	sld [smem:$0x3FB3]  }
0x3d: {  	_ =	shalt  }
0x3e: {  	_ =	shalt  }
0x3f: {  	_ =	shalt  }
0x40: {  	_ =	shalt  }
0x41: {  	_ =	shalt  }
0x42: {  	_ =	shalt  }
0x43: {  	_ =	shalt  }
0x44: {  	_ =	shalt  }
0x45: {  	_ =	shalt  }
0x46: {  	_ =	shalt  }
0x47: {  	_ =	shalt  }
0x48: {  	_ =	shalt  }
0x49: {  	_ =	shalt  }
0x4a: {  	_ =	shalt  }
0x4b: {  	_ =	shalt  }
0x4c: {  	_ =	shalt  }
0x4d: {  	_ =	shalt  }
0x4e: {  	_ =	shalt  }
0x4f: {  	_ =	shalt  }
0x50: {  	_ =	shalt  }
0x51: {  	_ =	shalt  }
0x52: {  	_ =	shalt  }
0x53: {  	_ =	shalt  }
0x54: {  	_ =	shalt  }
0x55: {  	_ =	shalt  }
0x56: {  	_ =	shalt  }
0x57: {  	_ =	shalt  }
0x58: {  	_ =	shalt  }
0x59: {  	_ =	shalt  }
0x5a: {  	_ =	shalt  }
0x5b: {  	_ =	shalt  }
0x5c: {  	_ =	shalt  }
0x5d: {  	_ =	shalt  }
0x5e: {  	_ =	shalt  }
0x5f: {  	_ =	shalt  }
0x60: {  	_ =	shalt  }
0x61: {  	_ =	shalt  }
0x62: {  	_ =	shalt  }
0x63: {  	_ =	shalt  }
0x64: {  	_ =	shalt  }
0x65: {  	_ =	shalt  }
0x66: {  	_ =	shalt  }
0x67: {  	_ =	shalt  }
0x68: {  	_ =	shalt  }
0x69: {  	_ =	shalt  }
0x6a: {  	_ =	shalt  }
0x6b: {  	_ =	shalt  }
0x6c: {  	_ =	shalt  }
0x6d: {  	_ =	shalt  }
0x6e: {  	_ =	shalt  }
0x6f: {  	_ =	shalt  }
0x70: {  	_ =	shalt  }
0x71: {  	_ =	shalt  }
0x72: {  	_ =	shalt  }
0x73: {  	_ =	shalt  }
0x74: {  	_ =	shalt  }
0x75: {  	_ =	shalt  }
0x76: {  	_ =	shalt  }
0x77: {  	_ =	shalt  }
0x78: {  	_ =	shalt  }
0x79: {  	_ =	shalt  }
0x7a: {  	_ =	shalt  }
0x7b: {  	_ =	shalt  }
0x7c: {  	_ =	shalt  }
0x7d: {  	_ =	shalt  }
0x7e: {  	_ =	shalt  }
0x7f: {  	_ =	shalt  }
0x80: {  	_ =	shalt  }
0x81: {  	_ =	shalt  }
0x82: {  	_ =	shalt  }
0x83: {  	_ =	shalt  }
0x84: {  	_ =	shalt  }
0x85: {  	_ =	shalt  }
0x86: {  	_ =	shalt  }
0x87: {  	_ =	shalt  }
.Lfunc_end0:
.L_simem_size_0:
called_computation_lowered:
.L_overlay_start_0:
0x88: {  	s2 =	sld [smem:$0x3FD9]  }
0x89: {  	s3 =	sld [smem:$0x3FFE];
	_ =	sdelay $0x1  }
0x8a: {  	s1 =	srdreg.scid  }
0x8b: {  	s0 =	sand.u32 $0x1, s1  }
0x8c: {  	s16 =	sshll.u32 s0, $0xA;
	s2 =	sadd.s32 s3, s2  }
0x8d: {  	s2 =	sadd.s32 s2, s16  }
0x8e: {  	[smem:$0x3FBF] =	sst s2  }
0x8f: {  	_ = 	snop  }
0x90: {  	(tm) =	ssettm $0x1  }
0x91: {  	s17 =	sld [smem:$0x3FFB];
	_ =	sdelay $0x3  }
0x92: {  	_ =	strace s17  }
0x93: {  	s2 =	sld [smem:$0x3FFC];
	_ =	sdelay $0x3  }
0x94: {  	_ =	strace s2  }
0x95: {  	s2 =	sld [smem:$0x3FFD];
	_ =	sdelay $0x3  }
0x96: {  	_ =	strace s2  }
0x97: {  	_ =	strace $0x8FFFFFFF  }
0x98: {  	s18 =	sld [smem:$0x3FDB];
	_ =	sdelay $0x1  }
0x99: {  	s19 =	simm.s32 $_scs_section_size  }
0x9a: {  	s4 =	simm.s32 $_size__tile_overlayer_lowered;
	s5 =	simm.s32 $_tile_overlayer_lowered  }
0x9b: {  	s22 =	simm.s32 $0x1BFF;
	s21 =	sshll.u32 s5, $0x1;
	s2 =	sadd.s32 s19, s18  }
0x9c: {  	s6 =	simm.s32 $0x0;
	s20 =	sshll.u32 s4, $0x1;
	s4 =	sadd.s32 s21, s2  }
0x9d: {  	[timem:s6], [sflag:s22] =	dma.local [hbm:s4], s20  }
0x9e: {  	_ =	swait.ge [sflag:s22], s20  }
0x9f: {  	s3 =	ssub.s32 $0x0, s20;
	[sflag:s22] =	ssyncset.done $0x0  }
0xa0: {  	[sflag:s22] =	ssyncadd.s32 s3;
	_ =	sdelay $0x1  }
0xa1: {  	s23 =	simm.s32 $0x1B8B  }
0xa2: {  	_ =	swait.ge [sflag:s23], $0x1  }
0xa3: {  	[sflag:s23] =	ssyncset.done $0x0  }
0xa4: {  	s25 =	simm.s32 $0x1B8E;
	s24 =	sld [smem:$0x3FFE];
	[sflag:s23] =	ssyncadd.s32 $0xFFFFFFFF  }
0xa5: {  	s26 =	simm.s32 $execute0_lowered;
	[smem:$0x3FD2] =	sst s25  }
0xa6: {  	s4 =	sshll.u32 s26, $0x1;
	_ =	strace $0x80000046;
	[dreg:$0x1] =	wrdreg $0xFFFFFFFF  }
0xa7: {  	s28 =	simm.s32 $_size_execute0_lowered;
	s2 =	sadd.s32 s2, s4;
	[dreg:$0x0] =	wrdreg $0x0  }
0xa8: {  	s4 =	sshll.u32 s28, $0x1;
	[dreg:$0x2] =	wrdreg s2  }
0xa9: {  	[dreg:$0x3] =	wrdreg s4  }
0xaa: {  	[dreg:$0x4] =	wrdreg $0xC0  }
0xab: {  	_ =	task [dreg:s6], $0x5FFFF  }
0xac: {  	[dreg:$0x1] =	wrdreg $0xFFFFFFFF  }
0xad: {  	[dreg:$0x0] =	wrdreg $0x60  }
0xae: {  	[dreg:$0x2] =	wrdreg s24  }
0xaf: {  	[dreg:$0x3] =	wrdreg $0x37800  }
0xb0: {  	[dreg:$0x4] =	wrdreg $0x9  }
0xb1: {  	_ =	task.clear_ibuf [dreg:s6], $0x5FFFF;
	_ =	strace $0x90000046  }
0xb2: {  	s29 =	simm.s32 $0x9;
	_ =	strace $0x80000048  }
0xb3: {  	_ =	swait.ge [sflag:s29], $0x1  }
0xb4: {  	[sflag:s29] =	ssyncadd.s32 $0xFFFFFFFF  }
0xb5: {  	_ =	strace $0x90000048  }
0xb6: {  	_ =	sfence  }
0xb7: {  	s30 =	sld [smem:$0x0];
	_ =	sdelay $0x2  }
0xb8: {  	s31 =	sshll.u32 s1, $0xD;
	s1 =	sshrl.u32 s1, $0x2  }
0xb9: {  	s3 =	sand.u32 $0x4000, s31;
	s1 =	sadd.s32 s1, s30  }
0xba: {  	s0 =	sor.u32 s3, s0;
	s1 =	sshll.u32 s1, $0x11  }
0xbb: {  	s0 =	sor.u32 s1, s0  }
0xbc: {  	s0 =	sadd.s32 $0x8F2B, s0  }
0xbd: {  	[sflag:s0] =	ssyncadd.remote.s32 $0x1  }
0xbe: {  	_ =	sfence.sel $0xFFFF  }
0xbf: {  	[dreg:$0x0] =	wrdreg $0xFFFFFFFF;
	(pc) =	sbr.abs _section_cstart, $3  }
0xc0: {  	[dreg:$0x1] =	wrdreg $0xFFFFFFFF  }
0xc1: {  	_ =	task.clear_ibuf [dreg:s6], $0x2FFFF;
	_ =	strace $0x9FFFFFFF  }
0xc2: {  	(tm) =	ssettm $0x7FFFFFFF  }
0xc3: {  	_ =	shalt  }
tec
execute0_lowered:
.L_overlay_start_1:
0x0: {  	(tag) =	ssettag $0x1  }
0x1: {  	s4 =	rddreg [dreg:$0x0]  }
0x2: {  	s2 =	rddreg [dreg:$0x1]  }
0x3: {  	s0 =	rddreg [dreg:$0x2]  }
0x4: {  	s3 =	simm.s32 $0x0;
	s5 =	srdreg.scid;
	s1 =	stileid.u32  }
0x5: {  	s14 =	simm.s32 $0x2F80;
	s15 =	simm.s32 $0x80;
	s16 =	simm.s32 $0x2780  }
0x6: {  	s17 =	simm.s32 $0x1;
	s20 =	simm.s32 $0x0;
	s5 =	sand.u32 $0x1, s5  }
0x7: {  	s6 =	smul.u32 $0x500, s1;
	s7 =	sshll.u32 s1, $0x1;
	[smem:$0x7FF] =	sst s3  }
0x8: {  	s10 =	smul.u32 $0xA000, s1;
	s11 =	sadd.s32 $0x2200, s4;
	p0 =	sgt.u32 s1, $0x1  }
0x9: {  	s18 =	sshll.u32 s1, $0x6;
	s8 =	smul.u32 $0x5000, s5;
	s7 =	sor.u32 s5, s7  }
0xa: {  	_ =	strace $0x80000047;
	s5 =	ssub.s32 $0x2, s5;
	s18 =	sor.u32 $0x1C02, s18  }
0xb: {  	s9 =	smul.u32 $0x2700, s7;
	s25 =	sshrl.u32 s5, $0x1;
	s28 =	sshll.u32 s7, $0x4  }
0xc: {  	s29 =	sshrl.u32 s10, $0x2;
	s6 =	sadd.s32 s6, s8;
	s13 =	ssub.s32 s5, s25  }
0xd: {  	s31 =	sadd.s32 s28, s11;
	s12 =	sadd.s32 s6, s4;
	s26 =	sshrl.u32 s9, $0x3  }
0xe: {  	s4 =	sadd.s32 s29, s2;
	s6 =	sadd.s32 $0x13840, s31;
	s30 =	sadd.s32 s11, s26  }
0xf: {  	s7 =	sadd.s32 $0x800, s4;
	s8 =	sadd.s32 $0x1000, s4;
	s9 =	sadd.s32 $0x1800, s4  }
0x10: {  	s10 =	sadd.s32 $0x2000, s4;
	s11 =	sadd.s32 $0x15C00, s12;
	s12 =	smax.u32 s13, $0x1  }
0x11: {  	v0 =	vimm.f32 $1.000000000e+00;
	v1 =	vimm.f32 $0.0e+00;
	s13 =	simm.s32 $0x2;
	s19 =	sshrl.u32 s4, $0x3;
	s5 =	sadd.s32 $0x9C40, s30  }
.LBB2_1:
0x12: {  	[tilespmem:s3], [sflag:$0x2] =	stream.linear.gather [hbm4b:s5+s3], $0x2700, $0x38;
	[tilespmem:$0x5F80] =	vst v63  }
0x13: {  	_ =	swait.ge [sflag:s13], $0x2700  }
0x14: {  	[sflag:s13] =	ssyncset.done $0x0  }
0x15: {  	s21 =	simm.s32 @!p0 $0x0;
	s22 =	simm.s32 @!p0 $0x2700;
	[sflag:s13] =	ssyncadd.s32 $0xFFFFD900  }
0x16: {  	[tilespmem:s22], [sflag:$0x2] =	stream.linear.gather @!p0 [hbm4b:s6+s21], $0x80, $0x38;
	[tilespmem:$0x5F80] =	vst v63  }
0x17: {  	s21 =	simm.s32 @!p0 $0x2  }
0x18: {  	_ =	swait.ge @!p0 [sflag:s21], $0x80  }
0x19: {  	[sflag:s21] =	ssyncset.done @!p0 $0x0  }
0x1a: {  	s22 =	simm.s32 $0x0;
	[sflag:s21] =	ssyncadd.s32 @!p0 $0xFFFFFF80;
	s21 =	simm.s32 $0x40  }
.LBB2_2:
0x1b: {  	p1 =	sne.s32 s21, $0x1FC0;
	[tilespmem:s22+$0x2780] =	vst v0;
	s23 =	smov.u32 s21;
	s21 =	sadd.s32 $0x40, s21  }
.Ltmp0:
0x1c: {  	[tilespmem:s22+$0x2F80] =	vst v1;
	(pc) =	sbr.rel @p1 .LBB2_2-.Ltmp0, $2  }
0x1d: {  	_ =	sdelay $0x2  }
0x1e: {  	s22 =	sshra.s32 s23, $0x2  }
0x1f: {  	[tilespmem:s22+$0x2780] =	vst v0  }
0x20: {  	[tilespmem:s22+$0x2F80] =	vst v1  }
0x21: {  	[spmem:s4] =	stream.linear.scatter [tilespmem:s14], [sflag:$0x2], $0x800, $0x38;
	[tilespmem:$0x5F80] =	vst v63  }
0x22: {  	_ =	swait.ge [sflag:s13], $0x800  }
0x23: {  	[sflag:s13] =	ssyncset.done $0x0  }
0x24: {  	[sflag:s13] =	ssyncadd.s32 $0xFFFFF800  }
0x25: {  	[spmem:s7] =	stream.linear.scatter [tilespmem:s14], [sflag:$0x2], $0x800, $0x38;
	[tilespmem:$0x5F80] =	vst v63  }
0x26: {  	_ =	swait.ge [sflag:s13], $0x800  }
0x27: {  	[sflag:s13] =	ssyncset.done $0x0  }
0x28: {  	[sflag:s13] =	ssyncadd.s32 $0xFFFFF800  }
0x29: {  	[spmem:s8] =	stream.linear.scatter [tilespmem:s14], [sflag:$0x2], $0x800, $0x38;
	[tilespmem:$0x5F80] =	vst v63  }
0x2a: {  	_ =	swait.ge [sflag:s13], $0x800  }
0x2b: {  	[sflag:s13] =	ssyncset.done $0x0  }
0x2c: {  	[sflag:s13] =	ssyncadd.s32 $0xFFFFF800  }
0x2d: {  	[spmem:s9] =	stream.linear.scatter [tilespmem:s14], [sflag:$0x2], $0x800, $0x38;
	[tilespmem:$0x5F80] =	vst v63  }
0x2e: {  	_ =	swait.ge [sflag:s13], $0x800  }
0x2f: {  	[sflag:s13] =	ssyncset.done $0x0  }
0x30: {  	[sflag:s13] =	ssyncadd.s32 $0xFFFFF800  }
0x31: {  	[spmem:s10] =	stream.linear.scatter [tilespmem:s14], [sflag:$0x2], $0x800, $0x38;
	[tilespmem:$0x5F80] =	vst v63  }
0x32: {  	_ =	swait.ge [sflag:s13], $0x800  }
0x33: {  	[sflag:s13] =	ssyncset.done $0x0  }
0x34: {  	[sflag:s13] =	ssyncadd.s32 $0xFFFFF800  }
0x35: {  	s21 =	simm.s32 $0x0;
	[bflag:$0x0] =	sbarrier.arrive $0xFFFF  }
0x36: {  	[spmem:s2] =	stream.indirect.scatter.add.f32 [tilespmem:s16], [sflag:$0x1], $0x10, s21, s15, $0xb8;
	[tilespmem:$0x5F80] =	vst v63  }
0x37: {  	s26 =	simm.s32 $0x80  }
0x38: {  	[spmem:s2] =	stream.indirect.scatter.add.f32 [tilespmem:s16], [sflag:$0x1], $0x10, s26, s15, $0xb8;
	[tilespmem:$0x5F80] =	vst v63  }
0x39: {  	s28 =	simm.s32 $0x100  }
0x3a: {  	[spmem:s2] =	stream.indirect.scatter.add.f32 [tilespmem:s16], [sflag:$0x1], $0x10, s28, s15, $0xb8;
	[tilespmem:$0x5F80] =	vst v63  }
0x3b: {  	s29 =	simm.s32 $0x180  }
0x3c: {  	[spmem:s2] =	stream.indirect.scatter.add.f32 [tilespmem:s16], [sflag:$0x1], $0x10, s29, s15, $0xb8;
	[tilespmem:$0x5F80] =	vst v63  }
0x3d: {  	s30 =	simm.s32 $0x200  }
0x3e: {  	[spmem:s2] =	stream.indirect.scatter.add.f32 [tilespmem:s16], [sflag:$0x1], $0x10, s30, s15, $0xb8;
	[tilespmem:$0x5F80] =	vst v63  }
0x3f: {  	s31 =	simm.s32 $0x280  }
0x40: {  	[spmem:s2] =	stream.indirect.scatter.add.f32 [tilespmem:s16], [sflag:$0x1], $0x10, s31, s15, $0xb8;
	[tilespmem:$0x5F80] =	vst v63  }
0x41: {  	_ =	swait.ge [sflag:s17], $0x800  }
0x42: {  	[sflag:s17] =	ssyncset.done $0x0  }
0x43: {  	[sflag:s17] =	ssyncadd.s32 $0xFFFFF800  }
0x44: {  	_ =	swait.ge [sflag:s17], $0x800  }
0x45: {  	[sflag:s17] =	ssyncset.done $0x0  }
0x46: {  	[sflag:s17] =	ssyncadd.s32 $0xFFFFF800  }
0x47: {  	_ =	swait.ge [sflag:s17], $0x800  }
0x48: {  	[sflag:s17] =	ssyncset.done $0x0  }
0x49: {  	[sflag:s17] =	ssyncadd.s32 $0xFFFFF800  }
0x4a: {  	_ =	swait.ge [sflag:s17], $0x800  }
0x4b: {  	[sflag:s17] =	ssyncset.done $0x0  }
0x4c: {  	[sflag:s17] =	ssyncadd.s32 $0xFFFFF800  }
0x4d: {  	_ =	swait.ge [sflag:s17], $0x800  }
0x4e: {  	[sflag:s17] =	ssyncset.done $0x0  }
0x4f: {  	[sflag:s17] =	ssyncadd.s32 $0xFFFFF800  }
0x50: {  	_ =	swait.ge [sflag:s17], $0x800  }
0x51: {  	s22 =	simm.s32 $0x1800;
	s21 =	simm.s32 $0xC00;
	[sflag:s17] =	ssyncset.done $0x0  }
.LBB2_4:
0x52: {  	s23 =	sshra.s32 s21, $0x2  }
0x53: {  	[sflag:s17] =	ssyncadd.s32 $0xFFFFF800;
	s21 =	smov.u32 s22;
	s24 =	sadd.s32 $0xC00, s22  }
0x54: {  	[spmem:s2] =	stream.indirect.scatter.add.f32 [tilespmem:s16], [sflag:$0x1], $0x10, s23, s15, $0xb8;
	[tilespmem:$0x5F80] =	vst v63  }
0x55: {  	p1 =	sne.s32 s22, $0x9000;
	s22 =	sadd.s32 $0x80, s23  }
0x56: {  	[spmem:s2] =	stream.indirect.scatter.add.f32 [tilespmem:s16], [sflag:$0x1], $0x10, s22, s15, $0xb8;
	[tilespmem:$0x5F80] =	vst v63  }
0x57: {  	s22 =	sadd.s32 $0x100, s23  }
0x58: {  	[spmem:s2] =	stream.indirect.scatter.add.f32 [tilespmem:s16], [sflag:$0x1], $0x10, s22, s15, $0xb8;
	[tilespmem:$0x5F80] =	vst v63  }
0x59: {  	s22 =	sadd.s32 $0x180, s23  }
0x5a: {  	[spmem:s2] =	stream.indirect.scatter.add.f32 [tilespmem:s16], [sflag:$0x1], $0x10, s22, s15, $0xb8;
	[tilespmem:$0x5F80] =	vst v63  }
0x5b: {  	s22 =	sadd.s32 $0x200, s23  }
0x5c: {  	[spmem:s2] =	stream.indirect.scatter.add.f32 [tilespmem:s16], [sflag:$0x1], $0x10, s22, s15, $0xb8;
	[tilespmem:$0x5F80] =	vst v63  }
0x5d: {  	s22 =	sadd.s32 $0x280, s23  }
0x5e: {  	[spmem:s2] =	stream.indirect.scatter.add.f32 [tilespmem:s16], [sflag:$0x1], $0x10, s22, s15, $0xb8;
	[tilespmem:$0x5F80] =	vst v63  }
0x5f: {  	_ =	swait.ge [sflag:s17], $0x800  }
0x60: {  	[sflag:s17] =	ssyncset.done $0x0  }
0x61: {  	[sflag:s17] =	ssyncadd.s32 $0xFFFFF800  }
0x62: {  	_ =	swait.ge [sflag:s17], $0x800  }
0x63: {  	[sflag:s17] =	ssyncset.done $0x0  }
0x64: {  	[sflag:s17] =	ssyncadd.s32 $0xFFFFF800  }
0x65: {  	_ =	swait.ge [sflag:s17], $0x800  }
0x66: {  	[sflag:s17] =	ssyncset.done $0x0  }
0x67: {  	[sflag:s17] =	ssyncadd.s32 $0xFFFFF800  }
0x68: {  	_ =	swait.ge [sflag:s17], $0x800  }
0x69: {  	[sflag:s17] =	ssyncset.done $0x0  }
0x6a: {  	[sflag:s17] =	ssyncadd.s32 $0xFFFFF800  }
.Ltmp1:
0x6b: {  	_ =	swait.ge [sflag:s17], $0x800;
	(pc) =	sbr.rel @p1 .LBB2_4-.Ltmp1, $4  }
0x6c: {  	[sflag:s17] =	ssyncset.done $0x0  }
0x6d: {  	[sflag:s17] =	ssyncadd.s32 $0xFFFFF800  }
0x6e: {  	_ =	swait.ge [sflag:s17], $0x800  }
0x6f: {  	s22 =	smov.u32 s24;
	[sflag:s17] =	ssyncset.done $0x0  }
0x70: {  	s21 =	sshra.s32 s21, $0x2;
	[sflag:s17] =	ssyncadd.s32 $0xFFFFF800  }
0x71: {  	[spmem:s2] =	stream.indirect.scatter.add.f32 [tilespmem:s16], [sflag:$0x1], $0x10, s21, s15, $0xb8;
	[tilespmem:$0x5F80] =	vst v63  }
0x72: {  	s22 =	sadd.s32 $0x80, s21  }
0x73: {  	[spmem:s2] =	stream.indirect.scatter.add.f32 [tilespmem:s16], [sflag:$0x1], $0x10, s22, s15, $0xb8;
	[tilespmem:$0x5F80] =	vst v63  }
0x74: {  	s29 =	sadd.s32 $0x100, s21  }
0x75: {  	[spmem:s2] =	stream.indirect.scatter.add.f32 [tilespmem:s16], [sflag:$0x1], $0x10, s29, s15, $0xb8;
	[tilespmem:$0x5F80] =	vst v63  }
0x76: {  	s30 =	sadd.s32 $0x180, s21  }
0x77: {  	[spmem:s2] =	stream.indirect.scatter.add.f32 [tilespmem:s16], [sflag:$0x1], $0x10, s30, s15, $0xb8;
	[tilespmem:$0x5F80] =	vst v63  }
0x78: {  	s31 =	sadd.s32 $0x200, s21  }
0x79: {  	[spmem:s2] =	stream.indirect.scatter.add.f32 [tilespmem:s16], [sflag:$0x1], $0x10, s31, s15, $0xb8;
	[tilespmem:$0x5F80] =	vst v63  }
0x7a: {  	s21 =	sadd.s32 $0x280, s21  }
0x7b: {  	[spmem:s2] =	stream.indirect.scatter.add.f32 [tilespmem:s16], [sflag:$0x1], $0x10, s21, s15, $0xb8;
	[tilespmem:$0x5F80] =	vst v63  }
0x7c: {  	_ =	swait.ge [sflag:s17], $0x800  }
0x7d: {  	[sflag:s17] =	ssyncset.done $0x0  }
0x7e: {  	[sflag:s17] =	ssyncadd.s32 $0xFFFFF800  }
0x7f: {  	_ =	swait.ge [sflag:s17], $0x800  }
0x80: {  	[sflag:s17] =	ssyncset.done $0x0  }
0x81: {  	[sflag:s17] =	ssyncadd.s32 $0xFFFFF800  }
0x82: {  	_ =	swait.ge [sflag:s17], $0x800  }
0x83: {  	[sflag:s17] =	ssyncset.done $0x0  }
0x84: {  	[sflag:s17] =	ssyncadd.s32 $0xFFFFF800  }
0x85: {  	_ =	swait.ge [sflag:s17], $0x800  }
0x86: {  	[sflag:s17] =	ssyncset.done $0x0  }
0x87: {  	[sflag:s17] =	ssyncadd.s32 $0xFFFFF800  }
0x88: {  	_ =	swait.ge [sflag:s17], $0x800  }
0x89: {  	[sflag:s17] =	ssyncset.done $0x0  }
0x8a: {  	[sflag:s17] =	ssyncadd.s32 $0xFFFFF800  }
0x8b: {  	_ =	swait.ge [sflag:s17], $0x800  }
0x8c: {  	s23 =	simm.s32 @!p0 $0x2780;
	[sflag:s17] =	ssyncset.done $0x0  }
0x8d: {  	s22 =	simm.s32 @!p0 $0x2700;
	s21 =	simm.s32 @!p0 $0x80;
	[sflag:s17] =	ssyncadd.s32 $0xFFFFF800  }
0x8e: {  	[spmem:s2] =	stream.indirect.scatter.add.f32 @!p0 [tilespmem:s23], [sflag:$0x2], $0x10, s22, s21, $0xb8;
	[tilespmem:$0x5F80] =	vst v63  }
0x8f: {  	s21 =	simm.s32 @!p0 $0x2  }
0x90: {  	_ =	swait.ge @!p0 [sflag:s21], $0x800  }
0x91: {  	s20 =	sadd.s32 $0x1, s20;
	[sflag:s21] =	ssyncset.done @!p0 $0x0  }
0x92: {  	p1 =	sne.s32 s20, s12;
	[sflag:s21] =	ssyncadd.s32 @!p0 $0xFFFFF800  }
.Ltmp2:
0x93: {  	[bflag:$0x0] =	sbarrier.arrive $0xFFFF;
	(pc) =	sbr.rel @p1 .LBB2_1-.Ltmp2, $4  }
0x94: {  	[hbm:s11], [sflag:s18] =	dma.local [spmem:s19], $0x500  }
0x95: {  	_ =	swait.ge [sflag:s13], $0x500  }
0x96: {  	[sflag:s13] =	ssyncset.done $0x0  }
0x97: {  	[sflag:s13] =	ssyncadd.s32 $0xFFFFFB00  }
0x98: {  	_ =	sfence.sel $0x180000  }
0x99: {  	[bflag:$0x0] =	sbarrier.arrive $0xFFFF  }
0x9a: {  	p0 =	sne.s32 s1, $0x0;
	_ =	strace $0x90000047  }
0x9b: {  	s0 =	sadd.s32 @!p0 $0x100000, s0;
	[bflag:$0x2] =	sbarrier.arrive $0xFFFF  }
0x9c: {  	[sflag:s0] =	ssyncadd.tile.s32 @!p0 $0x1;
	_ =	shalt  }
.Lfunc_end2:
_tile_overlayer_lowered:
.L_overlay_start_2:
0x9d: {  	(tag) =	ssettag $0x2  }
0x9e: {  	s0 =	rddreg [dreg:$0x0];
	s2 =	stileid.u32  }
0x9f: {  	s1 =	rddreg [dreg:$0x1];
	p0 =	sne.s32 s2, $0x0  }
0xa0: {  	s3 =	rddreg [dreg:$0x2];
	[bflag:$0x3] =	sbarrier.arrive $0xFFFF;
	s2 =	simm.s32 @!p0 $0x1C02  }
0xa1: {  	[timem:s3], [sflag:s2] =	dma.local @!p0 [hbm:s0], s1  }
0xa2: {  	s0 =	simm.s32 @!p0 $0x2  }
0xa3: {  	_ =	swait.ge @!p0 [sflag:s0], s1  }
0xa4: {  	s1 =	ssub.s32 @!p0 $0x0, s1;
	[sflag:s0] =	ssyncset.done @!p0 $0x0  }
0xa5: {  	[sflag:s0] =	ssyncadd.s32 @!p0 s1  }
0xa6: {  	[bflag:$0x3] =	sbarrier.arrive $0xFFFF  }
0xa7: {  	_ =	shalt  }

</sc_bundles>
